<compile_context>
chip_gen: v7x
topology: tpu7x:2x2x1
jax: 0.10.2.dev20260603
libtpu: 0.0.44.dev20260713+nightly
codegen_flags: <defaults>
</compile_context>

<pallas_src>
import functools

import jax
import jax.numpy as jnp
from jax import lax
from jax.experimental import pallas as pl
from jax.experimental.pallas import tpu as pltpu
from jax.experimental.pallas import tpu_sc as plsc

NC = 2
NS = 16
L = 16
K = 128

G = 1024


def _mesh():
    return plsc.VectorSubcoreMesh(
        core_axis_name="c", subcore_axis_name="s",
        num_cores=NC, num_subcores=NS)


_SC_PARAMS = pltpu.CompilerParams(use_tc_tiling_on_sc=False)


def _degree_pass(dst, np_rows):
    ep = dst.shape[0]
    per_t = ep // NS
    blocks = per_t // K
    half = np_rows // NC
    rows_per_tile = half // NS
    zb = rows_per_tile // K

    @functools.partial(
        pl.kernel,
        out_type=jax.ShapeDtypeStruct((np_rows, L), jnp.float32),
        mesh=_mesh(),
        scratch_types=[
            pltpu.VMEM((K,), jnp.int32),
            pltpu.VMEM((K,), jnp.int32),
            pltpu.VMEM((K, L), jnp.float32),
            pltpu.VMEM((K, L), jnp.float32),
            pltpu.VMEM_SHARED((half + 8, L), jnp.float32),
        ],
        compiler_params=_SC_PARAMS,
    )
    def body(dst_hbm, out_hbm, dst_v, dst2_v, ones_v, zero_v, acc_sh):
        cid = lax.axis_index("c")
        sid = lax.axis_index("s")
        base_row = sid * rows_per_tile
        node_base = cid * half

        @pl.loop(0, K)
        def _(i):
            ones_v[i] = jnp.ones((L,), jnp.float32)
            zero_v[i] = jnp.zeros((L,), jnp.float32)

        @pl.loop(0, zb)
        def _(j):
            pltpu.sync_copy(zero_v, acc_sh.at[pl.ds(base_row + j * K, K)])

        plsc.subcore_barrier()

        @pl.loop(0, blocks)
        def _(b):
            off = sid * per_t + b * K
            pltpu.sync_copy(dst_hbm.at[pl.ds(off, K)], dst_v)
            for j in range(K // L):
                d = dst_v[pl.ds(j * L, L)] - node_base
                ok = (d >= 0) & (d < half)
                dst2_v[pl.ds(j * L, L)] = jnp.where(ok, d, half)
            pltpu.sync_copy(ones_v, acc_sh.at[dst2_v], add=True)

        plsc.subcore_barrier()

        pltpu.sync_copy(acc_sh.at[pl.ds(base_row, rows_per_tile)],
                        out_hbm.at[pl.ds(node_base + base_row, rows_per_tile)])

    return body(dst)


def _agg_pass(src, dst, table, np_rows, nchunks):
    ep = src.shape[0]
    per_t = ep // NS
    blocks = per_t // K
    half = np_rows // NC
    rows_per_tile = half // NS
    zb = rows_per_tile // K

    @functools.partial(
        pl.kernel,
        out_type=jax.ShapeDtypeStruct((nchunks, np_rows, L), jnp.float32),
        mesh=_mesh(),
        scratch_types=[
            pltpu.VMEM((K,), jnp.int32),
            pltpu.VMEM((K,), jnp.int32),
            pltpu.VMEM((K,), jnp.int32),
            pltpu.VMEM((K, L), jnp.float32),
            pltpu.VMEM((K, L), jnp.float32),
            pltpu.VMEM_SHARED((half + 8, L), jnp.float32),
        ],
        compiler_params=_SC_PARAMS,
    )
    def body(src_hbm, dst_hbm, tab_hbm, out_hbm,
             src_v, idx_v, dst2_v, rows_v, zero_v, acc_sh):
        cid = lax.axis_index("c")
        sid = lax.axis_index("s")
        base_row = sid * rows_per_tile
        node_base = cid * half

        @pl.loop(0, K)
        def _(i):
            zero_v[i] = jnp.zeros((L,), jnp.float32)

        for c in range(nchunks):
            @pl.loop(0, zb)
            def _(j):
                pltpu.sync_copy(zero_v, acc_sh.at[pl.ds(base_row + j * K, K)])

            plsc.subcore_barrier()

            @pl.loop(0, blocks)
            def _(b):
                off = sid * per_t + b * K
                pltpu.sync_copy(src_hbm.at[pl.ds(off, K)], src_v)
                pltpu.sync_copy(dst_hbm.at[pl.ds(off, K)], dst2_v)
                for j in range(K // L):
                    sl = pl.ds(j * L, L)
                    if nchunks > 1:
                        idx_v[sl] = src_v[sl] * nchunks + c
                    else:
                        idx_v[sl] = src_v[sl]
                    d = dst2_v[sl] - node_base
                    ok = (d >= 0) & (d < half)
                    dst2_v[sl] = jnp.where(ok, d, half)
                pltpu.sync_copy(tab_hbm.at[idx_v], rows_v)
                pltpu.sync_copy(rows_v, acc_sh.at[dst2_v], add=True)

            plsc.subcore_barrier()

            pltpu.sync_copy(
                acc_sh.at[pl.ds(base_row, rows_per_tile)],
                out_hbm.at[c, pl.ds(node_base + base_row, rows_per_tile)])

            plsc.subcore_barrier()

    return body(src, dst, table)


def _dinv_xs(indeg, x16, np_rows):
    r8 = np_rows * L // 128
    rb = r8 // 8

    def body(deg_ref, x_ref, dinv_ref, xs_ref):
        dinv = lax.rsqrt(1.0 + deg_ref[...])
        dinv_ref[...] = dinv
        xs_ref[...] = dinv * x_ref[...]

    dinv, xs = pl.pallas_call(
        body,
        grid=(8,),
        in_specs=[pl.BlockSpec((rb, 128), lambda i: (i, 0)),
                  pl.BlockSpec((rb, 128), lambda i: (i, 0))],
        out_specs=[pl.BlockSpec((rb, 128), lambda i: (i, 0)),
                   pl.BlockSpec((rb, 128), lambda i: (i, 0))],
        out_shape=[jax.ShapeDtypeStruct((r8, 128), jnp.float32),
                   jax.ShapeDtypeStruct((r8, 128), jnp.float32)],
    )(indeg.reshape(r8, 128), x16.reshape(r8, 128))
    return dinv.reshape(np_rows, L), xs.reshape(np_rows, L)


_R = 1024


def _layer1(u0, xs, dinv, W1p, b1, np_rows):
    nb = np_rows // _R

    def body(u0_ref, xs_ref, dinv_ref, w_ref, b_ref, out_ref):
        dinv = dinv_ref[...]
        agg0 = dinv * (u0_ref[...] + xs_ref[...])
        h1 = jnp.maximum(jnp.dot(agg0, w_ref[...],
                                 preferred_element_type=jnp.float32,
                                 precision=lax.Precision.HIGHEST)
                         + b_ref[...], 0.0)
        out_ref[...] = dinv[:, :1] * h1

    return pl.pallas_call(
        body,
        grid=(nb,),
        in_specs=[pl.BlockSpec((_R, L), lambda i: (i, 0)),
                  pl.BlockSpec((_R, L), lambda i: (i, 0)),
                  pl.BlockSpec((_R, L), lambda i: (i, 0)),
                  pl.BlockSpec((L, 64), lambda i: (0, 0)),
                  pl.BlockSpec((1, 64), lambda i: (0, 0))],
        out_specs=pl.BlockSpec((_R, 64), lambda i: (i, 0)),
        out_shape=jax.ShapeDtypeStruct((np_rows, 64), jnp.float32),
    )(u0, xs, dinv, W1p, b1.reshape(1, 64))


def _layer2_pool_mlp(u1, h1s, dinv, batch3, W2, b2,
                     fc1_W, fc1_b, fc2_W, fc2_b, np_rows):
    nb = np_rows // _R

    def body(u1_ref, h1s_ref, dinv_ref, bt_ref, w2_ref, b2_ref,
             f1w_ref, f1b_ref, f2w_ref, f2b_ref, out_ref, sums, counts):
        i = pl.program_id(0)

        @pl.when(i == 0)
        def _():
            sums[...] = jnp.zeros_like(sums)
            counts[...] = jnp.zeros_like(counts)

        dinv1 = dinv_ref[...][:, :1]
        u1 = jnp.concatenate([u1_ref[c] for c in range(4)], axis=1)
        agg1 = dinv1 * (u1 + h1s_ref[...])
        z = jnp.maximum(jnp.dot(agg1, w2_ref[...],
                                preferred_element_type=jnp.float32,
                                 precision=lax.Precision.HIGHEST)
                        + b2_ref[...], 0.0)
        bt = bt_ref[0]
        oh = (lax.broadcasted_iota(jnp.int32, (G, _R), 0) == bt
              ).astype(jnp.float32)
        sums[...] += jnp.dot(oh, z, preferred_element_type=jnp.float32,
                                 precision=lax.Precision.HIGHEST)
        counts[...] += jnp.sum(oh, axis=1, keepdims=True)

        @pl.when(i == pl.num_programs(0) - 1)
        def _():
            gm = sums[...] / jnp.maximum(counts[...], 1.0)
            gg = jnp.maximum(jnp.dot(gm, f1w_ref[...],
                                     preferred_element_type=jnp.float32,
                                 precision=lax.Precision.HIGHEST)
                             + f1b_ref[...], 0.0)
            out_ref[...] = jnp.dot(gg, f2w_ref[...],
                                   preferred_element_type=jnp.float32,
                                   precision=lax.Precision.HIGHEST) + f2b_ref[...]

    return pl.pallas_call(
        body,
        grid=(nb,),
        in_specs=[pl.BlockSpec((4, _R, L), lambda i: (0, i, 0)),
                  pl.BlockSpec((_R, 64), lambda i: (i, 0)),
                  pl.BlockSpec((_R, L), lambda i: (i, 0)),
                  pl.BlockSpec((1, 1, _R), lambda i: (i, 0, 0)),
                  pl.BlockSpec((64, 128), lambda i: (0, 0)),
                  pl.BlockSpec((1, 128), lambda i: (0, 0)),
                  pl.BlockSpec((128, 64), lambda i: (0, 0)),
                  pl.BlockSpec((1, 64), lambda i: (0, 0)),
                  pl.BlockSpec((64, 1), lambda i: (0, 0)),
                  pl.BlockSpec((1, 1), lambda i: (0, 0))],
        out_specs=pl.BlockSpec((G, 1), lambda i: (0, 0)),
        out_shape=jax.ShapeDtypeStruct((G, 1), jnp.float32),
        scratch_shapes=[pltpu.VMEM((G, 128), jnp.float32),
                        pltpu.VMEM((G, 1), jnp.float32)],
    )(u1, h1s, dinv, batch3, W2, b2.reshape(1, 128),
      fc1_W, fc1_b.reshape(1, 64), fc2_W, fc2_b.reshape(1, 1))


def kernel(x, edge_index, batch, W1, b1, W2, b2, fc1_W, fc1_b, fc2_W, fc2_b):
    n = x.shape[0]
    e = edge_index.shape[1]
    np_rows = ((n + 4095) // 4096) * 4096
    ep = ((e + NS * K - 1) // (NS * K)) * (NS * K)

    pad_idx = jnp.full((ep - e,), np_rows - 1, jnp.int32)
    src = jnp.concatenate([edge_index[0], pad_idx])
    dst = jnp.concatenate([edge_index[1], pad_idx])
    x16 = jnp.pad(x, ((0, np_rows - n), (0, L - x.shape[1])))
    batch3 = jnp.pad(batch, (0, np_rows - n), constant_values=G
                     ).reshape(np_rows // _R, 1, _R)
    W1p = jnp.pad(W1, ((0, L - W1.shape[0]), (0, 0)))

    indeg = _degree_pass(dst, np_rows)
    dinv, xs = _dinv_xs(indeg, x16, np_rows)

    u0 = _agg_pass(src, dst, xs, np_rows, 1)[0]
    h1s = _layer1(u0, xs, dinv, W1p, b1, np_rows)

    u1 = _agg_pass(src, dst, h1s.reshape(4 * np_rows, L), np_rows, 4)
    return _layer2_pool_mlp(u1, h1s, dinv, batch3, W2, b2,
                            fc1_W, fc1_b, fc2_W, fc2_b, np_rows)

# --- scband reference (transcript-rebuilt; emitter-appended) ---
"""Pipeline reference for scband-toxicity-regressor-82978768159609 (READ-ONLY COPY).

The authoritative reference and input builder live on the scoring server;
editing this copy changes nothing except your own understanding.
"""

import jax, jax.numpy as jnp
import numpy as np

N = 100000
E = 1600000
G = 1024

def setup_inputs(seed: int = 0) -> dict:
    key = jax.random.key(seed)
    ks = jax.random.split(key, 12)
    x = jax.random.normal(ks[0], (N, 4), dtype=jnp.float32)
    edge_index = jax.random.randint(ks[1], (2, E), 0, N, dtype=jnp.int32)
    batch = jnp.sort(jax.random.randint(ks[2], (N,), 0, G, dtype=jnp.int32))
    W1 = jax.random.normal(ks[3], (4, 64), dtype=jnp.float32) * 0.5
    b1 = jnp.zeros((64,), dtype=jnp.float32)
    W2 = jax.random.normal(ks[4], (64, 128), dtype=jnp.float32) * 0.125
    b2 = jnp.zeros((128,), dtype=jnp.float32)
    fc1_W = jax.random.normal(ks[5], (128, 64), dtype=jnp.float32) * 0.088
    fc1_b = jnp.zeros((64,), dtype=jnp.float32)
    fc2_W = jax.random.normal(ks[6], (64, 1), dtype=jnp.float32) * 0.125
    fc2_b = jnp.zeros((1,), dtype=jnp.float32)
    return {"x": x, "edge_index": edge_index, "batch": batch,
            "W1": W1, "b1": b1, "W2": W2, "b2": b2,
            "fc1_W": fc1_W, "fc1_b": fc1_b, "fc2_W": fc2_W, "fc2_b": fc2_b}

def _gcn_conv(x, edge_index, W, b):
    # PyG GCNConv: add self loops, symmetric normalization D^-1/2 A D^-1/2
    loop = jnp.arange(N, dtype=edge_index.dtype)
    src = jnp.concatenate([edge_index[0], loop])
    dst = jnp.concatenate([edge_index[1], loop])
    ones = jnp.ones(src.shape[0], dtype=x.dtype)
    deg = jax.ops.segment_sum(ones, dst, num_segments=N)
    dinv = jnp.where(deg > 0, 1.0 / jnp.sqrt(deg), 0.0)
    norm = dinv[src] * dinv[dst]
    h = x @ W
    msg = h[src] * norm[:, None]
    out = jax.ops.segment_sum(msg, dst, num_segments=N)
    return out + b

def _global_mean_pool(x, batch):
    sums = jax.ops.segment_sum(x, batch, num_segments=G)
    counts = jax.ops.segment_sum(jnp.ones((x.shape[0],), dtype=x.dtype), batch, num_segments=G)
    counts = jnp.maximum(counts, 1.0)
    return sums / counts[:, None]

def reference(x, edge_index, batch, W1, b1, W2, b2, fc1_W, fc1_b, fc2_W, fc2_b):
    h = jax.nn.relu(_gcn_conv(x, edge_index, W1, b1))
    h = jax.nn.relu(_gcn_conv(h, edge_index, W2, b2))
    g = _global_mean_pool(h, batch)
    g = jax.nn.relu(g @ fc1_W + fc1_b)
    out = g @ fc2_W + fc2_b
    return out

if __name__ == "__main__":
    import jax
    _d = setup_inputs()
    print(jax.jit(kernel)(*tuple(_d.values())))

</pallas_src>

<mosaic_0001>
#map = affine_map<(d0, d1) -> (0)>
#map1 = affine_map<(d0, d1) -> (0, 0)>
#map2 = affine_map<(d0, d1) -> (0, 0, 0)>
module attributes {stable_mosaic.version = 14 : i64} {
  func.func @body(%arg0: i32, %arg1: i32, %arg2: memref<1601536xi32, #tpu.memory_space<hbm>>, %arg3: memref<1601536xi32, #tpu.memory_space<hbm>>, %arg4: memref<102400x16xf32, #tpu.memory_space<hbm>>, %arg5: memref<1x102400x16xf32, #tpu.memory_space<hbm>>, %arg6: memref<128xi32, #tpu.memory_space<vmem>>, %arg7: memref<128xi32, #tpu.memory_space<vmem>>, %arg8: memref<128xi32, #tpu.memory_space<vmem>>, %arg9: memref<128x16xf32, #tpu.memory_space<vmem>>, %arg10: memref<128x16xf32, #tpu.memory_space<vmem>>, %arg11: memref<51208x16xf32, #tpu.memory_space<vmem_shared>>) attributes {dimension_semantics = [#tpu.dimension_semantics<core_parallel>, #tpu.dimension_semantics<subcore_parallel>], iteration_bounds = array<i64: 2, 16>, scalar_prefetch = 0 : i64, scratch_operands = 6 : i64, tpu.core_type = #tpu.core_type<sc_vector_subcore>, window_params = [{transform_indices = #map}, {transform_indices = #map}, {transform_indices = #map1}, {transform_indices = #map2}]} {
    %mul3A = arith.constant 3200 : i32
    %mul3A_0 = arith.muli %arg1, %mul3A : i32
    %mul3A_1 = arith.constant 51200 : i32
    %mul3A_2 = arith.muli %arg0, %mul3A_1 : i32
    %scan3A = arith.constant 0 : i32
    %scan3A_3 = arith.constant 128 : i32
    %scan3A_4 = arith.addi %scan3A, %scan3A_3 : i32
    %scan3A_5 = arith.constant 1 : i32
    scf.for %scan3A_19 = %scan3A to %scan3A_4 step %scan3A_5  : i32 {
      %mul3A_20 = arith.constant 1 : i32
      %mul3A_21 = arith.muli %scan3A_19, %mul3A_20 : i32
      %add3A_22 = arith.constant 0 : i32
      %add3A_23 = arith.addi %add3A_22, %mul3A_21 : i32
      %broadcast_in_dim3A = arith.constant 0.000000e+00 : f32
      %broadcast_in_dim3A_24 = vector.broadcast %broadcast_in_dim3A : f32 to vector<16xf32>
      %swap3A = arith.index_cast %add3A_23 : i32 to index
      %swap3A_25 = arith.constant 0 : index
      %swap3A_26 = tpu.vector_load %arg10[%swap3A, %swap3A_25] {strides = array<i32>} : memref<128x16xf32, #tpu.memory_space<vmem>>, vector<1x16xf32>,
      %swap3A_27 = vector.shape_cast %swap3A_26 : vector<1x16xf32> to vector<16xf32>
      %swap3A_28 = vector.shape_cast %broadcast_in_dim3A_24 : vector<16xf32> to vector<1x16xf32>
      tpu.vector_store %arg10[%swap3A, %swap3A_25], %swap3A_28 {strides = array<i32>} : memref<128x16xf32, #tpu.memory_space<vmem>>, vector<1x16xf32>,
    }
    %scan3A_6 = arith.constant 128 : i32
    %scan3A_7 = arith.constant 0 : i32
    %scan3A_8 = arith.constant 25 : i32
    %scan3A_9 = arith.addi %scan3A_7, %scan3A_8 : i32
    %scan3A_10 = arith.constant 1 : i32
    scf.for %scan3A_19 = %scan3A_7 to %scan3A_9 step %scan3A_10  : i32 {
      %mul3A_20 = arith.constant 1 : i32
      %mul3A_21 = arith.muli %scan3A_19, %mul3A_20 : i32
      %add3A_22 = arith.constant 0 : i32
      %add3A_23 = arith.addi %add3A_22, %mul3A_21 : i32
      %mul3A_24 = arith.constant 128 : i32
      %mul3A_25 = arith.muli %add3A_23, %mul3A_24 : i32
      %add3A_26 = arith.addi %mul3A_0, %mul3A_25 : i32
      "tpu.region"() ({
        %run_scoped3A_27 = tpu.sem_alloc : memref<!tpu.dma_semaphore, #tpu.memory_space<semaphore_mem>>
        %dma_start3A = arith.constant 0 : i32
        %dma_start3A_28 = tpu.memref_slice %arg11[%add3A_26, %dma_start3A] : memref<51208x16xf32, #tpu.memory_space<vmem_shared>> -> memref<128x16xf32, #tpu.memory_space<vmem_shared>>
        %dma_start3A_29 = arith.constant 0 : i32
        %dma_start3A_30 = tpu.memref_slice %arg11[%add3A_26, %dma_start3A_29] : memref<51208x16xf32, #tpu.memory_space<vmem_shared>> -> memref<128x16xf32, #tpu.memory_space<vmem_shared>>
        tpu.enqueue_dma source(%arg10 : memref<128x16xf32, #tpu.memory_space<vmem>>) target(%dma_start3A_30 : memref<128x16xf32, #tpu.memory_space<vmem_shared>>) target_semaphore(%run_scoped3A_27 : memref<!tpu.dma_semaphore, #tpu.memory_space<semaphore_mem>>)
        %dma_wait3A = arith.constant 0 : i32
        %dma_wait3A_31 = tpu.memref_slice %arg11[%add3A_26, %dma_wait3A] : memref<51208x16xf32, #tpu.memory_space<vmem_shared>> -> memref<128x16xf32, #tpu.memory_space<vmem_shared>>
        %dma_wait3A_32 = arith.constant 0 : i32
        %dma_wait3A_33 = tpu.memref_slice %arg11[%add3A_26, %dma_wait3A_32] : memref<51208x16xf32, #tpu.memory_space<vmem_shared>> -> memref<128x16xf32, #tpu.memory_space<vmem_shared>>
        tpu.wait_dma2 semaphore(%run_scoped3A_27 : memref<!tpu.dma_semaphore, #tpu.memory_space<semaphore_mem>>) src(%arg10 : memref<128x16xf32, #tpu.memory_space<vmem>>) dst(%dma_wait3A_33 : memref<128x16xf32, #tpu.memory_space<vmem_shared>>)
        tpu.yield
      }) : () -> ()
    }
    %scan3A_11 = arith.constant 25 : i32
    %barrier3A = arith.constant 0 : index
    tpu.barrier barrier_id(%barrier3A)
    %scan3A_12 = arith.constant 0 : i32
    %scan3A_13 = arith.constant 782 : i32
    %scan3A_14 = arith.addi %scan3A_12, %scan3A_13 : i32
    %scan3A_15 = arith.constant 1 : i32
    scf.for %scan3A_19 = %scan3A_12 to %scan3A_14 step %scan3A_15  : i32 {
      %mul3A_20 = arith.constant 1 : i32
      %mul3A_21 = arith.muli %scan3A_19, %mul3A_20 : i32
      %add3A_22 = arith.constant 0 : i32
      %add3A_23 = arith.addi %add3A_22, %mul3A_21 : i32
      %mul3A_24 = arith.constant 100096 : i32
      %mul3A_25 = arith.muli %arg1, %mul3A_24 : i32
      %mul3A_26 = arith.constant 128 : i32
      %mul3A_27 = arith.muli %add3A_23, %mul3A_26 : i32
      %add3A_28 = arith.addi %mul3A_25, %mul3A_27 : i32
      "tpu.region"() ({
        %run_scoped3A_228 = tpu.sem_alloc : memref<!tpu.dma_semaphore, #tpu.memory_space<semaphore_mem>>
        %dma_start3A = tpu.memref_slice %arg2[%add3A_28] : memref<1601536xi32, #tpu.memory_space<hbm>> -> memref<128xi32, #tpu.memory_space<hbm>>
        %dma_start3A_229 = tpu.memref_slice %arg2[%add3A_28] : memref<1601536xi32, #tpu.memory_space<hbm>> -> memref<128xi32, #tpu.memory_space<hbm>>
        tpu.enqueue_dma source(%dma_start3A_229 : memref<128xi32, #tpu.memory_space<hbm>>) target(%arg6 : memref<128xi32, #tpu.memory_space<vmem>>) target_semaphore(%run_scoped3A_228 : memref<!tpu.dma_semaphore, #tpu.memory_space<semaphore_mem>>)
        %dma_wait3A = tpu.memref_slice %arg2[%add3A_28] : memref<1601536xi32, #tpu.memory_space<hbm>> -> memref<128xi32, #tpu.memory_space<hbm>>
        %dma_wait3A_230 = tpu.memref_slice %arg2[%add3A_28] : memref<1601536xi32, #tpu.memory_space<hbm>> -> memref<128xi32, #tpu.memory_space<hbm>>
        tpu.wait_dma2 semaphore(%run_scoped3A_228 : memref<!tpu.dma_semaphore, #tpu.memory_space<semaphore_mem>>) src(%dma_wait3A_230 : memref<128xi32, #tpu.memory_space<hbm>>) dst(%arg6 : memref<128xi32, #tpu.memory_space<vmem>>)
        tpu.yield
      }) : () -> ()
      "tpu.region"() ({
        %run_scoped3A_228 = tpu.sem_alloc : memref<!tpu.dma_semaphore, #tpu.memory_space<semaphore_mem>>
        %dma_start3A = tpu.memref_slice %arg3[%add3A_28] : memref<1601536xi32, #tpu.memory_space<hbm>> -> memref<128xi32, #tpu.memory_space<hbm>>
        %dma_start3A_229 = tpu.memref_slice %arg3[%add3A_28] : memref<1601536xi32, #tpu.memory_space<hbm>> -> memref<128xi32, #tpu.memory_space<hbm>>
        tpu.enqueue_dma source(%dma_start3A_229 : memref<128xi32, #tpu.memory_space<hbm>>) target(%arg8 : memref<128xi32, #tpu.memory_space<vmem>>) target_semaphore(%run_scoped3A_228 : memref<!tpu.dma_semaphore, #tpu.memory_space<semaphore_mem>>)
        %dma_wait3A = tpu.memref_slice %arg3[%add3A_28] : memref<1601536xi32, #tpu.memory_space<hbm>> -> memref<128xi32, #tpu.memory_space<hbm>>
        %dma_wait3A_230 = tpu.memref_slice %arg3[%add3A_28] : memref<1601536xi32, #tpu.memory_space<hbm>> -> memref<128xi32, #tpu.memory_space<hbm>>
        tpu.wait_dma2 semaphore(%run_scoped3A_228 : memref<!tpu.dma_semaphore, #tpu.memory_space<semaphore_mem>>) src(%dma_wait3A_230 : memref<128xi32, #tpu.memory_space<hbm>>) dst(%arg8 : memref<128xi32, #tpu.memory_space<vmem>>)
        tpu.yield
      }) : () -> ()
      %get3A = arith.constant 0 : index
      %get3A_29 = tpu.vector_load %arg6[%get3A] {strides = array<i32>} : memref<128xi32, #tpu.memory_space<vmem>>, vector<16xi32>,
      %get3A_30 = vector.shape_cast %get3A_29 : vector<16xi32> to vector<16xi32>
      %swap3A = arith.constant 0 : index
      %swap3A_31 = tpu.vector_load %arg7[%swap3A] {strides = array<i32>} : memref<128xi32, #tpu.memory_space<vmem>>, vector<16xi32>,
      %swap3A_32 = vector.shape_cast %swap3A_31 : vector<16xi32> to vector<16xi32>
      %swap3A_33 = vector.shape_cast %get3A_30 : vector<16xi32> to vector<16xi32>
      tpu.vector_store %arg7[%swap3A], %swap3A_33 {strides = array<i32>} : memref<128xi32, #tpu.memory_space<vmem>>, vector<16xi32>,
      %get3A_34 = arith.constant 0 : index
      %get3A_35 = tpu.vector_load %arg8[%get3A_34] {strides = array<i32>} : memref<128xi32, #tpu.memory_space<vmem>>, vector<16xi32>,
      %get3A_36 = vector.shape_cast %get3A_35 : vector<16xi32> to vector<16xi32>
      %sub3A = vector.broadcast %mul3A_2 : i32 to vector<16xi32>
      %sub3A_37 = arith.subi %get3A_36, %sub3A : vector<16xi32>
      %ge3A = arith.constant 0 : i32
      %ge3A_38 = vector.broadcast %ge3A : i32 to vector<16xi32>
      %ge3A_39 = arith.cmpi sge, %sub3A_37, %ge3A_38 : vector<16xi32>
      %lt3A = arith.constant 51200 : i32
      %lt3A_40 = vector.broadcast %lt3A : i32 to vector<16xi32>
      %lt3A_41 = arith.cmpi slt, %sub3A_37, %lt3A_40 : vector<16xi32>
      %and3A = arith.andi %ge3A_39, %lt3A_41 : vector<16xi1>
      %jit3A = arith.constant 51200 : i32
      %broadcast_in_dim3A = vector.broadcast %jit3A : i32 to vector<16xi32>
      %select_n3A = arith.select %and3A, %sub3A_37, %broadcast_in_dim3A : vector<16xi1>, vector<16xi32>
      %swap3A_42 = arith.constant 0 : index
      %swap3A_43 = tpu.vector_load %arg8[%swap3A_42] {strides = array<i32>} : memref<128xi32, #tpu.memory_space<vmem>>, vector<16xi32>,
      %swap3A_44 = vector.shape_cast %swap3A_43 : vector<16xi32> to vector<16xi32>
      %swap3A_45 = vector.shape_cast %select_n3A : vector<16xi32> to vector<16xi32>
      tpu.vector_store %arg8[%swap3A_42], %swap3A_45 {strides = array<i32>} : memref<128xi32, #tpu.memory_space<vmem>>, vector<16xi32>,
      %get3A_46 = arith.constant 16 : index
      %get3A_47 = tpu.vector_load %arg6[%get3A_46] {strides = array<i32>} : memref<128xi32, #tpu.memory_space<vmem>>, vector<16xi32>,
      %get3A_48 = vector.shape_cast %get3A_47 : vector<16xi32> to vector<16xi32>
      %swap3A_49 = arith.constant 16 : index
      %swap3A_50 = tpu.vector_load %arg7[%swap3A_49] {strides = array<i32>} : memref<128xi32, #tpu.memory_space<vmem>>, vector<16xi32>,
      %swap3A_51 = vector.shape_cast %swap3A_50 : vector<16xi32> to vector<16xi32>
      %swap3A_52 = vector.shape_cast %get3A_48 : vector<16xi32> to vector<16xi32>
      tpu.vector_store %arg7[%swap3A_49], %swap3A_52 {strides = array<i32>} : memref<128xi32, #tpu.memory_space<vmem>>, vector<16xi32>,
      %get3A_53 = arith.constant 16 : index
      %get3A_54 = tpu.vector_load %arg8[%get3A_53] {strides = array<i32>} : memref<128xi32, #tpu.memory_space<vmem>>, vector<16xi32>,
      %get3A_55 = vector.shape_cast %get3A_54 : vector<16xi32> to vector<16xi32>
      %sub3A_56 = vector.broadcast %mul3A_2 : i32 to vector<16xi32>
      %sub3A_57 = arith.subi %get3A_55, %sub3A_56 : vector<16xi32>
      %ge3A_58 = arith.constant 0 : i32
      %ge3A_59 = vector.broadcast %ge3A_58 : i32 to vector<16xi32>
      %ge3A_60 = arith.cmpi sge, %sub3A_57, %ge3A_59 : vector<16xi32>
      %lt3A_61 = arith.constant 51200 : i32
      %lt3A_62 = vector.broadcast %lt3A_61 : i32 to vector<16xi32>
      %lt3A_63 = arith.cmpi slt, %sub3A_57, %lt3A_62 : vector<16xi32>
      %and3A_64 = arith.andi %ge3A_60, %lt3A_63 : vector<16xi1>
      %jit3A_65 = arith.constant 51200 : i32
      %broadcast_in_dim3A_66 = vector.broadcast %jit3A_65 : i32 to vector<16xi32>
      %select_n3A_67 = arith.select %and3A_64, %sub3A_57, %broadcast_in_dim3A_66 : vector<16xi1>, vector<16xi32>
      %swap3A_68 = arith.constant 16 : index
      %swap3A_69 = tpu.vector_load %arg8[%swap3A_68] {strides = array<i32>} : memref<128xi32, #tpu.memory_space<vmem>>, vector<16xi32>,
      %swap3A_70 = vector.shape_cast %swap3A_69 : vector<16xi32> to vector<16xi32>
      %swap3A_71 = vector.shape_cast %select_n3A_67 : vector<16xi32> to vector<16xi32>
      tpu.vector_store %arg8[%swap3A_68], %swap3A_71 {strides = array<i32>} : memref<128xi32, #tpu.memory_space<vmem>>, vector<16xi32>,
      %get3A_72 = arith.constant 32 : index
      %get3A_73 = tpu.vector_load %arg6[%get3A_72] {strides = array<i32>} : memref<128xi32, #tpu.memory_space<vmem>>, vector<16xi32>,
      %get3A_74 = vector.shape_cast %get3A_73 : vector<16xi32> to vector<16xi32>
      %swap3A_75 = arith.constant 32 : index
      %swap3A_76 = tpu.vector_load %arg7[%swap3A_75] {strides = array<i32>} : memref<128xi32, #tpu.memory_space<vmem>>, vector<16xi32>,
      %swap3A_77 = vector.shape_cast %swap3A_76 : vector<16xi32> to vector<16xi32>
      %swap3A_78 = vector.shape_cast %get3A_74 : vector<16xi32> to vector<16xi32>
      tpu.vector_store %arg7[%swap3A_75], %swap3A_78 {strides = array<i32>} : memref<128xi32, #tpu.memory_space<vmem>>, vector<16xi32>,
      %get3A_79 = arith.constant 32 : index
      %get3A_80 = tpu.vector_load %arg8[%get3A_79] {strides = array<i32>} : memref<128xi32, #tpu.memory_space<vmem>>, vector<16xi32>,
      %get3A_81 = vector.shape_cast %get3A_80 : vector<16xi32> to vector<16xi32>
      %sub3A_82 = vector.broadcast %mul3A_2 : i32 to vector<16xi32>
      %sub3A_83 = arith.subi %get3A_81, %sub3A_82 : vector<16xi32>
      %ge3A_84 = arith.constant 0 : i32
      %ge3A_85 = vector.broadcast %ge3A_84 : i32 to vector<16xi32>
      %ge3A_86 = arith.cmpi sge, %sub3A_83, %ge3A_85 : vector<16xi32>
      %lt3A_87 = arith.constant 51200 : i32
      %lt3A_88 = vector.broadcast %lt3A_87 : i32 to vector<16xi32>
      %lt3A_89 = arith.cmpi slt, %sub3A_83, %lt3A_88 : vector<16xi32>
      %and3A_90 = arith.andi %ge3A_86, %lt3A_89 : vector<16xi1>
      %jit3A_91 = arith.constant 51200 : i32
      %broadcast_in_dim3A_92 = vector.broadcast %jit3A_91 : i32 to vector<16xi32>
      %select_n3A_93 = arith.select %and3A_90, %sub3A_83, %broadcast_in_dim3A_92 : vector<16xi1>, vector<16xi32>
      %swap3A_94 = arith.constant 32 : index
      %swap3A_95 = tpu.vector_load %arg8[%swap3A_94] {strides = array<i32>} : memref<128xi32, #tpu.memory_space<vmem>>, vector<16xi32>,
      %swap3A_96 = vector.shape_cast %swap3A_95 : vector<16xi32> to vector<16xi32>
      %swap3A_97 = vector.shape_cast %select_n3A_93 : vector<16xi32> to vector<16xi32>
      tpu.vector_store %arg8[%swap3A_94], %swap3A_97 {strides = array<i32>} : memref<128xi32, #tpu.memory_space<vmem>>, vector<16xi32>,
      %get3A_98 = arith.constant 48 : index
      %get3A_99 = tpu.vector_load %arg6[%get3A_98] {strides = array<i32>} : memref<128xi32, #tpu.memory_space<vmem>>, vector<16xi32>,
      %get3A_100 = vector.shape_cast %get3A_99 : vector<16xi32> to vector<16xi32>
      %swap3A_101 = arith.constant 48 : index
      %swap3A_102 = tpu.vector_load %arg7[%swap3A_101] {strides = array<i32>} : memref<128xi32, #tpu.memory_space<vmem>>, vector<16xi32>,
      %swap3A_103 = vector.shape_cast %swap3A_102 : vector<16xi32> to vector<16xi32>
      %swap3A_104 = vector.shape_cast %get3A_100 : vector<16xi32> to vector<16xi32>
      tpu.vector_store %arg7[%swap3A_101], %swap3A_104 {strides = array<i32>} : memref<128xi32, #tpu.memory_space<vmem>>, vector<16xi32>,
      %get3A_105 = arith.constant 48 : index
      %get3A_106 = tpu.vector_load %arg8[%get3A_105] {strides = array<i32>} : memref<128xi32, #tpu.memory_space<vmem>>, vector<16xi32>,
      %get3A_107 = vector.shape_cast %get3A_106 : vector<16xi32> to vector<16xi32>
      %sub3A_108 = vector.broadcast %mul3A_2 : i32 to vector<16xi32>
      %sub3A_109 = arith.subi %get3A_107, %sub3A_108 : vector<16xi32>
      %ge3A_110 = arith.constant 0 : i32
      %ge3A_111 = vector.broadcast %ge3A_110 : i32 to vector<16xi32>
      %ge3A_112 = arith.cmpi sge, %sub3A_109, %ge3A_111 : vector<16xi32>
      %lt3A_113 = arith.constant 51200 : i32
      %lt3A_114 = vector.broadcast %lt3A_113 : i32 to vector<16xi32>
      %lt3A_115 = arith.cmpi slt, %sub3A_109, %lt3A_114 : vector<16xi32>
      %and3A_116 = arith.andi %ge3A_112, %lt3A_115 : vector<16xi1>
      %jit3A_117 = arith.constant 51200 : i32
      %broadcast_in_dim3A_118 = vector.broadcast %jit3A_117 : i32 to vector<16xi32>
      %select_n3A_119 = arith.select %and3A_116, %sub3A_109, %broadcast_in_dim3A_118 : vector<16xi1>, vector<16xi32>
      %swap3A_120 = arith.constant 48 : index
      %swap3A_121 = tpu.vector_load %arg8[%swap3A_120] {strides = array<i32>} : memref<128xi32, #tpu.memory_space<vmem>>, vector<16xi32>,
      %swap3A_122 = vector.shape_cast %swap3A_121 : vector<16xi32> to vector<16xi32>
      %swap3A_123 = vector.shape_cast %select_n3A_119 : vector<16xi32> to vector<16xi32>
      tpu.vector_store %arg8[%swap3A_120], %swap3A_123 {strides = array<i32>} : memref<128xi32, #tpu.memory_space<vmem>>, vector<16xi32>,
      %get3A_124 = arith.constant 64 : index
      %get3A_125 = tpu.vector_load %arg6[%get3A_124] {strides = array<i32>} : memref<128xi32, #tpu.memory_space<vmem>>, vector<16xi32>,
      %get3A_126 = vector.shape_cast %get3A_125 : vector<16xi32> to vector<16xi32>
      %swap3A_127 = arith.constant 64 : index
      %swap3A_128 = tpu.vector_load %arg7[%swap3A_127] {strides = array<i32>} : memref<128xi32, #tpu.memory_space<vmem>>, vector<16xi32>,
      %swap3A_129 = vector.shape_cast %swap3A_128 : vector<16xi32> to vector<16xi32>
      %swap3A_130 = vector.shape_cast %get3A_126 : vector<16xi32> to vector<16xi32>
      tpu.vector_store %arg7[%swap3A_127], %swap3A_130 {strides = array<i32>} : memref<128xi32, #tpu.memory_space<vmem>>, vector<16xi32>,
      %get3A_131 = arith.constant 64 : index
      %get3A_132 = tpu.vector_load %arg8[%get3A_131] {strides = array<i32>} : memref<128xi32, #tpu.memory_space<vmem>>, vector<16xi32>,
      %get3A_133 = vector.shape_cast %get3A_132 : vector<16xi32> to vector<16xi32>
      %sub3A_134 = vector.broadcast %mul3A_2 : i32 to vector<16xi32>
      %sub3A_135 = arith.subi %get3A_133, %sub3A_134 : vector<16xi32>
      %ge3A_136 = arith.constant 0 : i32
      %ge3A_137 = vector.broadcast %ge3A_136 : i32 to vector<16xi32>
      %ge3A_138 = arith.cmpi sge, %sub3A_135, %ge3A_137 : vector<16xi32>
      %lt3A_139 = arith.constant 51200 : i32
      %lt3A_140 = vector.broadcast %lt3A_139 : i32 to vector<16xi32>
      %lt3A_141 = arith.cmpi slt, %sub3A_135, %lt3A_140 : vector<16xi32>
      %and3A_142 = arith.andi %ge3A_138, %lt3A_141 : vector<16xi1>
      %jit3A_143 = arith.constant 51200 : i32
      %broadcast_in_dim3A_144 = vector.broadcast %jit3A_143 : i32 to vector<16xi32>
      %select_n3A_145 = arith.select %and3A_142, %sub3A_135, %broadcast_in_dim3A_144 : vector<16xi1>, vector<16xi32>
      %swap3A_146 = arith.constant 64 : index
      %swap3A_147 = tpu.vector_load %arg8[%swap3A_146] {strides = array<i32>} : memref<128xi32, #tpu.memory_space<vmem>>, vector<16xi32>,
      %swap3A_148 = vector.shape_cast %swap3A_147 : vector<16xi32> to vector<16xi32>
      %swap3A_149 = vector.shape_cast %select_n3A_145 : vector<16xi32> to vector<16xi32>
      tpu.vector_store %arg8[%swap3A_146], %swap3A_149 {strides = array<i32>} : memref<128xi32, #tpu.memory_space<vmem>>, vector<16xi32>,
      %get3A_150 = arith.constant 80 : index
      %get3A_151 = tpu.vector_load %arg6[%get3A_150] {strides = array<i32>} : memref<128xi32, #tpu.memory_space<vmem>>, vector<16xi32>,
      %get3A_152 = vector.shape_cast %get3A_151 : vector<16xi32> to vector<16xi32>
      %swap3A_153 = arith.constant 80 : index
      %swap3A_154 = tpu.vector_load %arg7[%swap3A_153] {strides = array<i32>} : memref<128xi32, #tpu.memory_space<vmem>>, vector<16xi32>,
      %swap3A_155 = vector.shape_cast %swap3A_154 : vector<16xi32> to vector<16xi32>
      %swap3A_156 = vector.shape_cast %get3A_152 : vector<16xi32> to vector<16xi32>
      tpu.vector_store %arg7[%swap3A_153], %swap3A_156 {strides = array<i32>} : memref<128xi32, #tpu.memory_space<vmem>>, vector<16xi32>,
      %get3A_157 = arith.constant 80 : index
      %get3A_158 = tpu.vector_load %arg8[%get3A_157] {strides = array<i32>} : memref<128xi32, #tpu.memory_space<vmem>>, vector<16xi32>,
      %get3A_159 = vector.shape_cast %get3A_158 : vector<16xi32> to vector<16xi32>
      %sub3A_160 = vector.broadcast %mul3A_2 : i32 to vector<16xi32>
      %sub3A_161 = arith.subi %get3A_159, %sub3A_160 : vector<16xi32>
      %ge3A_162 = arith.constant 0 : i32
      %ge3A_163 = vector.broadcast %ge3A_162 : i32 to vector<16xi32>
      %ge3A_164 = arith.cmpi sge, %sub3A_161, %ge3A_163 : vector<16xi32>
      %lt3A_165 = arith.constant 51200 : i32
      %lt3A_166 = vector.broadcast %lt3A_165 : i32 to vector<16xi32>
      %lt3A_167 = arith.cmpi slt, %sub3A_161, %lt3A_166 : vector<16xi32>
      %and3A_168 = arith.andi %ge3A_164, %lt3A_167 : vector<16xi1>
      %jit3A_169 = arith.constant 51200 : i32
      %broadcast_in_dim3A_170 = vector.broadcast %jit3A_169 : i32 to vector<16xi32>
      %select_n3A_171 = arith.select %and3A_168, %sub3A_161, %broadcast_in_dim3A_170 : vector<16xi1>, vector<16xi32>
      %swap3A_172 = arith.constant 80 : index
      %swap3A_173 = tpu.vector_load %arg8[%swap3A_172] {strides = array<i32>} : memref<128xi32, #tpu.memory_space<vmem>>, vector<16xi32>,
      %swap3A_174 = vector.shape_cast %swap3A_173 : vector<16xi32> to vector<16xi32>
      %swap3A_175 = vector.shape_cast %select_n3A_171 : vector<16xi32> to vector<16xi32>
      tpu.vector_store %arg8[%swap3A_172], %swap3A_175 {strides = array<i32>} : memref<128xi32, #tpu.memory_space<vmem>>, vector<16xi32>,
      %get3A_176 = arith.constant 96 : index
      %get3A_177 = tpu.vector_load %arg6[%get3A_176] {strides = array<i32>} : memref<128xi32, #tpu.memory_space<vmem>>, vector<16xi32>,
      %get3A_178 = vector.shape_cast %get3A_177 : vector<16xi32> to vector<16xi32>
      %swap3A_179 = arith.constant 96 : index
      %swap3A_180 = tpu.vector_load %arg7[%swap3A_179] {strides = array<i32>} : memref<128xi32, #tpu.memory_space<vmem>>, vector<16xi32>,
      %swap3A_181 = vector.shape_cast %swap3A_180 : vector<16xi32> to vector<16xi32>
      %swap3A_182 = vector.shape_cast %get3A_178 : vector<16xi32> to vector<16xi32>
      tpu.vector_store %arg7[%swap3A_179], %swap3A_182 {strides = array<i32>} : memref<128xi32, #tpu.memory_space<vmem>>, vector<16xi32>,
      %get3A_183 = arith.constant 96 : index
      %get3A_184 = tpu.vector_load %arg8[%get3A_183] {strides = array<i32>} : memref<128xi32, #tpu.memory_space<vmem>>, vector<16xi32>,
      %get3A_185 = vector.shape_cast %get3A_184 : vector<16xi32> to vector<16xi32>
      %sub3A_186 = vector.broadcast %mul3A_2 : i32 to vector<16xi32>
      %sub3A_187 = arith.subi %get3A_185, %sub3A_186 : vector<16xi32>
      %ge3A_188 = arith.constant 0 : i32
      %ge3A_189 = vector.broadcast %ge3A_188 : i32 to vector<16xi32>
      %ge3A_190 = arith.cmpi sge, %sub3A_187, %ge3A_189 : vector<16xi32>
      %lt3A_191 = arith.constant 51200 : i32
      %lt3A_192 = vector.broadcast %lt3A_191 : i32 to vector<16xi32>
      %lt3A_193 = arith.cmpi slt, %sub3A_187, %lt3A_192 : vector<16xi32>
      %and3A_194 = arith.andi %ge3A_190, %lt3A_193 : vector<16xi1>
      %jit3A_195 = arith.constant 51200 : i32
      %broadcast_in_dim3A_196 = vector.broadcast %jit3A_195 : i32 to vector<16xi32>
      %select_n3A_197 = arith.select %and3A_194, %sub3A_187, %broadcast_in_dim3A_196 : vector<16xi1>, vector<16xi32>
      %swap3A_198 = arith.constant 96 : index
      %swap3A_199 = tpu.vector_load %arg8[%swap3A_198] {strides = array<i32>} : memref<128xi32, #tpu.memory_space<vmem>>, vector<16xi32>,
      %swap3A_200 = vector.shape_cast %swap3A_199 : vector<16xi32> to vector<16xi32>
      %swap3A_201 = vector.shape_cast %select_n3A_197 : vector<16xi32> to vector<16xi32>
      tpu.vector_store %arg8[%swap3A_198], %swap3A_201 {strides = array<i32>} : memref<128xi32, #tpu.memory_space<vmem>>, vector<16xi32>,
      %get3A_202 = arith.constant 112 : index
      %get3A_203 = tpu.vector_load %arg6[%get3A_202] {strides = array<i32>} : memref<128xi32, #tpu.memory_space<vmem>>, vector<16xi32>,
      %get3A_204 = vector.shape_cast %get3A_203 : vector<16xi32> to vector<16xi32>
      %swap3A_205 = arith.constant 112 : index
      %swap3A_206 = tpu.vector_load %arg7[%swap3A_205] {strides = array<i32>} : memref<128xi32, #tpu.memory_space<vmem>>, vector<16xi32>,
      %swap3A_207 = vector.shape_cast %swap3A_206 : vector<16xi32> to vector<16xi32>
      %swap3A_208 = vector.shape_cast %get3A_204 : vector<16xi32> to vector<16xi32>
      tpu.vector_store %arg7[%swap3A_205], %swap3A_208 {strides = array<i32>} : memref<128xi32, #tpu.memory_space<vmem>>, vector<16xi32>,
      %get3A_209 = arith.constant 112 : index
      %get3A_210 = tpu.vector_load %arg8[%get3A_209] {strides = array<i32>} : memref<128xi32, #tpu.memory_space<vmem>>, vector<16xi32>,
      %get3A_211 = vector.shape_cast %get3A_210 : vector<16xi32> to vector<16xi32>
      %sub3A_212 = vector.broadcast %mul3A_2 : i32 to vector<16xi32>
      %sub3A_213 = arith.subi %get3A_211, %sub3A_212 : vector<16xi32>
      %ge3A_214 = arith.constant 0 : i32
      %ge3A_215 = vector.broadcast %ge3A_214 : i32 to vector<16xi32>
      %ge3A_216 = arith.cmpi sge, %sub3A_213, %ge3A_215 : vector<16xi32>
      %lt3A_217 = arith.constant 51200 : i32
      %lt3A_218 = vector.broadcast %lt3A_217 : i32 to vector<16xi32>
      %lt3A_219 = arith.cmpi slt, %sub3A_213, %lt3A_218 : vector<16xi32>
      %and3A_220 = arith.andi %ge3A_216, %lt3A_219 : vector<16xi1>
      %jit3A_221 = arith.constant 51200 : i32
      %broadcast_in_dim3A_222 = vector.broadcast %jit3A_221 : i32 to vector<16xi32>
      %select_n3A_223 = arith.select %and3A_220, %sub3A_213, %broadcast_in_dim3A_222 : vector<16xi1>, vector<16xi32>
      %swap3A_224 = arith.constant 112 : index
      %swap3A_225 = tpu.vector_load %arg8[%swap3A_224] {strides = array<i32>} : memref<128xi32, #tpu.memory_space<vmem>>, vector<16xi32>,
      %swap3A_226 = vector.shape_cast %swap3A_225 : vector<16xi32> to vector<16xi32>
      %swap3A_227 = vector.shape_cast %select_n3A_223 : vector<16xi32> to vector<16xi32>
      tpu.vector_store %arg8[%swap3A_224], %swap3A_227 {strides = array<i32>} : memref<128xi32, #tpu.memory_space<vmem>>, vector<16xi32>,
      "tpu.region"() ({
        %run_scoped3A_228 = tpu.sem_alloc : memref<!tpu.dma_semaphore, #tpu.memory_space<semaphore_mem>>
        %dma_start3A = arith.constant 0 : i32
        %dma_start3A_229 = arith.constant 0 : i32
        %dma_start3A_230 = tpu.memref_slice %arg4[%dma_start3A, %dma_start3A_229] : memref<102400x16xf32, #tpu.memory_space<hbm>> -> memref<102400x16xf32, #tpu.memory_space<hbm>>
        tpu.enqueue_indirect_dma source(%dma_start3A_230 : memref<102400x16xf32, #tpu.memory_space<hbm>>) target(%arg9 : memref<128x16xf32, #tpu.memory_space<vmem>>) offsets(%arg7 : memref<128xi32, #tpu.memory_space<vmem>>) semaphore(%run_scoped3A_228 : memref<!tpu.dma_semaphore, #tpu.memory_space<semaphore_mem>>)
        %dma_wait3A = arith.constant 0 : i32
        %dma_wait3A_231 = arith.constant 0 : i32
        %dma_wait3A_232 = tpu.memref_slice %arg4[%dma_wait3A, %dma_wait3A_231] : memref<102400x16xf32, #tpu.memory_space<hbm>> -> memref<102400x16xf32, #tpu.memory_space<hbm>>
        tpu.wait_indirect_dma semaphore(%run_scoped3A_228 : memref<!tpu.dma_semaphore, #tpu.memory_space<semaphore_mem>>) src(%dma_wait3A_232 : memref<102400x16xf32, #tpu.memory_space<hbm>>) dst(%arg9 : memref<128x16xf32, #tpu.memory_space<vmem>>)
        tpu.yield
      }) : () -> ()
      "tpu.region"() ({
        %run_scoped3A_228 = tpu.sem_alloc : memref<!tpu.dma_semaphore, #tpu.memory_space<semaphore_mem>>
        %dma_start3A = arith.constant 0 : i32
        %dma_start3A_229 = arith.constant 0 : i32
        %dma_start3A_230 = tpu.memref_slice %arg11[%dma_start3A, %dma_start3A_229] : memref<51208x16xf32, #tpu.memory_space<vmem_shared>> -> memref<51208x16xf32, #tpu.memory_space<vmem_shared>>
        tpu.enqueue_indirect_dma source(%arg9 : memref<128x16xf32, #tpu.memory_space<vmem>>) target(%dma_start3A_230 : memref<51208x16xf32, #tpu.memory_space<vmem_shared>>) offsets(%arg8 : memref<128xi32, #tpu.memory_space<vmem>>) semaphore(%run_scoped3A_228 : memref<!tpu.dma_semaphore, #tpu.memory_space<semaphore_mem>>) {add = true}
        %dma_wait3A = arith.constant 0 : i32
        %dma_wait3A_231 = arith.constant 0 : i32
        %dma_wait3A_232 = tpu.memref_slice %arg11[%dma_wait3A, %dma_wait3A_231] : memref<51208x16xf32, #tpu.memory_space<vmem_shared>> -> memref<51208x16xf32, #tpu.memory_space<vmem_shared>>
        tpu.wait_indirect_dma semaphore(%run_scoped3A_228 : memref<!tpu.dma_semaphore, #tpu.memory_space<semaphore_mem>>) src(%arg9 : memref<128x16xf32, #tpu.memory_space<vmem>>) dst(%dma_wait3A_232 : memref<51208x16xf32, #tpu.memory_space<vmem_shared>>)
        tpu.yield
      }) : () -> ()
    }
    %scan3A_16 = arith.constant 782 : i32
    %barrier3A_17 = arith.constant 0 : index
    tpu.barrier barrier_id(%barrier3A_17)
    %add3A = arith.addi %mul3A_2, %mul3A_0 : i32
    %run_scoped3A = arith.constant 0 : i32
    "tpu.region"() ({
      %run_scoped3A_19 = tpu.sem_alloc : memref<!tpu.dma_semaphore, #tpu.memory_space<semaphore_mem>>
      %dma_start3A = arith.constant 0 : i32
      %dma_start3A_20 = tpu.memref_slice %arg5[%run_scoped3A, %add3A, %dma_start3A] : memref<1x102400x16xf32, #tpu.memory_space<hbm>> -> memref<1x3200x16xf32, #tpu.memory_space<hbm>>
      %dma_start3A_21 = tpu.memref_squeeze %dma_start3A_20 : memref<1x3200x16xf32, #tpu.memory_space<hbm>> -> memref<3200x16xf32, #tpu.memory_space<hbm>>
      %dma_start3A_22 = arith.constant 0 : i32
      %dma_start3A_23 = tpu.memref_slice %arg11[%mul3A_0, %dma_start3A_22] : memref<51208x16xf32, #tpu.memory_space<vmem_shared>> -> memref<3200x16xf32, #tpu.memory_space<vmem_shared>>
      tpu.enqueue_dma source(%dma_start3A_23 : memref<3200x16xf32, #tpu.memory_space<vmem_shared>>) target(%dma_start3A_21 : memref<3200x16xf32, #tpu.memory_space<hbm>>) target_semaphore(%run_scoped3A_19 : memref<!tpu.dma_semaphore, #tpu.memory_space<semaphore_mem>>)
      %dma_wait3A = arith.constant 0 : i32
      %dma_wait3A_24 = tpu.memref_slice %arg5[%run_scoped3A, %add3A, %dma_wait3A] : memref<1x102400x16xf32, #tpu.memory_space<hbm>> -> memref<1x3200x16xf32, #tpu.memory_space<hbm>>
      %dma_wait3A_25 = tpu.memref_squeeze %dma_wait3A_24 : memref<1x3200x16xf32, #tpu.memory_space<hbm>> -> memref<3200x16xf32, #tpu.memory_space<hbm>>
      %dma_wait3A_26 = arith.constant 0 : i32
      %dma_wait3A_27 = tpu.memref_slice %arg11[%mul3A_0, %dma_wait3A_26] : memref<51208x16xf32, #tpu.memory_space<vmem_shared>> -> memref<3200x16xf32, #tpu.memory_space<vmem_shared>>
      tpu.wait_dma2 semaphore(%run_scoped3A_19 : memref<!tpu.dma_semaphore, #tpu.memory_space<semaphore_mem>>) src(%dma_wait3A_27 : memref<3200x16xf32, #tpu.memory_space<vmem_shared>>) dst(%dma_wait3A_25 : memref<3200x16xf32, #tpu.memory_space<hbm>>)
      tpu.yield
    }) : () -> ()
    %barrier3A_18 = arith.constant 0 : index
    tpu.barrier barrier_id(%barrier3A_18)
    return
  }
}

#map = affine_map<(d0, d1) -> (0)>
#map1 = affine_map<(d0, d1) -> (0, 0)>
#map2 = affine_map<(d0, d1) -> (0, 0, 0)>
module attributes {stable_mosaic.version = 14 : i64} {
  func.func @body(%arg0: i32, %arg1: i32, %arg2: memref<1601536xi32, #tpu.memory_space<hbm>>, %arg3: memref<1601536xi32, #tpu.memory_space<hbm>>, %arg4: memref<409600x16xf32, #tpu.memory_space<hbm>>, %arg5: memref<4x102400x16xf32, #tpu.memory_space<hbm>>, %arg6: memref<128xi32, #tpu.memory_space<vmem>>, %arg7: memref<128xi32, #tpu.memory_space<vmem>>, %arg8: memref<128xi32, #tpu.memory_space<vmem>>, %arg9: memref<128x16xf32, #tpu.memory_space<vmem>>, %arg10: memref<128x16xf32, #tpu.memory_space<vmem>>, %arg11: memref<51208x16xf32, #tpu.memory_space<vmem_shared>>) attributes {dimension_semantics = [#tpu.dimension_semantics<core_parallel>, #tpu.dimension_semantics<subcore_parallel>], iteration_bounds = array<i64: 2, 16>, scalar_prefetch = 0 : i64, scratch_operands = 6 : i64, tpu.core_type = #tpu.core_type<sc_vector_subcore>, window_params = [{transform_indices = #map}, {transform_indices = #map}, {transform_indices = #map1}, {transform_indices = #map2}]} {
    %mul3A = arith.constant 3200 : i32
    %mul3A_0 = arith.muli %arg1, %mul3A : i32
    %mul3A_1 = arith.constant 51200 : i32
    %mul3A_2 = arith.muli %arg0, %mul3A_1 : i32
    %scan3A = arith.constant 0 : i32
    %scan3A_3 = arith.constant 128 : i32
    %scan3A_4 = arith.addi %scan3A, %scan3A_3 : i32
    %scan3A_5 = arith.constant 1 : i32
    scf.for %scan3A_64 = %scan3A to %scan3A_4 step %scan3A_5  : i32 {
      %mul3A_65 = arith.constant 1 : i32
      %mul3A_66 = arith.muli %scan3A_64, %mul3A_65 : i32
      %add3A_67 = arith.constant 0 : i32
      %add3A_68 = arith.addi %add3A_67, %mul3A_66 : i32
      %broadcast_in_dim3A = arith.constant 0.000000e+00 : f32
      %broadcast_in_dim3A_69 = vector.broadcast %broadcast_in_dim3A : f32 to vector<16xf32>
      %swap3A = arith.index_cast %add3A_68 : i32 to index
      %swap3A_70 = arith.constant 0 : index
      %swap3A_71 = tpu.vector_load %arg10[%swap3A, %swap3A_70] {strides = array<i32>} : memref<128x16xf32, #tpu.memory_space<vmem>>, vector<1x16xf32>,
      %swap3A_72 = vector.shape_cast %swap3A_71 : vector<1x16xf32> to vector<16xf32>
      %swap3A_73 = vector.shape_cast %broadcast_in_dim3A_69 : vector<16xf32> to vector<1x16xf32>
      tpu.vector_store %arg10[%swap3A, %swap3A_70], %swap3A_73 {strides = array<i32>} : memref<128x16xf32, #tpu.memory_space<vmem>>, vector<1x16xf32>,
    }
    %scan3A_6 = arith.constant 128 : i32
    %scan3A_7 = arith.constant 0 : i32
    %scan3A_8 = arith.constant 25 : i32
    %scan3A_9 = arith.addi %scan3A_7, %scan3A_8 : i32
    %scan3A_10 = arith.constant 1 : i32
    scf.for %scan3A_64 = %scan3A_7 to %scan3A_9 step %scan3A_10  : i32 {
      %mul3A_65 = arith.constant 1 : i32
      %mul3A_66 = arith.muli %scan3A_64, %mul3A_65 : i32
      %add3A_67 = arith.constant 0 : i32
      %add3A_68 = arith.addi %add3A_67, %mul3A_66 : i32
      %mul3A_69 = arith.constant 128 : i32
      %mul3A_70 = arith.muli %add3A_68, %mul3A_69 : i32
      %add3A_71 = arith.addi %mul3A_0, %mul3A_70 : i32
      "tpu.region"() ({
        %run_scoped3A_72 = tpu.sem_alloc : memref<!tpu.dma_semaphore, #tpu.memory_space<semaphore_mem>>
        %dma_start3A = arith.constant 0 : i32
        %dma_start3A_73 = tpu.memref_slice %arg11[%add3A_71, %dma_start3A] : memref<51208x16xf32, #tpu.memory_space<vmem_shared>> -> memref<128x16xf32, #tpu.memory_space<vmem_shared>>
        %dma_start3A_74 = arith.constant 0 : i32
        %dma_start3A_75 = tpu.memref_slice %arg11[%add3A_71, %dma_start3A_74] : memref<51208x16xf32, #tpu.memory_space<vmem_shared>> -> memref<128x16xf32, #tpu.memory_space<vmem_shared>>
        tpu.enqueue_dma source(%arg10 : memref<128x16xf32, #tpu.memory_space<vmem>>) target(%dma_start3A_75 : memref<128x16xf32, #tpu.memory_space<vmem_shared>>) target_semaphore(%run_scoped3A_72 : memref<!tpu.dma_semaphore, #tpu.memory_space<semaphore_mem>>)
        %dma_wait3A = arith.constant 0 : i32
        %dma_wait3A_76 = tpu.memref_slice %arg11[%add3A_71, %dma_wait3A] : memref<51208x16xf32, #tpu.memory_space<vmem_shared>> -> memref<128x16xf32, #tpu.memory_space<vmem_shared>>
        %dma_wait3A_77 = arith.constant 0 : i32
        %dma_wait3A_78 = tpu.memref_slice %arg11[%add3A_71, %dma_wait3A_77] : memref<51208x16xf32, #tpu.memory_space<vmem_shared>> -> memref<128x16xf32, #tpu.memory_space<vmem_shared>>
        tpu.wait_dma2 semaphore(%run_scoped3A_72 : memref<!tpu.dma_semaphore, #tpu.memory_space<semaphore_mem>>) src(%arg10 : memref<128x16xf32, #tpu.memory_space<vmem>>) dst(%dma_wait3A_78 : memref<128x16xf32, #tpu.memory_space<vmem_shared>>)
        tpu.yield
      }) : () -> ()
    }
    %scan3A_11 = arith.constant 25 : i32
    %barrier3A = arith.constant 0 : index
    tpu.barrier barrier_id(%barrier3A)
    %scan3A_12 = arith.constant 0 : i32
    %scan3A_13 = arith.constant 782 : i32
    %scan3A_14 = arith.addi %scan3A_12, %scan3A_13 : i32
    %scan3A_15 = arith.constant 1 : i32
    scf.for %scan3A_64 = %scan3A_12 to %scan3A_14 step %scan3A_15  : i32 {
      %mul3A_65 = arith.constant 1 : i32
      %mul3A_66 = arith.muli %scan3A_64, %mul3A_65 : i32
      %add3A_67 = arith.constant 0 : i32
      %add3A_68 = arith.addi %add3A_67, %mul3A_66 : i32
      %mul3A_69 = arith.constant 100096 : i32
      %mul3A_70 = arith.muli %arg1, %mul3A_69 : i32
      %mul3A_71 = arith.constant 128 : i32
      %mul3A_72 = arith.muli %add3A_68, %mul3A_71 : i32
      %add3A_73 = arith.addi %mul3A_70, %mul3A_72 : i32
      "tpu.region"() ({
        %run_scoped3A_321 = tpu.sem_alloc : memref<!tpu.dma_semaphore, #tpu.memory_space<semaphore_mem>>
        %dma_start3A = tpu.memref_slice %arg2[%add3A_73] : memref<1601536xi32, #tpu.memory_space<hbm>> -> memref<128xi32, #tpu.memory_space<hbm>>
        %dma_start3A_322 = tpu.memref_slice %arg2[%add3A_73] : memref<1601536xi32, #tpu.memory_space<hbm>> -> memref<128xi32, #tpu.memory_space<hbm>>
        tpu.enqueue_dma source(%dma_start3A_322 : memref<128xi32, #tpu.memory_space<hbm>>) target(%arg6 : memref<128xi32, #tpu.memory_space<vmem>>) target_semaphore(%run_scoped3A_321 : memref<!tpu.dma_semaphore, #tpu.memory_space<semaphore_mem>>)
        %dma_wait3A = tpu.memref_slice %arg2[%add3A_73] : memref<1601536xi32, #tpu.memory_space<hbm>> -> memref<128xi32, #tpu.memory_space<hbm>>
        %dma_wait3A_323 = tpu.memref_slice %arg2[%add3A_73] : memref<1601536xi32, #tpu.memory_space<hbm>> -> memref<128xi32, #tpu.memory_space<hbm>>
        tpu.wait_dma2 semaphore(%run_scoped3A_321 : memref<!tpu.dma_semaphore, #tpu.memory_space<semaphore_mem>>) src(%dma_wait3A_323 : memref<128xi32, #tpu.memory_space<hbm>>) dst(%arg6 : memref<128xi32, #tpu.memory_space<vmem>>)
        tpu.yield
      }) : () -> ()
      "tpu.region"() ({
        %run_scoped3A_321 = tpu.sem_alloc : memref<!tpu.dma_semaphore, #tpu.memory_space<semaphore_mem>>
        %dma_start3A = tpu.memref_slice %arg3[%add3A_73] : memref<1601536xi32, #tpu.memory_space<hbm>> -> memref<128xi32, #tpu.memory_space<hbm>>
        %dma_start3A_322 = tpu.memref_slice %arg3[%add3A_73] : memref<1601536xi32, #tpu.memory_space<hbm>> -> memref<128xi32, #tpu.memory_space<hbm>>
        tpu.enqueue_dma source(%dma_start3A_322 : memref<128xi32, #tpu.memory_space<hbm>>) target(%arg8 : memref<128xi32, #tpu.memory_space<vmem>>) target_semaphore(%run_scoped3A_321 : memref<!tpu.dma_semaphore, #tpu.memory_space<semaphore_mem>>)
        %dma_wait3A = tpu.memref_slice %arg3[%add3A_73] : memref<1601536xi32, #tpu.memory_space<hbm>> -> memref<128xi32, #tpu.memory_space<hbm>>
        %dma_wait3A_323 = tpu.memref_slice %arg3[%add3A_73] : memref<1601536xi32, #tpu.memory_space<hbm>> -> memref<128xi32, #tpu.memory_space<hbm>>
        tpu.wait_dma2 semaphore(%run_scoped3A_321 : memref<!tpu.dma_semaphore, #tpu.memory_space<semaphore_mem>>) src(%dma_wait3A_323 : memref<128xi32, #tpu.memory_space<hbm>>) dst(%arg8 : memref<128xi32, #tpu.memory_space<vmem>>)
        tpu.yield
      }) : () -> ()
      %get3A = arith.constant 0 : index
      %get3A_74 = tpu.vector_load %arg6[%get3A] {strides = array<i32>} : memref<128xi32, #tpu.memory_space<vmem>>, vector<16xi32>,
      %get3A_75 = vector.shape_cast %get3A_74 : vector<16xi32> to vector<16xi32>
      %mul3A_76 = arith.constant 4 : i32
      %mul3A_77 = vector.broadcast %mul3A_76 : i32 to vector<16xi32>
      %mul3A_78 = arith.muli %get3A_75, %mul3A_77 : vector<16xi32>
      %add3A_79 = arith.constant 0 : i32
      %add3A_80 = vector.broadcast %add3A_79 : i32 to vector<16xi32>
      %add3A_81 = arith.addi %mul3A_78, %add3A_80 : vector<16xi32>
      %swap3A = arith.constant 0 : index
      %swap3A_82 = tpu.vector_load %arg7[%swap3A] {strides = array<i32>} : memref<128xi32, #tpu.memory_space<vmem>>, vector<16xi32>,
      %swap3A_83 = vector.shape_cast %swap3A_82 : vector<16xi32> to vector<16xi32>
      %swap3A_84 = vector.shape_cast %add3A_81 : vector<16xi32> to vector<16xi32>
      tpu.vector_store %arg7[%swap3A], %swap3A_84 {strides = array<i32>} : memref<128xi32, #tpu.memory_space<vmem>>, vector<16xi32>,
      %get3A_85 = arith.constant 0 : index
      %get3A_86 = tpu.vector_load %arg8[%get3A_85] {strides = array<i32>} : memref<128xi32, #tpu.memory_space<vmem>>, vector<16xi32>,
      %get3A_87 = vector.shape_cast %get3A_86 : vector<16xi32> to vector<16xi32>
      %sub3A = vector.broadcast %mul3A_2 : i32 to vector<16xi32>
      %sub3A_88 = arith.subi %get3A_87, %sub3A : vector<16xi32>
      %ge3A = arith.constant 0 : i32
      %ge3A_89 = vector.broadcast %ge3A : i32 to vector<16xi32>
      %ge3A_90 = arith.cmpi sge, %sub3A_88, %ge3A_89 : vector<16xi32>
      %lt3A = arith.constant 51200 : i32
      %lt3A_91 = vector.broadcast %lt3A : i32 to vector<16xi32>
      %lt3A_92 = arith.cmpi slt, %sub3A_88, %lt3A_91 : vector<16xi32>
      %and3A = arith.andi %ge3A_90, %lt3A_92 : vector<16xi1>
      %jit3A = arith.constant 51200 : i32
      %broadcast_in_dim3A = vector.broadcast %jit3A : i32 to vector<16xi32>
      %select_n3A = arith.select %and3A, %sub3A_88, %broadcast_in_dim3A : vector<16xi1>, vector<16xi32>
      %swap3A_93 = arith.constant 0 : index
      %swap3A_94 = tpu.vector_load %arg8[%swap3A_93] {strides = array<i32>} : memref<128xi32, #tpu.memory_space<vmem>>, vector<16xi32>,
      %swap3A_95 = vector.shape_cast %swap3A_94 : vector<16xi32> to vector<16xi32>
      %swap3A_96 = vector.shape_cast %select_n3A : vector<16xi32> to vector<16xi32>
      tpu.vector_store %arg8[%swap3A_93], %swap3A_96 {strides = array<i32>} : memref<128xi32, #tpu.memory_space<vmem>>, vector<16xi32>,
      %get3A_97 = arith.constant 16 : index
      %get3A_98 = tpu.vector_load %arg6[%get3A_97] {strides = array<i32>} : memref<128xi32, #tpu.memory_space<vmem>>, vector<16xi32>,
      %get3A_99 = vector.shape_cast %get3A_98 : vector<16xi32> to vector<16xi32>
      %mul3A_100 = arith.constant 4 : i32
      %mul3A_101 = vector.broadcast %mul3A_100 : i32 to vector<16xi32>
      %mul3A_102 = arith.muli %get3A_99, %mul3A_101 : vector<16xi32>
      %add3A_103 = arith.constant 0 : i32
      %add3A_104 = vector.broadcast %add3A_103 : i32 to vector<16xi32>
      %add3A_105 = arith.addi %mul3A_102, %add3A_104 : vector<16xi32>
      %swap3A_106 = arith.constant 16 : index
      %swap3A_107 = tpu.vector_load %arg7[%swap3A_106] {strides = array<i32>} : memref<128xi32, #tpu.memory_space<vmem>>, vector<16xi32>,
      %swap3A_108 = vector.shape_cast %swap3A_107 : vector<16xi32> to vector<16xi32>
      %swap3A_109 = vector.shape_cast %add3A_105 : vector<16xi32> to vector<16xi32>
      tpu.vector_store %arg7[%swap3A_106], %swap3A_109 {strides = array<i32>} : memref<128xi32, #tpu.memory_space<vmem>>, vector<16xi32>,
      %get3A_110 = arith.constant 16 : index
      %get3A_111 = tpu.vector_load %arg8[%get3A_110] {strides = array<i32>} : memref<128xi32, #tpu.memory_space<vmem>>, vector<16xi32>,
      %get3A_112 = vector.shape_cast %get3A_111 : vector<16xi32> to vector<16xi32>
      %sub3A_113 = vector.broadcast %mul3A_2 : i32 to vector<16xi32>
      %sub3A_114 = arith.subi %get3A_112, %sub3A_113 : vector<16xi32>
      %ge3A_115 = arith.constant 0 : i32
      %ge3A_116 = vector.broadcast %ge3A_115 : i32 to vector<16xi32>
      %ge3A_117 = arith.cmpi sge, %sub3A_114, %ge3A_116 : vector<16xi32>
      %lt3A_118 = arith.constant 51200 : i32
      %lt3A_119 = vector.broadcast %lt3A_118 : i32 to vector<16xi32>
      %lt3A_120 = arith.cmpi slt, %sub3A_114, %lt3A_119 : vector<16xi32>
      %and3A_121 = arith.andi %ge3A_117, %lt3A_120 : vector<16xi1>
      %jit3A_122 = arith.constant 51200 : i32
      %broadcast_in_dim3A_123 = vector.broadcast %jit3A_122 : i32 to vector<16xi32>
      %select_n3A_124 = arith.select %and3A_121, %sub3A_114, %broadcast_in_dim3A_123 : vector<16xi1>, vector<16xi32>
      %swap3A_125 = arith.constant 16 : index
      %swap3A_126 = tpu.vector_load %arg8[%swap3A_125] {strides = array<i32>} : memref<128xi32, #tpu.memory_space<vmem>>, vector<16xi32>,
      %swap3A_127 = vector.shape_cast %swap3A_126 : vector<16xi32> to vector<16xi32>
      %swap3A_128 = vector.shape_cast %select_n3A_124 : vector<16xi32> to vector<16xi32>
      tpu.vector_store %arg8[%swap3A_125], %swap3A_128 {strides = array<i32>} : memref<128xi32, #tpu.memory_space<vmem>>, vector<16xi32>,
      %get3A_129 = arith.constant 32 : index
      %get3A_130 = tpu.vector_load %arg6[%get3A_129] {strides = array<i32>} : memref<128xi32, #tpu.memory_space<vmem>>, vector<16xi32>,
      %get3A_131 = vector.shape_cast %get3A_130 : vector<16xi32> to vector<16xi32>
      %mul3A_132 = arith.constant 4 : i32
      %mul3A_133 = vector.broadcast %mul3A_132 : i32 to vector<16xi32>
      %mul3A_134 = arith.muli %get3A_131, %mul3A_133 : vector<16xi32>
      %add3A_135 = arith.constant 0 : i32
      %add3A_136 = vector.broadcast %add3A_135 : i32 to vector<16xi32>
      %add3A_137 = arith.addi %mul3A_134, %add3A_136 : vector<16xi32>
      %swap3A_138 = arith.constant 32 : index
      %swap3A_139 = tpu.vector_load %arg7[%swap3A_138] {strides = array<i32>} : memref<128xi32, #tpu.memory_space<vmem>>, vector<16xi32>,
      %swap3A_140 = vector.shape_cast %swap3A_139 : vector<16xi32> to vector<16xi32>
      %swap3A_141 = vector.shape_cast %add3A_137 : vector<16xi32> to vector<16xi32>
      tpu.vector_store %arg7[%swap3A_138], %swap3A_141 {strides = array<i32>} : memref<128xi32, #tpu.memory_space<vmem>>, vector<16xi32>,
      %get3A_142 = arith.constant 32 : index
      %get3A_143 = tpu.vector_load %arg8[%get3A_142] {strides = array<i32>} : memref<128xi32, #tpu.memory_space<vmem>>, vector<16xi32>,
      %get3A_144 = vector.shape_cast %get3A_143 : vector<16xi32> to vector<16xi32>
      %sub3A_145 = vector.broadcast %mul3A_2 : i32 to vector<16xi32>
      %sub3A_146 = arith.subi %get3A_144, %sub3A_145 : vector<16xi32>
      %ge3A_147 = arith.constant 0 : i32
      %ge3A_148 = vector.broadcast %ge3A_147 : i32 to vector<16xi32>
      %ge3A_149 = arith.cmpi sge, %sub3A_146, %ge3A_148 : vector<16xi32>
      %lt3A_150 = arith.constant 51200 : i32
      %lt3A_151 = vector.broadcast %lt3A_150 : i32 to vector<16xi32>
      %lt3A_152 = arith.cmpi slt, %sub3A_146, %lt3A_151 : vector<16xi32>
      %and3A_153 = arith.andi %ge3A_149, %lt3A_152 : vector<16xi1>
      %jit3A_154 = arith.constant 51200 : i32
      %broadcast_in_dim3A_155 = vector.broadcast %jit3A_154 : i32 to vector<16xi32>
      %select_n3A_156 = arith.select %and3A_153, %sub3A_146, %broadcast_in_dim3A_155 : vector<16xi1>, vector<16xi32>
      %swap3A_157 = arith.constant 32 : index
      %swap3A_158 = tpu.vector_load %arg8[%swap3A_157] {strides = array<i32>} : memref<128xi32, #tpu.memory_space<vmem>>, vector<16xi32>,
      %swap3A_159 = vector.shape_cast %swap3A_158 : vector<16xi32> to vector<16xi32>
      %swap3A_160 = vector.shape_cast %select_n3A_156 : vector<16xi32> to vector<16xi32>
      tpu.vector_store %arg8[%swap3A_157], %swap3A_160 {strides = array<i32>} : memref<128xi32, #tpu.memory_space<vmem>>, vector<16xi32>,
      %get3A_161 = arith.constant 48 : index
      %get3A_162 = tpu.vector_load %arg6[%get3A_161] {strides = array<i32>} : memref<128xi32, #tpu.memory_space<vmem>>, vector<16xi32>,
      %get3A_163 = vector.shape_cast %get3A_162 : vector<16xi32> to vector<16xi32>
      %mul3A_164 = arith.constant 4 : i32
      %mul3A_165 = vector.broadcast %mul3A_164 : i32 to vector<16xi32>
      %mul3A_166 = arith.muli %get3A_163, %mul3A_165 : vector<16xi32>
      %add3A_167 = arith.constant 0 : i32
      %add3A_168 = vector.broadcast %add3A_167 : i32 to vector<16xi32>
      %add3A_169 = arith.addi %mul3A_166, %add3A_168 : vector<16xi32>
      %swap3A_170 = arith.constant 48 : index
      %swap3A_171 = tpu.vector_load %arg7[%swap3A_170] {strides = array<i32>} : memref<128xi32, #tpu.memory_space<vmem>>, vector<16xi32>,
      %swap3A_172 = vector.shape_cast %swap3A_171 : vector<16xi32> to vector<16xi32>
      %swap3A_173 = vector.shape_cast %add3A_169 : vector<16xi32> to vector<16xi32>
      tpu.vector_store %arg7[%swap3A_170], %swap3A_173 {strides = array<i32>} : memref<128xi32, #tpu.memory_space<vmem>>, vector<16xi32>,
      %get3A_174 = arith.constant 48 : index
      %get3A_175 = tpu.vector_load %arg8[%get3A_174] {strides = array<i32>} : memref<128xi32, #tpu.memory_space<vmem>>, vector<16xi32>,
      %get3A_176 = vector.shape_cast %get3A_175 : vector<16xi32> to vector<16xi32>
      %sub3A_177 = vector.broadcast %mul3A_2 : i32 to vector<16xi32>
      %sub3A_178 = arith.subi %get3A_176, %sub3A_177 : vector<16xi32>
      %ge3A_179 = arith.constant 0 : i32
      %ge3A_180 = vector.broadcast %ge3A_179 : i32 to vector<16xi32>
      %ge3A_181 = arith.cmpi sge, %sub3A_178, %ge3A_180 : vector<16xi32>
      %lt3A_182 = arith.constant 51200 : i32
      %lt3A_183 = vector.broadcast %lt3A_182 : i32 to vector<16xi32>
      %lt3A_184 = arith.cmpi slt, %sub3A_178, %lt3A_183 : vector<16xi32>
      %and3A_185 = arith.andi %ge3A_181, %lt3A_184 : vector<16xi1>
      %jit3A_186 = arith.constant 51200 : i32
      %broadcast_in_dim3A_187 = vector.broadcast %jit3A_186 : i32 to vector<16xi32>
      %select_n3A_188 = arith.select %and3A_185, %sub3A_178, %broadcast_in_dim3A_187 : vector<16xi1>, vector<16xi32>
      %swap3A_189 = arith.constant 48 : index
      %swap3A_190 = tpu.vector_load %arg8[%swap3A_189] {strides = array<i32>} : memref<128xi32, #tpu.memory_space<vmem>>, vector<16xi32>,
      %swap3A_191 = vector.shape_cast %swap3A_190 : vector<16xi32> to vector<16xi32>
      %swap3A_192 = vector.shape_cast %select_n3A_188 : vector<16xi32> to vector<16xi32>
      tpu.vector_store %arg8[%swap3A_189], %swap3A_192 {strides = array<i32>} : memref<128xi32, #tpu.memory_space<vmem>>, vector<16xi32>,
      %get3A_193 = arith.constant 64 : index
      %get3A_194 = tpu.vector_load %arg6[%get3A_193] {strides = array<i32>} : memref<128xi32, #tpu.memory_space<vmem>>, vector<16xi32>,
      %get3A_195 = vector.shape_cast %get3A_194 : vector<16xi32> to vector<16xi32>
      %mul3A_196 = arith.constant 4 : i32
      %mul3A_197 = vector.broadcast %mul3A_196 : i32 to vector<16xi32>
      %mul3A_198 = arith.muli %get3A_195, %mul3A_197 : vector<16xi32>
      %add3A_199 = arith.constant 0 : i32
      %add3A_200 = vector.broadcast %add3A_199 : i32 to vector<16xi32>
      %add3A_201 = arith.addi %mul3A_198, %add3A_200 : vector<16xi32>
      %swap3A_202 = arith.constant 64 : index
      %swap3A_203 = tpu.vector_load %arg7[%swap3A_202] {strides = array<i32>} : memref<128xi32, #tpu.memory_space<vmem>>, vector<16xi32>,
      %swap3A_204 = vector.shape_cast %swap3A_203 : vector<16xi32> to vector<16xi32>
      %swap3A_205 = vector.shape_cast %add3A_201 : vector<16xi32> to vector<16xi32>
      tpu.vector_store %arg7[%swap3A_202], %swap3A_205 {strides = array<i32>} : memref<128xi32, #tpu.memory_space<vmem>>, vector<16xi32>,
      %get3A_206 = arith.constant 64 : index
      %get3A_207 = tpu.vector_load %arg8[%get3A_206] {strides = array<i32>} : memref<128xi32, #tpu.memory_space<vmem>>, vector<16xi32>,
      %get3A_208 = vector.shape_cast %get3A_207 : vector<16xi32> to vector<16xi32>
      %sub3A_209 = vector.broadcast %mul3A_2 : i32 to vector<16xi32>
      %sub3A_210 = arith.subi %get3A_208, %sub3A_209 : vector<16xi32>
      %ge3A_211 = arith.constant 0 : i32
      %ge3A_212 = vector.broadcast %ge3A_211 : i32 to vector<16xi32>
      %ge3A_213 = arith.cmpi sge, %sub3A_210, %ge3A_212 : vector<16xi32>
      %lt3A_214 = arith.constant 51200 : i32
      %lt3A_215 = vector.broadcast %lt3A_214 : i32 to vector<16xi32>
      %lt3A_216 = arith.cmpi slt, %sub3A_210, %lt3A_215 : vector<16xi32>
      %and3A_217 = arith.andi %ge3A_213, %lt3A_216 : vector<16xi1>
      %jit3A_218 = arith.constant 51200 : i32
      %broadcast_in_dim3A_219 = vector.broadcast %jit3A_218 : i32 to vector<16xi32>
      %select_n3A_220 = arith.select %and3A_217, %sub3A_210, %broadcast_in_dim3A_219 : vector<16xi1>, vector<16xi32>
      %swap3A_221 = arith.constant 64 : index
      %swap3A_222 = tpu.vector_load %arg8[%swap3A_221] {strides = array<i32>} : memref<128xi32, #tpu.memory_space<vmem>>, vector<16xi32>,
      %swap3A_223 = vector.shape_cast %swap3A_222 : vector<16xi32> to vector<16xi32>
      %swap3A_224 = vector.shape_cast %select_n3A_220 : vector<16xi32> to vector<16xi32>
      tpu.vector_store %arg8[%swap3A_221], %swap3A_224 {strides = array<i32>} : memref<128xi32, #tpu.memory_space<vmem>>, vector<16xi32>,
      %get3A_225 = arith.constant 80 : index
      %get3A_226 = tpu.vector_load %arg6[%get3A_225] {strides = array<i32>} : memref<128xi32, #tpu.memory_space<vmem>>, vector<16xi32>,
      %get3A_227 = vector.shape_cast %get3A_226 : vector<16xi32> to vector<16xi32>
      %mul3A_228 = arith.constant 4 : i32
      %mul3A_229 = vector.broadcast %mul3A_228 : i32 to vector<16xi32>
      %mul3A_230 = arith.muli %get3A_227, %mul3A_229 : vector<16xi32>
      %add3A_231 = arith.constant 0 : i32
      %add3A_232 = vector.broadcast %add3A_231 : i32 to vector<16xi32>
      %add3A_233 = arith.addi %mul3A_230, %add3A_232 : vector<16xi32>
      %swap3A_234 = arith.constant 80 : index
      %swap3A_235 = tpu.vector_load %arg7[%swap3A_234] {strides = array<i32>} : memref<128xi32, #tpu.memory_space<vmem>>, vector<16xi32>,
      %swap3A_236 = vector.shape_cast %swap3A_235 : vector<16xi32> to vector<16xi32>
      %swap3A_237 = vector.shape_cast %add3A_233 : vector<16xi32> to vector<16xi32>
      tpu.vector_store %arg7[%swap3A_234], %swap3A_237 {strides = array<i32>} : memref<128xi32, #tpu.memory_space<vmem>>, vector<16xi32>,
      %get3A_238 = arith.constant 80 : index
      %get3A_239 = tpu.vector_load %arg8[%get3A_238] {strides = array<i32>} : memref<128xi32, #tpu.memory_space<vmem>>, vector<16xi32>,
      %get3A_240 = vector.shape_cast %get3A_239 : vector<16xi32> to vector<16xi32>
      %sub3A_241 = vector.broadcast %mul3A_2 : i32 to vector<16xi32>
      %sub3A_242 = arith.subi %get3A_240, %sub3A_241 : vector<16xi32>
      %ge3A_243 = arith.constant 0 : i32
      %ge3A_244 = vector.broadcast %ge3A_243 : i32 to vector<16xi32>
      %ge3A_245 = arith.cmpi sge, %sub3A_242, %ge3A_244 : vector<16xi32>
      %lt3A_246 = arith.constant 51200 : i32
      %lt3A_247 = vector.broadcast %lt3A_246 : i32 to vector<16xi32>
      %lt3A_248 = arith.cmpi slt, %sub3A_242, %lt3A_247 : vector<16xi32>
      %and3A_249 = arith.andi %ge3A_245, %lt3A_248 : vector<16xi1>
      %jit3A_250 = arith.constant 51200 : i32
      %broadcast_in_dim3A_251 = vector.broadcast %jit3A_250 : i32 to vector<16xi32>
      %select_n3A_252 = arith.select %and3A_249, %sub3A_242, %broadcast_in_dim3A_251 : vector<16xi1>, vector<16xi32>
      %swap3A_253 = arith.constant 80 : index
      %swap3A_254 = tpu.vector_load %arg8[%swap3A_253] {strides = array<i32>} : memref<128xi32, #tpu.memory_space<vmem>>, vector<16xi32>,
      %swap3A_255 = vector.shape_cast %swap3A_254 : vector<16xi32> to vector<16xi32>
      %swap3A_256 = vector.shape_cast %select_n3A_252 : vector<16xi32> to vector<16xi32>
      tpu.vector_store %arg8[%swap3A_253], %swap3A_256 {strides = array<i32>} : memref<128xi32, #tpu.memory_space<vmem>>, vector<16xi32>,
      %get3A_257 = arith.constant 96 : index
      %get3A_258 = tpu.vector_load %arg6[%get3A_257] {strides = array<i32>} : memref<128xi32, #tpu.memory_space<vmem>>, vector<16xi32>,
      %get3A_259 = vector.shape_cast %get3A_258 : vector<16xi32> to vector<16xi32>
      %mul3A_260 = arith.constant 4 : i32
      %mul3A_261 = vector.broadcast %mul3A_260 : i32 to vector<16xi32>
      %mul3A_262 = arith.muli %get3A_259, %mul3A_261 : vector<16xi32>
      %add3A_263 = arith.constant 0 : i32
      %add3A_264 = vector.broadcast %add3A_263 : i32 to vector<16xi32>
      %add3A_265 = arith.addi %mul3A_262, %add3A_264 : vector<16xi32>
      %swap3A_266 = arith.constant 96 : index
      %swap3A_267 = tpu.vector_load %arg7[%swap3A_266] {strides = array<i32>} : memref<128xi32, #tpu.memory_space<vmem>>, vector<16xi32>,
      %swap3A_268 = vector.shape_cast %swap3A_267 : vector<16xi32> to vector<16xi32>
      %swap3A_269 = vector.shape_cast %add3A_265 : vector<16xi32> to vector<16xi32>
      tpu.vector_store %arg7[%swap3A_266], %swap3A_269 {strides = array<i32>} : memref<128xi32, #tpu.memory_space<vmem>>, vector<16xi32>,
      %get3A_270 = arith.constant 96 : index
      %get3A_271 = tpu.vector_load %arg8[%get3A_270] {strides = array<i32>} : memref<128xi32, #tpu.memory_space<vmem>>, vector<16xi32>,
      %get3A_272 = vector.shape_cast %get3A_271 : vector<16xi32> to vector<16xi32>
      %sub3A_273 = vector.broadcast %mul3A_2 : i32 to vector<16xi32>
      %sub3A_274 = arith.subi %get3A_272, %sub3A_273 : vector<16xi32>
      %ge3A_275 = arith.constant 0 : i32
      %ge3A_276 = vector.broadcast %ge3A_275 : i32 to vector<16xi32>
      %ge3A_277 = arith.cmpi sge, %sub3A_274, %ge3A_276 : vector<16xi32>
      %lt3A_278 = arith.constant 51200 : i32
      %lt3A_279 = vector.broadcast %lt3A_278 : i32 to vector<16xi32>
      %lt3A_280 = arith.cmpi slt, %sub3A_274, %lt3A_279 : vector<16xi32>
      %and3A_281 = arith.andi %ge3A_277, %lt3A_280 : vector<16xi1>
      %jit3A_282 = arith.constant 51200 : i32
      %broadcast_in_dim3A_283 = vector.broadcast %jit3A_282 : i32 to vector<16xi32>
      %select_n3A_284 = arith.select %and3A_281, %sub3A_274, %broadcast_in_dim3A_283 : vector<16xi1>, vector<16xi32>
      %swap3A_285 = arith.constant 96 : index
      %swap3A_286 = tpu.vector_load %arg8[%swap3A_285] {strides = array<i32>} : memref<128xi32, #tpu.memory_space<vmem>>, vector<16xi32>,
      %swap3A_287 = vector.shape_cast %swap3A_286 : vector<16xi32> to vector<16xi32>
      %swap3A_288 = vector.shape_cast %select_n3A_284 : vector<16xi32> to vector<16xi32>
      tpu.vector_store %arg8[%swap3A_285], %swap3A_288 {strides = array<i32>} : memref<128xi32, #tpu.memory_space<vmem>>, vector<16xi32>,
      %get3A_289 = arith.constant 112 : index
      %get3A_290 = tpu.vector_load %arg6[%get3A_289] {strides = array<i32>} : memref<128xi32, #tpu.memory_space<vmem>>, vector<16xi32>,
      %get3A_291 = vector.shape_cast %get3A_290 : vector<16xi32> to vector<16xi32>
      %mul3A_292 = arith.constant 4 : i32
      %mul3A_293 = vector.broadcast %mul3A_292 : i32 to vector<16xi32>
      %mul3A_294 = arith.muli %get3A_291, %mul3A_293 : vector<16xi32>
      %add3A_295 = arith.constant 0 : i32
      %add3A_296 = vector.broadcast %add3A_295 : i32 to vector<16xi32>
      %add3A_297 = arith.addi %mul3A_294, %add3A_296 : vector<16xi32>
      %swap3A_298 = arith.constant 112 : index
      %swap3A_299 = tpu.vector_load %arg7[%swap3A_298] {strides = array<i32>} : memref<128xi32, #tpu.memory_space<vmem>>, vector<16xi32>,
      %swap3A_300 = vector.shape_cast %swap3A_299 : vector<16xi32> to vector<16xi32>
      %swap3A_301 = vector.shape_cast %add3A_297 : vector<16xi32> to vector<16xi32>
      tpu.vector_store %arg7[%swap3A_298], %swap3A_301 {strides = array<i32>} : memref<128xi32, #tpu.memory_space<vmem>>, vector<16xi32>,
      %get3A_302 = arith.constant 112 : index
      %get3A_303 = tpu.vector_load %arg8[%get3A_302] {strides = array<i32>} : memref<128xi32, #tpu.memory_space<vmem>>, vector<16xi32>,
      %get3A_304 = vector.shape_cast %get3A_303 : vector<16xi32> to vector<16xi32>
      %sub3A_305 = vector.broadcast %mul3A_2 : i32 to vector<16xi32>
      %sub3A_306 = arith.subi %get3A_304, %sub3A_305 : vector<16xi32>
      %ge3A_307 = arith.constant 0 : i32
      %ge3A_308 = vector.broadcast %ge3A_307 : i32 to vector<16xi32>
      %ge3A_309 = arith.cmpi sge, %sub3A_306, %ge3A_308 : vector<16xi32>
      %lt3A_310 = arith.constant 51200 : i32
      %lt3A_311 = vector.broadcast %lt3A_310 : i32 to vector<16xi32>
      %lt3A_312 = arith.cmpi slt, %sub3A_306, %lt3A_311 : vector<16xi32>
      %and3A_313 = arith.andi %ge3A_309, %lt3A_312 : vector<16xi1>
      %jit3A_314 = arith.constant 51200 : i32
      %broadcast_in_dim3A_315 = vector.broadcast %jit3A_314 : i32 to vector<16xi32>
      %select_n3A_316 = arith.select %and3A_313, %sub3A_306, %broadcast_in_dim3A_315 : vector<16xi1>, vector<16xi32>
      %swap3A_317 = arith.constant 112 : index
      %swap3A_318 = tpu.vector_load %arg8[%swap3A_317] {strides = array<i32>} : memref<128xi32, #tpu.memory_space<vmem>>, vector<16xi32>,
      %swap3A_319 = vector.shape_cast %swap3A_318 : vector<16xi32> to vector<16xi32>
      %swap3A_320 = vector.shape_cast %select_n3A_316 : vector<16xi32> to vector<16xi32>
      tpu.vector_store %arg8[%swap3A_317], %swap3A_320 {strides = array<i32>} : memref<128xi32, #tpu.memory_space<vmem>>, vector<16xi32>,
      "tpu.region"() ({
        %run_scoped3A_321 = tpu.sem_alloc : memref<!tpu.dma_semaphore, #tpu.memory_space<semaphore_mem>>
        %dma_start3A = arith.constant 0 : i32
        %dma_start3A_322 = arith.constant 0 : i32
        %dma_start3A_323 = tpu.memref_slice %arg4[%dma_start3A, %dma_start3A_322] : memref<409600x16xf32, #tpu.memory_space<hbm>> -> memref<409600x16xf32, #tpu.memory_space<hbm>>
        tpu.enqueue_indirect_dma source(%dma_start3A_323 : memref<409600x16xf32, #tpu.memory_space<hbm>>) target(%arg9 : memref<128x16xf32, #tpu.memory_space<vmem>>) offsets(%arg7 : memref<128xi32, #tpu.memory_space<vmem>>) semaphore(%run_scoped3A_321 : memref<!tpu.dma_semaphore, #tpu.memory_space<semaphore_mem>>)
        %dma_wait3A = arith.constant 0 : i32
        %dma_wait3A_324 = arith.constant 0 : i32
        %dma_wait3A_325 = tpu.memref_slice %arg4[%dma_wait3A, %dma_wait3A_324] : memref<409600x16xf32, #tpu.memory_space<hbm>> -> memref<409600x16xf32, #tpu.memory_space<hbm>>
        tpu.wait_indirect_dma semaphore(%run_scoped3A_321 : memref<!tpu.dma_semaphore, #tpu.memory_space<semaphore_mem>>) src(%dma_wait3A_325 : memref<409600x16xf32, #tpu.memory_space<hbm>>) dst(%arg9 : memref<128x16xf32, #tpu.memory_space<vmem>>)
        tpu.yield
      }) : () -> ()
      "tpu.region"() ({
        %run_scoped3A_321 = tpu.sem_alloc : memref<!tpu.dma_semaphore, #tpu.memory_space<semaphore_mem>>
        %dma_start3A = arith.constant 0 : i32
        %dma_start3A_322 = arith.constant 0 : i32
        %dma_start3A_323 = tpu.memref_slice %arg11[%dma_start3A, %dma_start3A_322] : memref<51208x16xf32, #tpu.memory_space<vmem_shared>> -> memref<51208x16xf32, #tpu.memory_space<vmem_shared>>
        tpu.enqueue_indirect_dma source(%arg9 : memref<128x16xf32, #tpu.memory_space<vmem>>) target(%dma_start3A_323 : memref<51208x16xf32, #tpu.memory_space<vmem_shared>>) offsets(%arg8 : memref<128xi32, #tpu.memory_space<vmem>>) semaphore(%run_scoped3A_321 : memref<!tpu.dma_semaphore, #tpu.memory_space<semaphore_mem>>) {add = true}
        %dma_wait3A = arith.constant 0 : i32
        %dma_wait3A_324 = arith.constant 0 : i32
        %dma_wait3A_325 = tpu.memref_slice %arg11[%dma_wait3A, %dma_wait3A_324] : memref<51208x16xf32, #tpu.memory_space<vmem_shared>> -> memref<51208x16xf32, #tpu.memory_space<vmem_shared>>
        tpu.wait_indirect_dma semaphore(%run_scoped3A_321 : memref<!tpu.dma_semaphore, #tpu.memory_space<semaphore_mem>>) src(%arg9 : memref<128x16xf32, #tpu.memory_space<vmem>>) dst(%dma_wait3A_325 : memref<51208x16xf32, #tpu.memory_space<vmem_shared>>)
        tpu.yield
      }) : () -> ()
    }
    %scan3A_16 = arith.constant 782 : i32
    %barrier3A_17 = arith.constant 0 : index
    tpu.barrier barrier_id(%barrier3A_17)
    %add3A = arith.addi %mul3A_2, %mul3A_0 : i32
    %run_scoped3A = arith.constant 0 : i32
    "tpu.region"() ({
      %run_scoped3A_64 = tpu.sem_alloc : memref<!tpu.dma_semaphore, #tpu.memory_space<semaphore_mem>>
      %dma_start3A = arith.constant 0 : i32
      %dma_start3A_65 = tpu.memref_slice %arg5[%run_scoped3A, %add3A, %dma_start3A] : memref<4x102400x16xf32, #tpu.memory_space<hbm>> -> memref<1x3200x16xf32, #tpu.memory_space<hbm>>
      %dma_start3A_66 = tpu.memref_squeeze %dma_start3A_65 : memref<1x3200x16xf32, #tpu.memory_space<hbm>> -> memref<3200x16xf32, #tpu.memory_space<hbm>>
      %dma_start3A_67 = arith.constant 0 : i32
      %dma_start3A_68 = tpu.memref_slice %arg11[%mul3A_0, %dma_start3A_67] : memref<51208x16xf32, #tpu.memory_space<vmem_shared>> -> memref<3200x16xf32, #tpu.memory_space<vmem_shared>>
      tpu.enqueue_dma source(%dma_start3A_68 : memref<3200x16xf32, #tpu.memory_space<vmem_shared>>) target(%dma_start3A_66 : memref<3200x16xf32, #tpu.memory_space<hbm>>) target_semaphore(%run_scoped3A_64 : memref<!tpu.dma_semaphore, #tpu.memory_space<semaphore_mem>>)
      %dma_wait3A = arith.constant 0 : i32
      %dma_wait3A_69 = tpu.memref_slice %arg5[%run_scoped3A, %add3A, %dma_wait3A] : memref<4x102400x16xf32, #tpu.memory_space<hbm>> -> memref<1x3200x16xf32, #tpu.memory_space<hbm>>
      %dma_wait3A_70 = tpu.memref_squeeze %dma_wait3A_69 : memref<1x3200x16xf32, #tpu.memory_space<hbm>> -> memref<3200x16xf32, #tpu.memory_space<hbm>>
      %dma_wait3A_71 = arith.constant 0 : i32
      %dma_wait3A_72 = tpu.memref_slice %arg11[%mul3A_0, %dma_wait3A_71] : memref<51208x16xf32, #tpu.memory_space<vmem_shared>> -> memref<3200x16xf32, #tpu.memory_space<vmem_shared>>
      tpu.wait_dma2 semaphore(%run_scoped3A_64 : memref<!tpu.dma_semaphore, #tpu.memory_space<semaphore_mem>>) src(%dma_wait3A_72 : memref<3200x16xf32, #tpu.memory_space<vmem_shared>>) dst(%dma_wait3A_70 : memref<3200x16xf32, #tpu.memory_space<hbm>>)
      tpu.yield
    }) : () -> ()
    %barrier3A_18 = arith.constant 0 : index
    tpu.barrier barrier_id(%barrier3A_18)
    %scan3A_19 = arith.constant 0 : i32
    %scan3A_20 = arith.constant 25 : i32
    %scan3A_21 = arith.addi %scan3A_19, %scan3A_20 : i32
    %scan3A_22 = arith.constant 1 : i32
    scf.for %scan3A_64 = %scan3A_19 to %scan3A_21 step %scan3A_22  : i32 {
      %mul3A_65 = arith.constant 1 : i32
      %mul3A_66 = arith.muli %scan3A_64, %mul3A_65 : i32
      %add3A_67 = arith.constant 0 : i32
      %add3A_68 = arith.addi %add3A_67, %mul3A_66 : i32
      %mul3A_69 = arith.constant 128 : i32
      %mul3A_70 = arith.muli %add3A_68, %mul3A_69 : i32
      %add3A_71 = arith.addi %mul3A_0, %mul3A_70 : i32
      "tpu.region"() ({
        %run_scoped3A_72 = tpu.sem_alloc : memref<!tpu.dma_semaphore, #tpu.memory_space<semaphore_mem>>
        %dma_start3A = arith.constant 0 : i32
        %dma_start3A_73 = tpu.memref_slice %arg11[%add3A_71, %dma_start3A] : memref<51208x16xf32, #tpu.memory_space<vmem_shared>> -> memref<128x16xf32, #tpu.memory_space<vmem_shared>>
        %dma_start3A_74 = arith.constant 0 : i32
        %dma_start3A_75 = tpu.memref_slice %arg11[%add3A_71, %dma_start3A_74] : memref<51208x16xf32, #tpu.memory_space<vmem_shared>> -> memref<128x16xf32, #tpu.memory_space<vmem_shared>>
        tpu.enqueue_dma source(%arg10 : memref<128x16xf32, #tpu.memory_space<vmem>>) target(%dma_start3A_75 : memref<128x16xf32, #tpu.memory_space<vmem_shared>>) target_semaphore(%run_scoped3A_72 : memref<!tpu.dma_semaphore, #tpu.memory_space<semaphore_mem>>)
        %dma_wait3A = arith.constant 0 : i32
        %dma_wait3A_76 = tpu.memref_slice %arg11[%add3A_71, %dma_wait3A] : memref<51208x16xf32, #tpu.memory_space<vmem_shared>> -> memref<128x16xf32, #tpu.memory_space<vmem_shared>>
        %dma_wait3A_77 = arith.constant 0 : i32
        %dma_wait3A_78 = tpu.memref_slice %arg11[%add3A_71, %dma_wait3A_77] : memref<51208x16xf32, #tpu.memory_space<vmem_shared>> -> memref<128x16xf32, #tpu.memory_space<vmem_shared>>
        tpu.wait_dma2 semaphore(%run_scoped3A_72 : memref<!tpu.dma_semaphore, #tpu.memory_space<semaphore_mem>>) src(%arg10 : memref<128x16xf32, #tpu.memory_space<vmem>>) dst(%dma_wait3A_78 : memref<128x16xf32, #tpu.memory_space<vmem_shared>>)
        tpu.yield
      }) : () -> ()
    }
    %scan3A_23 = arith.constant 25 : i32
    %barrier3A_24 = arith.constant 0 : index
    tpu.barrier barrier_id(%barrier3A_24)
    %scan3A_25 = arith.constant 0 : i32
    %scan3A_26 = arith.constant 782 : i32
    %scan3A_27 = arith.addi %scan3A_25, %scan3A_26 : i32
    %scan3A_28 = arith.constant 1 : i32
    scf.for %scan3A_64 = %scan3A_25 to %scan3A_27 step %scan3A_28  : i32 {
      %mul3A_65 = arith.constant 1 : i32
      %mul3A_66 = arith.muli %scan3A_64, %mul3A_65 : i32
      %add3A_67 = arith.constant 0 : i32
      %add3A_68 = arith.addi %add3A_67, %mul3A_66 : i32
      %mul3A_69 = arith.constant 100096 : i32
      %mul3A_70 = arith.muli %arg1, %mul3A_69 : i32
      %mul3A_71 = arith.constant 128 : i32
      %mul3A_72 = arith.muli %add3A_68, %mul3A_71 : i32
      %add3A_73 = arith.addi %mul3A_70, %mul3A_72 : i32
      "tpu.region"() ({
        %run_scoped3A_321 = tpu.sem_alloc : memref<!tpu.dma_semaphore, #tpu.memory_space<semaphore_mem>>
        %dma_start3A = tpu.memref_slice %arg2[%add3A_73] : memref<1601536xi32, #tpu.memory_space<hbm>> -> memref<128xi32, #tpu.memory_space<hbm>>
        %dma_start3A_322 = tpu.memref_slice %arg2[%add3A_73] : memref<1601536xi32, #tpu.memory_space<hbm>> -> memref<128xi32, #tpu.memory_space<hbm>>
        tpu.enqueue_dma source(%dma_start3A_322 : memref<128xi32, #tpu.memory_space<hbm>>) target(%arg6 : memref<128xi32, #tpu.memory_space<vmem>>) target_semaphore(%run_scoped3A_321 : memref<!tpu.dma_semaphore, #tpu.memory_space<semaphore_mem>>)
        %dma_wait3A = tpu.memref_slice %arg2[%add3A_73] : memref<1601536xi32, #tpu.memory_space<hbm>> -> memref<128xi32, #tpu.memory_space<hbm>>
        %dma_wait3A_323 = tpu.memref_slice %arg2[%add3A_73] : memref<1601536xi32, #tpu.memory_space<hbm>> -> memref<128xi32, #tpu.memory_space<hbm>>
        tpu.wait_dma2 semaphore(%run_scoped3A_321 : memref<!tpu.dma_semaphore, #tpu.memory_space<semaphore_mem>>) src(%dma_wait3A_323 : memref<128xi32, #tpu.memory_space<hbm>>) dst(%arg6 : memref<128xi32, #tpu.memory_space<vmem>>)
        tpu.yield
      }) : () -> ()
      "tpu.region"() ({
        %run_scoped3A_321 = tpu.sem_alloc : memref<!tpu.dma_semaphore, #tpu.memory_space<semaphore_mem>>
        %dma_start3A = tpu.memref_slice %arg3[%add3A_73] : memref<1601536xi32, #tpu.memory_space<hbm>> -> memref<128xi32, #tpu.memory_space<hbm>>
        %dma_start3A_322 = tpu.memref_slice %arg3[%add3A_73] : memref<1601536xi32, #tpu.memory_space<hbm>> -> memref<128xi32, #tpu.memory_space<hbm>>
        tpu.enqueue_dma source(%dma_start3A_322 : memref<128xi32, #tpu.memory_space<hbm>>) target(%arg8 : memref<128xi32, #tpu.memory_space<vmem>>) target_semaphore(%run_scoped3A_321 : memref<!tpu.dma_semaphore, #tpu.memory_space<semaphore_mem>>)
        %dma_wait3A = tpu.memref_slice %arg3[%add3A_73] : memref<1601536xi32, #tpu.memory_space<hbm>> -> memref<128xi32, #tpu.memory_space<hbm>>
        %dma_wait3A_323 = tpu.memref_slice %arg3[%add3A_73] : memref<1601536xi32, #tpu.memory_space<hbm>> -> memref<128xi32, #tpu.memory_space<hbm>>
        tpu.wait_dma2 semaphore(%run_scoped3A_321 : memref<!tpu.dma_semaphore, #tpu.memory_space<semaphore_mem>>) src(%dma_wait3A_323 : memref<128xi32, #tpu.memory_space<hbm>>) dst(%arg8 : memref<128xi32, #tpu.memory_space<vmem>>)
        tpu.yield
      }) : () -> ()
      %get3A = arith.constant 0 : index
      %get3A_74 = tpu.vector_load %arg6[%get3A] {strides = array<i32>} : memref<128xi32, #tpu.memory_space<vmem>>, vector<16xi32>,
      %get3A_75 = vector.shape_cast %get3A_74 : vector<16xi32> to vector<16xi32>
      %mul3A_76 = arith.constant 4 : i32
      %mul3A_77 = vector.broadcast %mul3A_76 : i32 to vector<16xi32>
      %mul3A_78 = arith.muli %get3A_75, %mul3A_77 : vector<16xi32>
      %add3A_79 = arith.constant 1 : i32
      %add3A_80 = vector.broadcast %add3A_79 : i32 to vector<16xi32>
      %add3A_81 = arith.addi %mul3A_78, %add3A_80 : vector<16xi32>
      %swap3A = arith.constant 0 : index
      %swap3A_82 = tpu.vector_load %arg7[%swap3A] {strides = array<i32>} : memref<128xi32, #tpu.memory_space<vmem>>, vector<16xi32>,
      %swap3A_83 = vector.shape_cast %swap3A_82 : vector<16xi32> to vector<16xi32>
      %swap3A_84 = vector.shape_cast %add3A_81 : vector<16xi32> to vector<16xi32>
      tpu.vector_store %arg7[%swap3A], %swap3A_84 {strides = array<i32>} : memref<128xi32, #tpu.memory_space<vmem>>, vector<16xi32>,
      %get3A_85 = arith.constant 0 : index
      %get3A_86 = tpu.vector_load %arg8[%get3A_85] {strides = array<i32>} : memref<128xi32, #tpu.memory_space<vmem>>, vector<16xi32>,
      %get3A_87 = vector.shape_cast %get3A_86 : vector<16xi32> to vector<16xi32>
      %sub3A = vector.broadcast %mul3A_2 : i32 to vector<16xi32>
      %sub3A_88 = arith.subi %get3A_87, %sub3A : vector<16xi32>
      %ge3A = arith.constant 0 : i32
      %ge3A_89 = vector.broadcast %ge3A : i32 to vector<16xi32>
      %ge3A_90 = arith.cmpi sge, %sub3A_88, %ge3A_89 : vector<16xi32>
      %lt3A = arith.constant 51200 : i32
      %lt3A_91 = vector.broadcast %lt3A : i32 to vector<16xi32>
      %lt3A_92 = arith.cmpi slt, %sub3A_88, %lt3A_91 : vector<16xi32>
      %and3A = arith.andi %ge3A_90, %lt3A_92 : vector<16xi1>
      %jit3A = arith.constant 51200 : i32
      %broadcast_in_dim3A = vector.broadcast %jit3A : i32 to vector<16xi32>
      %select_n3A = arith.select %and3A, %sub3A_88, %broadcast_in_dim3A : vector<16xi1>, vector<16xi32>
      %swap3A_93 = arith.constant 0 : index
      %swap3A_94 = tpu.vector_load %arg8[%swap3A_93] {strides = array<i32>} : memref<128xi32, #tpu.memory_space<vmem>>, vector<16xi32>,
      %swap3A_95 = vector.shape_cast %swap3A_94 : vector<16xi32> to vector<16xi32>
      %swap3A_96 = vector.shape_cast %select_n3A : vector<16xi32> to vector<16xi32>
      tpu.vector_store %arg8[%swap3A_93], %swap3A_96 {strides = array<i32>} : memref<128xi32, #tpu.memory_space<vmem>>, vector<16xi32>,
      %get3A_97 = arith.constant 16 : index
      %get3A_98 = tpu.vector_load %arg6[%get3A_97] {strides = array<i32>} : memref<128xi32, #tpu.memory_space<vmem>>, vector<16xi32>,
      %get3A_99 = vector.shape_cast %get3A_98 : vector<16xi32> to vector<16xi32>
      %mul3A_100 = arith.constant 4 : i32
      %mul3A_101 = vector.broadcast %mul3A_100 : i32 to vector<16xi32>
      %mul3A_102 = arith.muli %get3A_99, %mul3A_101 : vector<16xi32>
      %add3A_103 = arith.constant 1 : i32
      %add3A_104 = vector.broadcast %add3A_103 : i32 to vector<16xi32>
      %add3A_105 = arith.addi %mul3A_102, %add3A_104 : vector<16xi32>
      %swap3A_106 = arith.constant 16 : index
      %swap3A_107 = tpu.vector_load %arg7[%swap3A_106] {strides = array<i32>} : memref<128xi32, #tpu.memory_space<vmem>>, vector<16xi32>,
      %swap3A_108 = vector.shape_cast %swap3A_107 : vector<16xi32> to vector<16xi32>
      %swap3A_109 = vector.shape_cast %add3A_105 : vector<16xi32> to vector<16xi32>
      tpu.vector_store %arg7[%swap3A_106], %swap3A_109 {strides = array<i32>} : memref<128xi32, #tpu.memory_space<vmem>>, vector<16xi32>,
      %get3A_110 = arith.constant 16 : index
      %get3A_111 = tpu.vector_load %arg8[%get3A_110] {strides = array<i32>} : memref<128xi32, #tpu.memory_space<vmem>>, vector<16xi32>,
      %get3A_112 = vector.shape_cast %get3A_111 : vector<16xi32> to vector<16xi32>
      %sub3A_113 = vector.broadcast %mul3A_2 : i32 to vector<16xi32>
      %sub3A_114 = arith.subi %get3A_112, %sub3A_113 : vector<16xi32>
      %ge3A_115 = arith.constant 0 : i32
      %ge3A_116 = vector.broadcast %ge3A_115 : i32 to vector<16xi32>
      %ge3A_117 = arith.cmpi sge, %sub3A_114, %ge3A_116 : vector<16xi32>
      %lt3A_118 = arith.constant 51200 : i32
      %lt3A_119 = vector.broadcast %lt3A_118 : i32 to vector<16xi32>
      %lt3A_120 = arith.cmpi slt, %sub3A_114, %lt3A_119 : vector<16xi32>
      %and3A_121 = arith.andi %ge3A_117, %lt3A_120 : vector<16xi1>
      %jit3A_122 = arith.constant 51200 : i32
      %broadcast_in_dim3A_123 = vector.broadcast %jit3A_122 : i32 to vector<16xi32>
      %select_n3A_124 = arith.select %and3A_121, %sub3A_114, %broadcast_in_dim3A_123 : vector<16xi1>, vector<16xi32>
      %swap3A_125 = arith.constant 16 : index
      %swap3A_126 = tpu.vector_load %arg8[%swap3A_125] {strides = array<i32>} : memref<128xi32, #tpu.memory_space<vmem>>, vector<16xi32>,
      %swap3A_127 = vector.shape_cast %swap3A_126 : vector<16xi32> to vector<16xi32>
      %swap3A_128 = vector.shape_cast %select_n3A_124 : vector<16xi32> to vector<16xi32>
      tpu.vector_store %arg8[%swap3A_125], %swap3A_128 {strides = array<i32>} : memref<128xi32, #tpu.memory_space<vmem>>, vector<16xi32>,
      %get3A_129 = arith.constant 32 : index
      %get3A_130 = tpu.vector_load %arg6[%get3A_129] {strides = array<i32>} : memref<128xi32, #tpu.memory_space<vmem>>, vector<16xi32>,
      %get3A_131 = vector.shape_cast %get3A_130 : vector<16xi32> to vector<16xi32>
      %mul3A_132 = arith.constant 4 : i32
      %mul3A_133 = vector.broadcast %mul3A_132 : i32 to vector<16xi32>
      %mul3A_134 = arith.muli %get3A_131, %mul3A_133 : vector<16xi32>
      %add3A_135 = arith.constant 1 : i32
      %add3A_136 = vector.broadcast %add3A_135 : i32 to vector<16xi32>
      %add3A_137 = arith.addi %mul3A_134, %add3A_136 : vector<16xi32>
      %swap3A_138 = arith.constant 32 : index
      %swap3A_139 = tpu.vector_load %arg7[%swap3A_138] {strides = array<i32>} : memref<128xi32, #tpu.memory_space<vmem>>, vector<16xi32>,
      %swap3A_140 = vector.shape_cast %swap3A_139 : vector<16xi32> to vector<16xi32>
      %swap3A_141 = vector.shape_cast %add3A_137 : vector<16xi32> to vector<16xi32>
      tpu.vector_store %arg7[%swap3A_138], %swap3A_141 {strides = array<i32>} : memref<128xi32, #tpu.memory_space<vmem>>, vector<16xi32>,
      %get3A_142 = arith.constant 32 : index
      %get3A_143 = tpu.vector_load %arg8[%get3A_142] {strides = array<i32>} : memref<128xi32, #tpu.memory_space<vmem>>, vector<16xi32>,
      %get3A_144 = vector.shape_cast %get3A_143 : vector<16xi32> to vector<16xi32>
      %sub3A_145 = vector.broadcast %mul3A_2 : i32 to vector<16xi32>
      %sub3A_146 = arith.subi %get3A_144, %sub3A_145 : vector<16xi32>
      %ge3A_147 = arith.constant 0 : i32
      %ge3A_148 = vector.broadcast %ge3A_147 : i32 to vector<16xi32>
      %ge3A_149 = arith.cmpi sge, %sub3A_146, %ge3A_148 : vector<16xi32>
      %lt3A_150 = arith.constant 51200 : i32
      %lt3A_151 = vector.broadcast %lt3A_150 : i32 to vector<16xi32>
      %lt3A_152 = arith.cmpi slt, %sub3A_146, %lt3A_151 : vector<16xi32>
      %and3A_153 = arith.andi %ge3A_149, %lt3A_152 : vector<16xi1>
      %jit3A_154 = arith.constant 51200 : i32
      %broadcast_in_dim3A_155 = vector.broadcast %jit3A_154 : i32 to vector<16xi32>
      %select_n3A_156 = arith.select %and3A_153, %sub3A_146, %broadcast_in_dim3A_155 : vector<16xi1>, vector<16xi32>
      %swap3A_157 = arith.constant 32 : index
      %swap3A_158 = tpu.vector_load %arg8[%swap3A_157] {strides = array<i32>} : memref<128xi32, #tpu.memory_space<vmem>>, vector<16xi32>,
      %swap3A_159 = vector.shape_cast %swap3A_158 : vector<16xi32> to vector<16xi32>
      %swap3A_160 = vector.shape_cast %select_n3A_156 : vector<16xi32> to vector<16xi32>
      tpu.vector_store %arg8[%swap3A_157], %swap3A_160 {strides = array<i32>} : memref<128xi32, #tpu.memory_space<vmem>>, vector<16xi32>,
      %get3A_161 = arith.constant 48 : index
      %get3A_162 = tpu.vector_load %arg6[%get3A_161] {strides = array<i32>} : memref<128xi32, #tpu.memory_space<vmem>>, vector<16xi32>,
      %get3A_163 = vector.shape_cast %get3A_162 : vector<16xi32> to vector<16xi32>
      %mul3A_164 = arith.constant 4 : i32
      %mul3A_165 = vector.broadcast %mul3A_164 : i32 to vector<16xi32>
      %mul3A_166 = arith.muli %get3A_163, %mul3A_165 : vector<16xi32>
      %add3A_167 = arith.constant 1 : i32
      %add3A_168 = vector.broadcast %add3A_167 : i32 to vector<16xi32>
      %add3A_169 = arith.addi %mul3A_166, %add3A_168 : vector<16xi32>
      %swap3A_170 = arith.constant 48 : index
      %swap3A_171 = tpu.vector_load %arg7[%swap3A_170] {strides = array<i32>} : memref<128xi32, #tpu.memory_space<vmem>>, vector<16xi32>,
      %swap3A_172 = vector.shape_cast %swap3A_171 : vector<16xi32> to vector<16xi32>
      %swap3A_173 = vector.shape_cast %add3A_169 : vector<16xi32> to vector<16xi32>
      tpu.vector_store %arg7[%swap3A_170], %swap3A_173 {strides = array<i32>} : memref<128xi32, #tpu.memory_space<vmem>>, vector<16xi32>,
      %get3A_174 = arith.constant 48 : index
      %get3A_175 = tpu.vector_load %arg8[%get3A_174] {strides = array<i32>} : memref<128xi32, #tpu.memory_space<vmem>>, vector<16xi32>,
      %get3A_176 = vector.shape_cast %get3A_175 : vector<16xi32> to vector<16xi32>
      %sub3A_177 = vector.broadcast %mul3A_2 : i32 to vector<16xi32>
      %sub3A_178 = arith.subi %get3A_176, %sub3A_177 : vector<16xi32>
      %ge3A_179 = arith.constant 0 : i32
      %ge3A_180 = vector.broadcast %ge3A_179 : i32 to vector<16xi32>
      %ge3A_181 = arith.cmpi sge, %sub3A_178, %ge3A_180 : vector<16xi32>
      %lt3A_182 = arith.constant 51200 : i32
      %lt3A_183 = vector.broadcast %lt3A_182 : i32 to vector<16xi32>
      %lt3A_184 = arith.cmpi slt, %sub3A_178, %lt3A_183 : vector<16xi32>
      %and3A_185 = arith.andi %ge3A_181, %lt3A_184 : vector<16xi1>
      %jit3A_186 = arith.constant 51200 : i32
      %broadcast_in_dim3A_187 = vector.broadcast %jit3A_186 : i32 to vector<16xi32>
      %select_n3A_188 = arith.select %and3A_185, %sub3A_178, %broadcast_in_dim3A_187 : vector<16xi1>, vector<16xi32>
      %swap3A_189 = arith.constant 48 : index
      %swap3A_190 = tpu.vector_load %arg8[%swap3A_189] {strides = array<i32>} : memref<128xi32, #tpu.memory_space<vmem>>, vector<16xi32>,
      %swap3A_191 = vector.shape_cast %swap3A_190 : vector<16xi32> to vector<16xi32>
      %swap3A_192 = vector.shape_cast %select_n3A_188 : vector<16xi32> to vector<16xi32>
      tpu.vector_store %arg8[%swap3A_189], %swap3A_192 {strides = array<i32>} : memref<128xi32, #tpu.memory_space<vmem>>, vector<16xi32>,
      %get3A_193 = arith.constant 64 : index
      %get3A_194 = tpu.vector_load %arg6[%get3A_193] {strides = array<i32>} : memref<128xi32, #tpu.memory_space<vmem>>, vector<16xi32>,
      %get3A_195 = vector.shape_cast %get3A_194 : vector<16xi32> to vector<16xi32>
      %mul3A_196 = arith.constant 4 : i32
      %mul3A_197 = vector.broadcast %mul3A_196 : i32 to vector<16xi32>
      %mul3A_198 = arith.muli %get3A_195, %mul3A_197 : vector<16xi32>
      %add3A_199 = arith.constant 1 : i32
      %add3A_200 = vector.broadcast %add3A_199 : i32 to vector<16xi32>
      %add3A_201 = arith.addi %mul3A_198, %add3A_200 : vector<16xi32>
      %swap3A_202 = arith.constant 64 : index
      %swap3A_203 = tpu.vector_load %arg7[%swap3A_202] {strides = array<i32>} : memref<128xi32, #tpu.memory_space<vmem>>, vector<16xi32>,
      %swap3A_204 = vector.shape_cast %swap3A_203 : vector<16xi32> to vector<16xi32>
      %swap3A_205 = vector.shape_cast %add3A_201 : vector<16xi32> to vector<16xi32>
      tpu.vector_store %arg7[%swap3A_202], %swap3A_205 {strides = array<i32>} : memref<128xi32, #tpu.memory_space<vmem>>, vector<16xi32>,
      %get3A_206 = arith.constant 64 : index
      %get3A_207 = tpu.vector_load %arg8[%get3A_206] {strides = array<i32>} : memref<128xi32, #tpu.memory_space<vmem>>, vector<16xi32>,
      %get3A_208 = vector.shape_cast %get3A_207 : vector<16xi32> to vector<16xi32>
      %sub3A_209 = vector.broadcast %mul3A_2 : i32 to vector<16xi32>
      %sub3A_210 = arith.subi %get3A_208, %sub3A_209 : vector<16xi32>
      %ge3A_211 = arith.constant 0 : i32
      %ge3A_212 = vector.broadcast %ge3A_211 : i32 to vector<16xi32>
      %ge3A_213 = arith.cmpi sge, %sub3A_210, %ge3A_212 : vector<16xi32>
      %lt3A_214 = arith.constant 51200 : i32
      %lt3A_215 = vector.broadcast %lt3A_214 : i32 to vector<16xi32>
      %lt3A_216 = arith.cmpi slt, %sub3A_210, %lt3A_215 : vector<16xi32>
      %and3A_217 = arith.andi %ge3A_213, %lt3A_216 : vector<16xi1>
      %jit3A_218 = arith.constant 51200 : i32
      %broadcast_in_dim3A_219 = vector.broadcast %jit3A_218 : i32 to vector<16xi32>
      %select_n3A_220 = arith.select %and3A_217, %sub3A_210, %broadcast_in_dim3A_219 : vector<16xi1>, vector<16xi32>
      %swap3A_221 = arith.constant 64 : index
      %swap3A_222 = tpu.vector_load %arg8[%swap3A_221] {strides = array<i32>} : memref<128xi32, #tpu.memory_space<vmem>>, vector<16xi32>,
      %swap3A_223 = vector.shape_cast %swap3A_222 : vector<16xi32> to vector<16xi32>
      %swap3A_224 = vector.shape_cast %select_n3A_220 : vector<16xi32> to vector<16xi32>
      tpu.vector_store %arg8[%swap3A_221], %swap3A_224 {strides = array<i32>} : memref<128xi32, #tpu.memory_space<vmem>>, vector<16xi32>,
      %get3A_225 = arith.constant 80 : index
      %get3A_226 = tpu.vector_load %arg6[%get3A_225] {strides = array<i32>} : memref<128xi32, #tpu.memory_space<vmem>>, vector<16xi32>,
      %get3A_227 = vector.shape_cast %get3A_226 : vector<16xi32> to vector<16xi32>
      %mul3A_228 = arith.constant 4 : i32
      %mul3A_229 = vector.broadcast %mul3A_228 : i32 to vector<16xi32>
      %mul3A_230 = arith.muli %get3A_227, %mul3A_229 : vector<16xi32>
      %add3A_231 = arith.constant 1 : i32
      %add3A_232 = vector.broadcast %add3A_231 : i32 to vector<16xi32>
      %add3A_233 = arith.addi %mul3A_230, %add3A_232 : vector<16xi32>
      %swap3A_234 = arith.constant 80 : index
      %swap3A_235 = tpu.vector_load %arg7[%swap3A_234] {strides = array<i32>} : memref<128xi32, #tpu.memory_space<vmem>>, vector<16xi32>,
      %swap3A_236 = vector.shape_cast %swap3A_235 : vector<16xi32> to vector<16xi32>
      %swap3A_237 = vector.shape_cast %add3A_233 : vector<16xi32> to vector<16xi32>
      tpu.vector_store %arg7[%swap3A_234], %swap3A_237 {strides = array<i32>} : memref<128xi32, #tpu.memory_space<vmem>>, vector<16xi32>,
      %get3A_238 = arith.constant 80 : index
      %get3A_239 = tpu.vector_load %arg8[%get3A_238] {strides = array<i32>} : memref<128xi32, #tpu.memory_space<vmem>>, vector<16xi32>,
      %get3A_240 = vector.shape_cast %get3A_239 : vector<16xi32> to vector<16xi32>
      %sub3A_241 = vector.broadcast %mul3A_2 : i32 to vector<16xi32>
      %sub3A_242 = arith.subi %get3A_240, %sub3A_241 : vector<16xi32>
      %ge3A_243 = arith.constant 0 : i32
      %ge3A_244 = vector.broadcast %ge3A_243 : i32 to vector<16xi32>
      %ge3A_245 = arith.cmpi sge, %sub3A_242, %ge3A_244 : vector<16xi32>
      %lt3A_246 = arith.constant 51200 : i32
      %lt3A_247 = vector.broadcast %lt3A_246 : i32 to vector<16xi32>
      %lt3A_248 = arith.cmpi slt, %sub3A_242, %lt3A_247 : vector<16xi32>
      %and3A_249 = arith.andi %ge3A_245, %lt3A_248 : vector<16xi1>
      %jit3A_250 = arith.constant 51200 : i32
      %broadcast_in_dim3A_251 = vector.broadcast %jit3A_250 : i32 to vector<16xi32>
      %select_n3A_252 = arith.select %and3A_249, %sub3A_242, %broadcast_in_dim3A_251 : vector<16xi1>, vector<16xi32>
      %swap3A_253 = arith.constant 80 : index
      %swap3A_254 = tpu.vector_load %arg8[%swap3A_253] {strides = array<i32>} : memref<128xi32, #tpu.memory_space<vmem>>, vector<16xi32>,
      %swap3A_255 = vector.shape_cast %swap3A_254 : vector<16xi32> to vector<16xi32>
      %swap3A_256 = vector.shape_cast %select_n3A_252 : vector<16xi32> to vector<16xi32>
      tpu.vector_store %arg8[%swap3A_253], %swap3A_256 {strides = array<i32>} : memref<128xi32, #tpu.memory_space<vmem>>, vector<16xi32>,
      %get3A_257 = arith.constant 96 : index
      %get3A_258 = tpu.vector_load %arg6[%get3A_257] {strides = array<i32>} : memref<128xi32, #tpu.memory_space<vmem>>, vector<16xi32>,
      %get3A_259 = vector.shape_cast %get3A_258 : vector<16xi32> to vector<16xi32>
      %mul3A_260 = arith.constant 4 : i32
      %mul3A_261 = vector.broadcast %mul3A_260 : i32 to vector<16xi32>
      %mul3A_262 = arith.muli %get3A_259, %mul3A_261 : vector<16xi32>
      %add3A_263 = arith.constant 1 : i32
      %add3A_264 = vector.broadcast %add3A_263 : i32 to vector<16xi32>
      %add3A_265 = arith.addi %mul3A_262, %add3A_264 : vector<16xi32>
      %swap3A_266 = arith.constant 96 : index
      %swap3A_267 = tpu.vector_load %arg7[%swap3A_266] {strides = array<i32>} : memref<128xi32, #tpu.memory_space<vmem>>, vector<16xi32>,
      %swap3A_268 = vector.shape_cast %swap3A_267 : vector<16xi32> to vector<16xi32>
      %swap3A_269 = vector.shape_cast %add3A_265 : vector<16xi32> to vector<16xi32>
      tpu.vector_store %arg7[%swap3A_266], %swap3A_269 {strides = array<i32>} : memref<128xi32, #tpu.memory_space<vmem>>, vector<16xi32>,
      %get3A_270 = arith.constant 96 : index
      %get3A_271 = tpu.vector_load %arg8[%get3A_270] {strides = array<i32>} : memref<128xi32, #tpu.memory_space<vmem>>, vector<16xi32>,
      %get3A_272 = vector.shape_cast %get3A_271 : vector<16xi32> to vector<16xi32>
      %sub3A_273 = vector.broadcast %mul3A_2 : i32 to vector<16xi32>
      %sub3A_274 = arith.subi %get3A_272, %sub3A_273 : vector<16xi32>
      %ge3A_275 = arith.constant 0 : i32
      %ge3A_276 = vector.broadcast %ge3A_275 : i32 to vector<16xi32>
      %ge3A_277 = arith.cmpi sge, %sub3A_274, %ge3A_276 : vector<16xi32>
      %lt3A_278 = arith.constant 51200 : i32
      %lt3A_279 = vector.broadcast %lt3A_278 : i32 to vector<16xi32>
      %lt3A_280 = arith.cmpi slt, %sub3A_274, %lt3A_279 : vector<16xi32>
      %and3A_281 = arith.andi %ge3A_277, %lt3A_280 : vector<16xi1>
      %jit3A_282 = arith.constant 51200 : i32
      %broadcast_in_dim3A_283 = vector.broadcast %jit3A_282 : i32 to vector<16xi32>
      %select_n3A_284 = arith.select %and3A_281, %sub3A_274, %broadcast_in_dim3A_283 : vector<16xi1>, vector<16xi32>
      %swap3A_285 = arith.constant 96 : index
      %swap3A_286 = tpu.vector_load %arg8[%swap3A_285] {strides = array<i32>} : memref<128xi32, #tpu.memory_space<vmem>>, vector<16xi32>,
      %swap3A_287 = vector.shape_cast %swap3A_286 : vector<16xi32> to vector<16xi32>
      %swap3A_288 = vector.shape_cast %select_n3A_284 : vector<16xi32> to vector<16xi32>
      tpu.vector_store %arg8[%swap3A_285], %swap3A_288 {strides = array<i32>} : memref<128xi32, #tpu.memory_space<vmem>>, vector<16xi32>,
      %get3A_289 = arith.constant 112 : index
      %get3A_290 = tpu.vector_load %arg6[%get3A_289] {strides = array<i32>} : memref<128xi32, #tpu.memory_space<vmem>>, vector<16xi32>,
      %get3A_291 = vector.shape_cast %get3A_290 : vector<16xi32> to vector<16xi32>
      %mul3A_292 = arith.constant 4 : i32
      %mul3A_293 = vector.broadcast %mul3A_292 : i32 to vector<16xi32>
      %mul3A_294 = arith.muli %get3A_291, %mul3A_293 : vector<16xi32>
      %add3A_295 = arith.constant 1 : i32
      %add3A_296 = vector.broadcast %add3A_295 : i32 to vector<16xi32>
      %add3A_297 = arith.addi %mul3A_294, %add3A_296 : vector<16xi32>
      %swap3A_298 = arith.constant 112 : index
      %swap3A_299 = tpu.vector_load %arg7[%swap3A_298] {strides = array<i32>} : memref<128xi32, #tpu.memory_space<vmem>>, vector<16xi32>,
      %swap3A_300 = vector.shape_cast %swap3A_299 : vector<16xi32> to vector<16xi32>
      %swap3A_301 = vector.shape_cast %add3A_297 : vector<16xi32> to vector<16xi32>
      tpu.vector_store %arg7[%swap3A_298], %swap3A_301 {strides = array<i32>} : memref<128xi32, #tpu.memory_space<vmem>>, vector<16xi32>,
      %get3A_302 = arith.constant 112 : index
      %get3A_303 = tpu.vector_load %arg8[%get3A_302] {strides = array<i32>} : memref<128xi32, #tpu.memory_space<vmem>>, vector<16xi32>,
      %get3A_304 = vector.shape_cast %get3A_303 : vector<16xi32> to vector<16xi32>
      %sub3A_305 = vector.broadcast %mul3A_2 : i32 to vector<16xi32>
      %sub3A_306 = arith.subi %get3A_304, %sub3A_305 : vector<16xi32>
      %ge3A_307 = arith.constant 0 : i32
      %ge3A_308 = vector.broadcast %ge3A_307 : i32 to vector<16xi32>
      %ge3A_309 = arith.cmpi sge, %sub3A_306, %ge3A_308 : vector<16xi32>
      %lt3A_310 = arith.constant 51200 : i32
      %lt3A_311 = vector.broadcast %lt3A_310 : i32 to vector<16xi32>
      %lt3A_312 = arith.cmpi slt, %sub3A_306, %lt3A_311 : vector<16xi32>
      %and3A_313 = arith.andi %ge3A_309, %lt3A_312 : vector<16xi1>
      %jit3A_314 = arith.constant 51200 : i32
      %broadcast_in_dim3A_315 = vector.broadcast %jit3A_314 : i32 to vector<16xi32>
      %select_n3A_316 = arith.select %and3A_313, %sub3A_306, %broadcast_in_dim3A_315 : vector<16xi1>, vector<16xi32>
      %swap3A_317 = arith.constant 112 : index
      %swap3A_318 = tpu.vector_load %arg8[%swap3A_317] {strides = array<i32>} : memref<128xi32, #tpu.memory_space<vmem>>, vector<16xi32>,
      %swap3A_319 = vector.shape_cast %swap3A_318 : vector<16xi32> to vector<16xi32>
      %swap3A_320 = vector.shape_cast %select_n3A_316 : vector<16xi32> to vector<16xi32>
      tpu.vector_store %arg8[%swap3A_317], %swap3A_320 {strides = array<i32>} : memref<128xi32, #tpu.memory_space<vmem>>, vector<16xi32>,
      "tpu.region"() ({
        %run_scoped3A_321 = tpu.sem_alloc : memref<!tpu.dma_semaphore, #tpu.memory_space<semaphore_mem>>
        %dma_start3A = arith.constant 0 : i32
        %dma_start3A_322 = arith.constant 0 : i32
        %dma_start3A_323 = tpu.memref_slice %arg4[%dma_start3A, %dma_start3A_322] : memref<409600x16xf32, #tpu.memory_space<hbm>> -> memref<409600x16xf32, #tpu.memory_space<hbm>>
        tpu.enqueue_indirect_dma source(%dma_start3A_323 : memref<409600x16xf32, #tpu.memory_space<hbm>>) target(%arg9 : memref<128x16xf32, #tpu.memory_space<vmem>>) offsets(%arg7 : memref<128xi32, #tpu.memory_space<vmem>>) semaphore(%run_scoped3A_321 : memref<!tpu.dma_semaphore, #tpu.memory_space<semaphore_mem>>)
        %dma_wait3A = arith.constant 0 : i32
        %dma_wait3A_324 = arith.constant 0 : i32
        %dma_wait3A_325 = tpu.memref_slice %arg4[%dma_wait3A, %dma_wait3A_324] : memref<409600x16xf32, #tpu.memory_space<hbm>> -> memref<409600x16xf32, #tpu.memory_space<hbm>>
        tpu.wait_indirect_dma semaphore(%run_scoped3A_321 : memref<!tpu.dma_semaphore, #tpu.memory_space<semaphore_mem>>) src(%dma_wait3A_325 : memref<409600x16xf32, #tpu.memory_space<hbm>>) dst(%arg9 : memref<128x16xf32, #tpu.memory_space<vmem>>)
        tpu.yield
      }) : () -> ()
      "tpu.region"() ({
        %run_scoped3A_321 = tpu.sem_alloc : memref<!tpu.dma_semaphore, #tpu.memory_space<semaphore_mem>>
        %dma_start3A = arith.constant 0 : i32
        %dma_start3A_322 = arith.constant 0 : i32
        %dma_start3A_323 = tpu.memref_slice %arg11[%dma_start3A, %dma_start3A_322] : memref<51208x16xf32, #tpu.memory_space<vmem_shared>> -> memref<51208x16xf32, #tpu.memory_space<vmem_shared>>
        tpu.enqueue_indirect_dma source(%arg9 : memref<128x16xf32, #tpu.memory_space<vmem>>) target(%dma_start3A_323 : memref<51208x16xf32, #tpu.memory_space<vmem_shared>>) offsets(%arg8 : memref<128xi32, #tpu.memory_space<vmem>>) semaphore(%run_scoped3A_321 : memref<!tpu.dma_semaphore, #tpu.memory_space<semaphore_mem>>) {add = true}
        %dma_wait3A = arith.constant 0 : i32
        %dma_wait3A_324 = arith.constant 0 : i32
        %dma_wait3A_325 = tpu.memref_slice %arg11[%dma_wait3A, %dma_wait3A_324] : memref<51208x16xf32, #tpu.memory_space<vmem_shared>> -> memref<51208x16xf32, #tpu.memory_space<vmem_shared>>
        tpu.wait_indirect_dma semaphore(%run_scoped3A_321 : memref<!tpu.dma_semaphore, #tpu.memory_space<semaphore_mem>>) src(%arg9 : memref<128x16xf32, #tpu.memory_space<vmem>>) dst(%dma_wait3A_325 : memref<51208x16xf32, #tpu.memory_space<vmem_shared>>)
        tpu.yield
      }) : () -> ()
    }
    %scan3A_29 = arith.constant 782 : i32
    %barrier3A_30 = arith.constant 0 : index
    tpu.barrier barrier_id(%barrier3A_30)
    %add3A_31 = arith.addi %mul3A_2, %mul3A_0 : i32
    %run_scoped3A_32 = arith.constant 1 : i32
    "tpu.region"() ({
      %run_scoped3A_64 = tpu.sem_alloc : memref<!tpu.dma_semaphore, #tpu.memory_space<semaphore_mem>>
      %dma_start3A = arith.constant 0 : i32
      %dma_start3A_65 = tpu.memref_slice %arg5[%run_scoped3A_32, %add3A_31, %dma_start3A] : memref<4x102400x16xf32, #tpu.memory_space<hbm>> -> memref<1x3200x16xf32, #tpu.memory_space<hbm>>
      %dma_start3A_66 = tpu.memref_squeeze %dma_start3A_65 : memref<1x3200x16xf32, #tpu.memory_space<hbm>> -> memref<3200x16xf32, #tpu.memory_space<hbm>>
      %dma_start3A_67 = arith.constant 0 : i32
      %dma_start3A_68 = tpu.memref_slice %arg11[%mul3A_0, %dma_start3A_67] : memref<51208x16xf32, #tpu.memory_space<vmem_shared>> -> memref<3200x16xf32, #tpu.memory_space<vmem_shared>>
      tpu.enqueue_dma source(%dma_start3A_68 : memref<3200x16xf32, #tpu.memory_space<vmem_shared>>) target(%dma_start3A_66 : memref<3200x16xf32, #tpu.memory_space<hbm>>) target_semaphore(%run_scoped3A_64 : memref<!tpu.dma_semaphore, #tpu.memory_space<semaphore_mem>>)
      %dma_wait3A = arith.constant 0 : i32
      %dma_wait3A_69 = tpu.memref_slice %arg5[%run_scoped3A_32, %add3A_31, %dma_wait3A] : memref<4x102400x16xf32, #tpu.memory_space<hbm>> -> memref<1x3200x16xf32, #tpu.memory_space<hbm>>
      %dma_wait3A_70 = tpu.memref_squeeze %dma_wait3A_69 : memref<1x3200x16xf32, #tpu.memory_space<hbm>> -> memref<3200x16xf32, #tpu.memory_space<hbm>>
      %dma_wait3A_71 = arith.constant 0 : i32
      %dma_wait3A_72 = tpu.memref_slice %arg11[%mul3A_0, %dma_wait3A_71] : memref<51208x16xf32, #tpu.memory_space<vmem_shared>> -> memref<3200x16xf32, #tpu.memory_space<vmem_shared>>
      tpu.wait_dma2 semaphore(%run_scoped3A_64 : memref<!tpu.dma_semaphore, #tpu.memory_space<semaphore_mem>>) src(%dma_wait3A_72 : memref<3200x16xf32, #tpu.memory_space<vmem_shared>>) dst(%dma_wait3A_70 : memref<3200x16xf32, #tpu.memory_space<hbm>>)
      tpu.yield
    }) : () -> ()
    %barrier3A_33 = arith.constant 0 : index
    tpu.barrier barrier_id(%barrier3A_33)
    %scan3A_34 = arith.constant 0 : i32
    %scan3A_35 = arith.constant 25 : i32
    %scan3A_36 = arith.addi %scan3A_34, %scan3A_35 : i32
    %scan3A_37 = arith.constant 1 : i32
    scf.for %scan3A_64 = %scan3A_34 to %scan3A_36 step %scan3A_37  : i32 {
      %mul3A_65 = arith.constant 1 : i32
      %mul3A_66 = arith.muli %scan3A_64, %mul3A_65 : i32
      %add3A_67 = arith.constant 0 : i32
      %add3A_68 = arith.addi %add3A_67, %mul3A_66 : i32
      %mul3A_69 = arith.constant 128 : i32
      %mul3A_70 = arith.muli %add3A_68, %mul3A_69 : i32
      %add3A_71 = arith.addi %mul3A_0, %mul3A_70 : i32
      "tpu.region"() ({
        %run_scoped3A_72 = tpu.sem_alloc : memref<!tpu.dma_semaphore, #tpu.memory_space<semaphore_mem>>
        %dma_start3A = arith.constant 0 : i32
        %dma_start3A_73 = tpu.memref_slice %arg11[%add3A_71, %dma_start3A] : memref<51208x16xf32, #tpu.memory_space<vmem_shared>> -> memref<128x16xf32, #tpu.memory_space<vmem_shared>>
        %dma_start3A_74 = arith.constant 0 : i32
        %dma_start3A_75 = tpu.memref_slice %arg11[%add3A_71, %dma_start3A_74] : memref<51208x16xf32, #tpu.memory_space<vmem_shared>> -> memref<128x16xf32, #tpu.memory_space<vmem_shared>>
        tpu.enqueue_dma source(%arg10 : memref<128x16xf32, #tpu.memory_space<vmem>>) target(%dma_start3A_75 : memref<128x16xf32, #tpu.memory_space<vmem_shared>>) target_semaphore(%run_scoped3A_72 : memref<!tpu.dma_semaphore, #tpu.memory_space<semaphore_mem>>)
        %dma_wait3A = arith.constant 0 : i32
        %dma_wait3A_76 = tpu.memref_slice %arg11[%add3A_71, %dma_wait3A] : memref<51208x16xf32, #tpu.memory_space<vmem_shared>> -> memref<128x16xf32, #tpu.memory_space<vmem_shared>>
        %dma_wait3A_77 = arith.constant 0 : i32
        %dma_wait3A_78 = tpu.memref_slice %arg11[%add3A_71, %dma_wait3A_77] : memref<51208x16xf32, #tpu.memory_space<vmem_shared>> -> memref<128x16xf32, #tpu.memory_space<vmem_shared>>
        tpu.wait_dma2 semaphore(%run_scoped3A_72 : memref<!tpu.dma_semaphore, #tpu.memory_space<semaphore_mem>>) src(%arg10 : memref<128x16xf32, #tpu.memory_space<vmem>>) dst(%dma_wait3A_78 : memref<128x16xf32, #tpu.memory_space<vmem_shared>>)
        tpu.yield
      }) : () -> ()
    }
    %scan3A_38 = arith.constant 25 : i32
    %barrier3A_39 = arith.constant 0 : index
    tpu.barrier barrier_id(%barrier3A_39)
    %scan3A_40 = arith.constant 0 : i32
    %scan3A_41 = arith.constant 782 : i32
    %scan3A_42 = arith.addi %scan3A_40, %scan3A_41 : i32
    %scan3A_43 = arith.constant 1 : i32
    scf.for %scan3A_64 = %scan3A_40 to %scan3A_42 step %scan3A_43  : i32 {
      %mul3A_65 = arith.constant 1 : i32
      %mul3A_66 = arith.muli %scan3A_64, %mul3A_65 : i32
      %add3A_67 = arith.constant 0 : i32
      %add3A_68 = arith.addi %add3A_67, %mul3A_66 : i32
      %mul3A_69 = arith.constant 100096 : i32
      %mul3A_70 = arith.muli %arg1, %mul3A_69 : i32
      %mul3A_71 = arith.constant 128 : i32
      %mul3A_72 = arith.muli %add3A_68, %mul3A_71 : i32
      %add3A_73 = arith.addi %mul3A_70, %mul3A_72 : i32
      "tpu.region"() ({
        %run_scoped3A_321 = tpu.sem_alloc : memref<!tpu.dma_semaphore, #tpu.memory_space<semaphore_mem>>
        %dma_start3A = tpu.memref_slice %arg2[%add3A_73] : memref<1601536xi32, #tpu.memory_space<hbm>> -> memref<128xi32, #tpu.memory_space<hbm>>
        %dma_start3A_322 = tpu.memref_slice %arg2[%add3A_73] : memref<1601536xi32, #tpu.memory_space<hbm>> -> memref<128xi32, #tpu.memory_space<hbm>>
        tpu.enqueue_dma source(%dma_start3A_322 : memref<128xi32, #tpu.memory_space<hbm>>) target(%arg6 : memref<128xi32, #tpu.memory_space<vmem>>) target_semaphore(%run_scoped3A_321 : memref<!tpu.dma_semaphore, #tpu.memory_space<semaphore_mem>>)
        %dma_wait3A = tpu.memref_slice %arg2[%add3A_73] : memref<1601536xi32, #tpu.memory_space<hbm>> -> memref<128xi32, #tpu.memory_space<hbm>>
        %dma_wait3A_323 = tpu.memref_slice %arg2[%add3A_73] : memref<1601536xi32, #tpu.memory_space<hbm>> -> memref<128xi32, #tpu.memory_space<hbm>>
        tpu.wait_dma2 semaphore(%run_scoped3A_321 : memref<!tpu.dma_semaphore, #tpu.memory_space<semaphore_mem>>) src(%dma_wait3A_323 : memref<128xi32, #tpu.memory_space<hbm>>) dst(%arg6 : memref<128xi32, #tpu.memory_space<vmem>>)
        tpu.yield
      }) : () -> ()
      "tpu.region"() ({
        %run_scoped3A_321 = tpu.sem_alloc : memref<!tpu.dma_semaphore, #tpu.memory_space<semaphore_mem>>
        %dma_start3A = tpu.memref_slice %arg3[%add3A_73] : memref<1601536xi32, #tpu.memory_space<hbm>> -> memref<128xi32, #tpu.memory_space<hbm>>
        %dma_start3A_322 = tpu.memref_slice %arg3[%add3A_73] : memref<1601536xi32, #tpu.memory_space<hbm>> -> memref<128xi32, #tpu.memory_space<hbm>>
        tpu.enqueue_dma source(%dma_start3A_322 : memref<128xi32, #tpu.memory_space<hbm>>) target(%arg8 : memref<128xi32, #tpu.memory_space<vmem>>) target_semaphore(%run_scoped3A_321 : memref<!tpu.dma_semaphore, #tpu.memory_space<semaphore_mem>>)
        %dma_wait3A = tpu.memref_slice %arg3[%add3A_73] : memref<1601536xi32, #tpu.memory_space<hbm>> -> memref<128xi32, #tpu.memory_space<hbm>>
        %dma_wait3A_323 = tpu.memref_slice %arg3[%add3A_73] : memref<1601536xi32, #tpu.memory_space<hbm>> -> memref<128xi32, #tpu.memory_space<hbm>>
        tpu.wait_dma2 semaphore(%run_scoped3A_321 : memref<!tpu.dma_semaphore, #tpu.memory_space<semaphore_mem>>) src(%dma_wait3A_323 : memref<128xi32, #tpu.memory_space<hbm>>) dst(%arg8 : memref<128xi32, #tpu.memory_space<vmem>>)
        tpu.yield
      }) : () -> ()
      %get3A = arith.constant 0 : index
      %get3A_74 = tpu.vector_load %arg6[%get3A] {strides = array<i32>} : memref<128xi32, #tpu.memory_space<vmem>>, vector<16xi32>,
      %get3A_75 = vector.shape_cast %get3A_74 : vector<16xi32> to vector<16xi32>
      %mul3A_76 = arith.constant 4 : i32
      %mul3A_77 = vector.broadcast %mul3A_76 : i32 to vector<16xi32>
      %mul3A_78 = arith.muli %get3A_75, %mul3A_77 : vector<16xi32>
      %add3A_79 = arith.constant 2 : i32
      %add3A_80 = vector.broadcast %add3A_79 : i32 to vector<16xi32>
      %add3A_81 = arith.addi %mul3A_78, %add3A_80 : vector<16xi32>
      %swap3A = arith.constant 0 : index
      %swap3A_82 = tpu.vector_load %arg7[%swap3A] {strides = array<i32>} : memref<128xi32, #tpu.memory_space<vmem>>, vector<16xi32>,
      %swap3A_83 = vector.shape_cast %swap3A_82 : vector<16xi32> to vector<16xi32>
      %swap3A_84 = vector.shape_cast %add3A_81 : vector<16xi32> to vector<16xi32>
      tpu.vector_store %arg7[%swap3A], %swap3A_84 {strides = array<i32>} : memref<128xi32, #tpu.memory_space<vmem>>, vector<16xi32>,
      %get3A_85 = arith.constant 0 : index
      %get3A_86 = tpu.vector_load %arg8[%get3A_85] {strides = array<i32>} : memref<128xi32, #tpu.memory_space<vmem>>, vector<16xi32>,
      %get3A_87 = vector.shape_cast %get3A_86 : vector<16xi32> to vector<16xi32>
      %sub3A = vector.broadcast %mul3A_2 : i32 to vector<16xi32>
      %sub3A_88 = arith.subi %get3A_87, %sub3A : vector<16xi32>
      %ge3A = arith.constant 0 : i32
      %ge3A_89 = vector.broadcast %ge3A : i32 to vector<16xi32>
      %ge3A_90 = arith.cmpi sge, %sub3A_88, %ge3A_89 : vector<16xi32>
      %lt3A = arith.constant 51200 : i32
      %lt3A_91 = vector.broadcast %lt3A : i32 to vector<16xi32>
      %lt3A_92 = arith.cmpi slt, %sub3A_88, %lt3A_91 : vector<16xi32>
      %and3A = arith.andi %ge3A_90, %lt3A_92 : vector<16xi1>
      %jit3A = arith.constant 51200 : i32
      %broadcast_in_dim3A = vector.broadcast %jit3A : i32 to vector<16xi32>
      %select_n3A = arith.select %and3A, %sub3A_88, %broadcast_in_dim3A : vector<16xi1>, vector<16xi32>
      %swap3A_93 = arith.constant 0 : index
      %swap3A_94 = tpu.vector_load %arg8[%swap3A_93] {strides = array<i32>} : memref<128xi32, #tpu.memory_space<vmem>>, vector<16xi32>,
      %swap3A_95 = vector.shape_cast %swap3A_94 : vector<16xi32> to vector<16xi32>
      %swap3A_96 = vector.shape_cast %select_n3A : vector<16xi32> to vector<16xi32>
      tpu.vector_store %arg8[%swap3A_93], %swap3A_96 {strides = array<i32>} : memref<128xi32, #tpu.memory_space<vmem>>, vector<16xi32>,
      %get3A_97 = arith.constant 16 : index
      %get3A_98 = tpu.vector_load %arg6[%get3A_97] {strides = array<i32>} : memref<128xi32, #tpu.memory_space<vmem>>, vector<16xi32>,
      %get3A_99 = vector.shape_cast %get3A_98 : vector<16xi32> to vector<16xi32>
      %mul3A_100 = arith.constant 4 : i32
      %mul3A_101 = vector.broadcast %mul3A_100 : i32 to vector<16xi32>
      %mul3A_102 = arith.muli %get3A_99, %mul3A_101 : vector<16xi32>
      %add3A_103 = arith.constant 2 : i32
      %add3A_104 = vector.broadcast %add3A_103 : i32 to vector<16xi32>
      %add3A_105 = arith.addi %mul3A_102, %add3A_104 : vector<16xi32>
      %swap3A_106 = arith.constant 16 : index
      %swap3A_107 = tpu.vector_load %arg7[%swap3A_106] {strides = array<i32>} : memref<128xi32, #tpu.memory_space<vmem>>, vector<16xi32>,
      %swap3A_108 = vector.shape_cast %swap3A_107 : vector<16xi32> to vector<16xi32>
      %swap3A_109 = vector.shape_cast %add3A_105 : vector<16xi32> to vector<16xi32>
      tpu.vector_store %arg7[%swap3A_106], %swap3A_109 {strides = array<i32>} : memref<128xi32, #tpu.memory_space<vmem>>, vector<16xi32>,
      %get3A_110 = arith.constant 16 : index
      %get3A_111 = tpu.vector_load %arg8[%get3A_110] {strides = array<i32>} : memref<128xi32, #tpu.memory_space<vmem>>, vector<16xi32>,
      %get3A_112 = vector.shape_cast %get3A_111 : vector<16xi32> to vector<16xi32>
      %sub3A_113 = vector.broadcast %mul3A_2 : i32 to vector<16xi32>
      %sub3A_114 = arith.subi %get3A_112, %sub3A_113 : vector<16xi32>
      %ge3A_115 = arith.constant 0 : i32
      %ge3A_116 = vector.broadcast %ge3A_115 : i32 to vector<16xi32>
      %ge3A_117 = arith.cmpi sge, %sub3A_114, %ge3A_116 : vector<16xi32>
      %lt3A_118 = arith.constant 51200 : i32
      %lt3A_119 = vector.broadcast %lt3A_118 : i32 to vector<16xi32>
      %lt3A_120 = arith.cmpi slt, %sub3A_114, %lt3A_119 : vector<16xi32>
      %and3A_121 = arith.andi %ge3A_117, %lt3A_120 : vector<16xi1>
      %jit3A_122 = arith.constant 51200 : i32
      %broadcast_in_dim3A_123 = vector.broadcast %jit3A_122 : i32 to vector<16xi32>
      %select_n3A_124 = arith.select %and3A_121, %sub3A_114, %broadcast_in_dim3A_123 : vector<16xi1>, vector<16xi32>
      %swap3A_125 = arith.constant 16 : index
      %swap3A_126 = tpu.vector_load %arg8[%swap3A_125] {strides = array<i32>} : memref<128xi32, #tpu.memory_space<vmem>>, vector<16xi32>,
      %swap3A_127 = vector.shape_cast %swap3A_126 : vector<16xi32> to vector<16xi32>
      %swap3A_128 = vector.shape_cast %select_n3A_124 : vector<16xi32> to vector<16xi32>
      tpu.vector_store %arg8[%swap3A_125], %swap3A_128 {strides = array<i32>} : memref<128xi32, #tpu.memory_space<vmem>>, vector<16xi32>,
      %get3A_129 = arith.constant 32 : index
      %get3A_130 = tpu.vector_load %arg6[%get3A_129] {strides = array<i32>} : memref<128xi32, #tpu.memory_space<vmem>>, vector<16xi32>,
      %get3A_131 = vector.shape_cast %get3A_130 : vector<16xi32> to vector<16xi32>
      %mul3A_132 = arith.constant 4 : i32
      %mul3A_133 = vector.broadcast %mul3A_132 : i32 to vector<16xi32>
      %mul3A_134 = arith.muli %get3A_131, %mul3A_133 : vector<16xi32>
      %add3A_135 = arith.constant 2 : i32
      %add3A_136 = vector.broadcast %add3A_135 : i32 to vector<16xi32>
      %add3A_137 = arith.addi %mul3A_134, %add3A_136 : vector<16xi32>
      %swap3A_138 = arith.constant 32 : index
      %swap3A_139 = tpu.vector_load %arg7[%swap3A_138] {strides = array<i32>} : memref<128xi32, #tpu.memory_space<vmem>>, vector<16xi32>,
      %swap3A_140 = vector.shape_cast %swap3A_139 : vector<16xi32> to vector<16xi32>
      %swap3A_141 = vector.shape_cast %add3A_137 : vector<16xi32> to vector<16xi32>
      tpu.vector_store %arg7[%swap3A_138], %swap3A_141 {strides = array<i32>} : memref<128xi32, #tpu.memory_space<vmem>>, vector<16xi32>,
      %get3A_142 = arith.constant 32 : index
      %get3A_143 = tpu.vector_load %arg8[%get3A_142] {strides = array<i32>} : memref<128xi32, #tpu.memory_space<vmem>>, vector<16xi32>,
      %get3A_144 = vector.shape_cast %get3A_143 : vector<16xi32> to vector<16xi32>
      %sub3A_145 = vector.broadcast %mul3A_2 : i32 to vector<16xi32>
      %sub3A_146 = arith.subi %get3A_144, %sub3A_145 : vector<16xi32>
      %ge3A_147 = arith.constant 0 : i32
      %ge3A_148 = vector.broadcast %ge3A_147 : i32 to vector<16xi32>
      %ge3A_149 = arith.cmpi sge, %sub3A_146, %ge3A_148 : vector<16xi32>
      %lt3A_150 = arith.constant 51200 : i32
      %lt3A_151 = vector.broadcast %lt3A_150 : i32 to vector<16xi32>
      %lt3A_152 = arith.cmpi slt, %sub3A_146, %lt3A_151 : vector<16xi32>
      %and3A_153 = arith.andi %ge3A_149, %lt3A_152 : vector<16xi1>
      %jit3A_154 = arith.constant 51200 : i32
      %broadcast_in_dim3A_155 = vector.broadcast %jit3A_154 : i32 to vector<16xi32>
      %select_n3A_156 = arith.select %and3A_153, %sub3A_146, %broadcast_in_dim3A_155 : vector<16xi1>, vector<16xi32>
      %swap3A_157 = arith.constant 32 : index
      %swap3A_158 = tpu.vector_load %arg8[%swap3A_157] {strides = array<i32>} : memref<128xi32, #tpu.memory_space<vmem>>, vector<16xi32>,
      %swap3A_159 = vector.shape_cast %swap3A_158 : vector<16xi32> to vector<16xi32>
      %swap3A_160 = vector.shape_cast %select_n3A_156 : vector<16xi32> to vector<16xi32>
      tpu.vector_store %arg8[%swap3A_157], %swap3A_160 {strides = array<i32>} : memref<128xi32, #tpu.memory_space<vmem>>, vector<16xi32>,
      %get3A_161 = arith.constant 48 : index
      %get3A_162 = tpu.vector_load %arg6[%get3A_161] {strides = array<i32>} : memref<128xi32, #tpu.memory_space<vmem>>, vector<16xi32>,
      %get3A_163 = vector.shape_cast %get3A_162 : vector<16xi32> to vector<16xi32>
      %mul3A_164 = arith.constant 4 : i32
      %mul3A_165 = vector.broadcast %mul3A_164 : i32 to vector<16xi32>
      %mul3A_166 = arith.muli %get3A_163, %mul3A_165 : vector<16xi32>
      %add3A_167 = arith.constant 2 : i32
      %add3A_168 = vector.broadcast %add3A_167 : i32 to vector<16xi32>
      %add3A_169 = arith.addi %mul3A_166, %add3A_168 : vector<16xi32>
      %swap3A_170 = arith.constant 48 : index
      %swap3A_171 = tpu.vector_load %arg7[%swap3A_170] {strides = array<i32>} : memref<128xi32, #tpu.memory_space<vmem>>, vector<16xi32>,
      %swap3A_172 = vector.shape_cast %swap3A_171 : vector<16xi32> to vector<16xi32>
      %swap3A_173 = vector.shape_cast %add3A_169 : vector<16xi32> to vector<16xi32>
      tpu.vector_store %arg7[%swap3A_170], %swap3A_173 {strides = array<i32>} : memref<128xi32, #tpu.memory_space<vmem>>, vector<16xi32>,
      %get3A_174 = arith.constant 48 : index
      %get3A_175 = tpu.vector_load %arg8[%get3A_174] {strides = array<i32>} : memref<128xi32, #tpu.memory_space<vmem>>, vector<16xi32>,
      %get3A_176 = vector.shape_cast %get3A_175 : vector<16xi32> to vector<16xi32>
      %sub3A_177 = vector.broadcast %mul3A_2 : i32 to vector<16xi32>
      %sub3A_178 = arith.subi %get3A_176, %sub3A_177 : vector<16xi32>
      %ge3A_179 = arith.constant 0 : i32
      %ge3A_180 = vector.broadcast %ge3A_179 : i32 to vector<16xi32>
      %ge3A_181 = arith.cmpi sge, %sub3A_178, %ge3A_180 : vector<16xi32>
      %lt3A_182 = arith.constant 51200 : i32
      %lt3A_183 = vector.broadcast %lt3A_182 : i32 to vector<16xi32>
      %lt3A_184 = arith.cmpi slt, %sub3A_178, %lt3A_183 : vector<16xi32>
      %and3A_185 = arith.andi %ge3A_181, %lt3A_184 : vector<16xi1>
      %jit3A_186 = arith.constant 51200 : i32
      %broadcast_in_dim3A_187 = vector.broadcast %jit3A_186 : i32 to vector<16xi32>
      %select_n3A_188 = arith.select %and3A_185, %sub3A_178, %broadcast_in_dim3A_187 : vector<16xi1>, vector<16xi32>
      %swap3A_189 = arith.constant 48 : index
      %swap3A_190 = tpu.vector_load %arg8[%swap3A_189] {strides = array<i32>} : memref<128xi32, #tpu.memory_space<vmem>>, vector<16xi32>,
      %swap3A_191 = vector.shape_cast %swap3A_190 : vector<16xi32> to vector<16xi32>
      %swap3A_192 = vector.shape_cast %select_n3A_188 : vector<16xi32> to vector<16xi32>
      tpu.vector_store %arg8[%swap3A_189], %swap3A_192 {strides = array<i32>} : memref<128xi32, #tpu.memory_space<vmem>>, vector<16xi32>,
      %get3A_193 = arith.constant 64 : index
      %get3A_194 = tpu.vector_load %arg6[%get3A_193] {strides = array<i32>} : memref<128xi32, #tpu.memory_space<vmem>>, vector<16xi32>,
      %get3A_195 = vector.shape_cast %get3A_194 : vector<16xi32> to vector<16xi32>
      %mul3A_196 = arith.constant 4 : i32
      %mul3A_197 = vector.broadcast %mul3A_196 : i32 to vector<16xi32>
      %mul3A_198 = arith.muli %get3A_195, %mul3A_197 : vector<16xi32>
      %add3A_199 = arith.constant 2 : i32
      %add3A_200 = vector.broadcast %add3A_199 : i32 to vector<16xi32>
      %add3A_201 = arith.addi %mul3A_198, %add3A_200 : vector<16xi32>
      %swap3A_202 = arith.constant 64 : index
      %swap3A_203 = tpu.vector_load %arg7[%swap3A_202] {strides = array<i32>} : memref<128xi32, #tpu.memory_space<vmem>>, vector<16xi32>,
      %swap3A_204 = vector.shape_cast %swap3A_203 : vector<16xi32> to vector<16xi32>
      %swap3A_205 = vector.shape_cast %add3A_201 : vector<16xi32> to vector<16xi32>
      tpu.vector_store %arg7[%swap3A_202], %swap3A_205 {strides = array<i32>} : memref<128xi32, #tpu.memory_space<vmem>>, vector<16xi32>,
      %get3A_206 = arith.constant 64 : index
      %get3A_207 = tpu.vector_load %arg8[%get3A_206] {strides = array<i32>} : memref<128xi32, #tpu.memory_space<vmem>>, vector<16xi32>,
      %get3A_208 = vector.shape_cast %get3A_207 : vector<16xi32> to vector<16xi32>
      %sub3A_209 = vector.broadcast %mul3A_2 : i32 to vector<16xi32>
      %sub3A_210 = arith.subi %get3A_208, %sub3A_209 : vector<16xi32>
      %ge3A_211 = arith.constant 0 : i32
      %ge3A_212 = vector.broadcast %ge3A_211 : i32 to vector<16xi32>
      %ge3A_213 = arith.cmpi sge, %sub3A_210, %ge3A_212 : vector<16xi32>
      %lt3A_214 = arith.constant 51200 : i32
      %lt3A_215 = vector.broadcast %lt3A_214 : i32 to vector<16xi32>
      %lt3A_216 = arith.cmpi slt, %sub3A_210, %lt3A_215 : vector<16xi32>
      %and3A_217 = arith.andi %ge3A_213, %lt3A_216 : vector<16xi1>
      %jit3A_218 = arith.constant 51200 : i32
      %broadcast_in_dim3A_219 = vector.broadcast %jit3A_218 : i32 to vector<16xi32>
      %select_n3A_220 = arith.select %and3A_217, %sub3A_210, %broadcast_in_dim3A_219 : vector<16xi1>, vector<16xi32>
      %swap3A_221 = arith.constant 64 : index
      %swap3A_222 = tpu.vector_load %arg8[%swap3A_221] {strides = array<i32>} : memref<128xi32, #tpu.memory_space<vmem>>, vector<16xi32>,
      %swap3A_223 = vector.shape_cast %swap3A_222 : vector<16xi32> to vector<16xi32>
      %swap3A_224 = vector.shape_cast %select_n3A_220 : vector<16xi32> to vector<16xi32>
      tpu.vector_store %arg8[%swap3A_221], %swap3A_224 {strides = array<i32>} : memref<128xi32, #tpu.memory_space<vmem>>, vector<16xi32>,
      %get3A_225 = arith.constant 80 : index
      %get3A_226 = tpu.vector_load %arg6[%get3A_225] {strides = array<i32>} : memref<128xi32, #tpu.memory_space<vmem>>, vector<16xi32>,
      %get3A_227 = vector.shape_cast %get3A_226 : vector<16xi32> to vector<16xi32>
      %mul3A_228 = arith.constant 4 : i32
      %mul3A_229 = vector.broadcast %mul3A_228 : i32 to vector<16xi32>
      %mul3A_230 = arith.muli %get3A_227, %mul3A_229 : vector<16xi32>
      %add3A_231 = arith.constant 2 : i32
      %add3A_232 = vector.broadcast %add3A_231 : i32 to vector<16xi32>
      %add3A_233 = arith.addi %mul3A_230, %add3A_232 : vector<16xi32>
      %swap3A_234 = arith.constant 80 : index
      %swap3A_235 = tpu.vector_load %arg7[%swap3A_234] {strides = array<i32>} : memref<128xi32, #tpu.memory_space<vmem>>, vector<16xi32>,
      %swap3A_236 = vector.shape_cast %swap3A_235 : vector<16xi32> to vector<16xi32>
      %swap3A_237 = vector.shape_cast %add3A_233 : vector<16xi32> to vector<16xi32>
      tpu.vector_store %arg7[%swap3A_234], %swap3A_237 {strides = array<i32>} : memref<128xi32, #tpu.memory_space<vmem>>, vector<16xi32>,
      %get3A_238 = arith.constant 80 : index
      %get3A_239 = tpu.vector_load %arg8[%get3A_238] {strides = array<i32>} : memref<128xi32, #tpu.memory_space<vmem>>, vector<16xi32>,
      %get3A_240 = vector.shape_cast %get3A_239 : vector<16xi32> to vector<16xi32>
      %sub3A_241 = vector.broadcast %mul3A_2 : i32 to vector<16xi32>
      %sub3A_242 = arith.subi %get3A_240, %sub3A_241 : vector<16xi32>
      %ge3A_243 = arith.constant 0 : i32
      %ge3A_244 = vector.broadcast %ge3A_243 : i32 to vector<16xi32>
      %ge3A_245 = arith.cmpi sge, %sub3A_242, %ge3A_244 : vector<16xi32>
      %lt3A_246 = arith.constant 51200 : i32
      %lt3A_247 = vector.broadcast %lt3A_246 : i32 to vector<16xi32>
      %lt3A_248 = arith.cmpi slt, %sub3A_242, %lt3A_247 : vector<16xi32>
      %and3A_249 = arith.andi %ge3A_245, %lt3A_248 : vector<16xi1>
      %jit3A_250 = arith.constant 51200 : i32
      %broadcast_in_dim3A_251 = vector.broadcast %jit3A_250 : i32 to vector<16xi32>
      %select_n3A_252 = arith.select %and3A_249, %sub3A_242, %broadcast_in_dim3A_251 : vector<16xi1>, vector<16xi32>
      %swap3A_253 = arith.constant 80 : index
      %swap3A_254 = tpu.vector_load %arg8[%swap3A_253] {strides = array<i32>} : memref<128xi32, #tpu.memory_space<vmem>>, vector<16xi32>,
      %swap3A_255 = vector.shape_cast %swap3A_254 : vector<16xi32> to vector<16xi32>
      %swap3A_256 = vector.shape_cast %select_n3A_252 : vector<16xi32> to vector<16xi32>
      tpu.vector_store %arg8[%swap3A_253], %swap3A_256 {strides = array<i32>} : memref<128xi32, #tpu.memory_space<vmem>>, vector<16xi32>,
      %get3A_257 = arith.constant 96 : index
      %get3A_258 = tpu.vector_load %arg6[%get3A_257] {strides = array<i32>} : memref<128xi32, #tpu.memory_space<vmem>>, vector<16xi32>,
      %get3A_259 = vector.shape_cast %get3A_258 : vector<16xi32> to vector<16xi32>
      %mul3A_260 = arith.constant 4 : i32
      %mul3A_261 = vector.broadcast %mul3A_260 : i32 to vector<16xi32>
      %mul3A_262 = arith.muli %get3A_259, %mul3A_261 : vector<16xi32>
      %add3A_263 = arith.constant 2 : i32
      %add3A_264 = vector.broadcast %add3A_263 : i32 to vector<16xi32>
      %add3A_265 = arith.addi %mul3A_262, %add3A_264 : vector<16xi32>
      %swap3A_266 = arith.constant 96 : index
      %swap3A_267 = tpu.vector_load %arg7[%swap3A_266] {strides = array<i32>} : memref<128xi32, #tpu.memory_space<vmem>>, vector<16xi32>,
      %swap3A_268 = vector.shape_cast %swap3A_267 : vector<16xi32> to vector<16xi32>
      %swap3A_269 = vector.shape_cast %add3A_265 : vector<16xi32> to vector<16xi32>
      tpu.vector_store %arg7[%swap3A_266], %swap3A_269 {strides = array<i32>} : memref<128xi32, #tpu.memory_space<vmem>>, vector<16xi32>,
      %get3A_270 = arith.constant 96 : index
      %get3A_271 = tpu.vector_load %arg8[%get3A_270] {strides = array<i32>} : memref<128xi32, #tpu.memory_space<vmem>>, vector<16xi32>,
      %get3A_272 = vector.shape_cast %get3A_271 : vector<16xi32> to vector<16xi32>
      %sub3A_273 = vector.broadcast %mul3A_2 : i32 to vector<16xi32>
      %sub3A_274 = arith.subi %get3A_272, %sub3A_273 : vector<16xi32>
      %ge3A_275 = arith.constant 0 : i32
      %ge3A_276 = vector.broadcast %ge3A_275 : i32 to vector<16xi32>
      %ge3A_277 = arith.cmpi sge, %sub3A_274, %ge3A_276 : vector<16xi32>
      %lt3A_278 = arith.constant 51200 : i32
      %lt3A_279 = vector.broadcast %lt3A_278 : i32 to vector<16xi32>
      %lt3A_280 = arith.cmpi slt, %sub3A_274, %lt3A_279 : vector<16xi32>
      %and3A_281 = arith.andi %ge3A_277, %lt3A_280 : vector<16xi1>
      %jit3A_282 = arith.constant 51200 : i32
      %broadcast_in_dim3A_283 = vector.broadcast %jit3A_282 : i32 to vector<16xi32>
      %select_n3A_284 = arith.select %and3A_281, %sub3A_274, %broadcast_in_dim3A_283 : vector<16xi1>, vector<16xi32>
      %swap3A_285 = arith.constant 96 : index
      %swap3A_286 = tpu.vector_load %arg8[%swap3A_285] {strides = array<i32>} : memref<128xi32, #tpu.memory_space<vmem>>, vector<16xi32>,
      %swap3A_287 = vector.shape_cast %swap3A_286 : vector<16xi32> to vector<16xi32>
      %swap3A_288 = vector.shape_cast %select_n3A_284 : vector<16xi32> to vector<16xi32>
      tpu.vector_store %arg8[%swap3A_285], %swap3A_288 {strides = array<i32>} : memref<128xi32, #tpu.memory_space<vmem>>, vector<16xi32>,
      %get3A_289 = arith.constant 112 : index
      %get3A_290 = tpu.vector_load %arg6[%get3A_289] {strides = array<i32>} : memref<128xi32, #tpu.memory_space<vmem>>, vector<16xi32>,
      %get3A_291 = vector.shape_cast %get3A_290 : vector<16xi32> to vector<16xi32>
      %mul3A_292 = arith.constant 4 : i32
      %mul3A_293 = vector.broadcast %mul3A_292 : i32 to vector<16xi32>
      %mul3A_294 = arith.muli %get3A_291, %mul3A_293 : vector<16xi32>
      %add3A_295 = arith.constant 2 : i32
      %add3A_296 = vector.broadcast %add3A_295 : i32 to vector<16xi32>
      %add3A_297 = arith.addi %mul3A_294, %add3A_296 : vector<16xi32>
      %swap3A_298 = arith.constant 112 : index
      %swap3A_299 = tpu.vector_load %arg7[%swap3A_298] {strides = array<i32>} : memref<128xi32, #tpu.memory_space<vmem>>, vector<16xi32>,
      %swap3A_300 = vector.shape_cast %swap3A_299 : vector<16xi32> to vector<16xi32>
      %swap3A_301 = vector.shape_cast %add3A_297 : vector<16xi32> to vector<16xi32>
      tpu.vector_store %arg7[%swap3A_298], %swap3A_301 {strides = array<i32>} : memref<128xi32, #tpu.memory_space<vmem>>, vector<16xi32>,
      %get3A_302 = arith.constant 112 : index
      %get3A_303 = tpu.vector_load %arg8[%get3A_302] {strides = array<i32>} : memref<128xi32, #tpu.memory_space<vmem>>, vector<16xi32>,
      %get3A_304 = vector.shape_cast %get3A_303 : vector<16xi32> to vector<16xi32>
      %sub3A_305 = vector.broadcast %mul3A_2 : i32 to vector<16xi32>
      %sub3A_306 = arith.subi %get3A_304, %sub3A_305 : vector<16xi32>
      %ge3A_307 = arith.constant 0 : i32
      %ge3A_308 = vector.broadcast %ge3A_307 : i32 to vector<16xi32>
      %ge3A_309 = arith.cmpi sge, %sub3A_306, %ge3A_308 : vector<16xi32>
      %lt3A_310 = arith.constant 51200 : i32
      %lt3A_311 = vector.broadcast %lt3A_310 : i32 to vector<16xi32>
      %lt3A_312 = arith.cmpi slt, %sub3A_306, %lt3A_311 : vector<16xi32>
      %and3A_313 = arith.andi %ge3A_309, %lt3A_312 : vector<16xi1>
      %jit3A_314 = arith.constant 51200 : i32
      %broadcast_in_dim3A_315 = vector.broadcast %jit3A_314 : i32 to vector<16xi32>
      %select_n3A_316 = arith.select %and3A_313, %sub3A_306, %broadcast_in_dim3A_315 : vector<16xi1>, vector<16xi32>
      %swap3A_317 = arith.constant 112 : index
      %swap3A_318 = tpu.vector_load %arg8[%swap3A_317] {strides = array<i32>} : memref<128xi32, #tpu.memory_space<vmem>>, vector<16xi32>,
      %swap3A_319 = vector.shape_cast %swap3A_318 : vector<16xi32> to vector<16xi32>
      %swap3A_320 = vector.shape_cast %select_n3A_316 : vector<16xi32> to vector<16xi32>
      tpu.vector_store %arg8[%swap3A_317], %swap3A_320 {strides = array<i32>} : memref<128xi32, #tpu.memory_space<vmem>>, vector<16xi32>,
      "tpu.region"() ({
        %run_scoped3A_321 = tpu.sem_alloc : memref<!tpu.dma_semaphore, #tpu.memory_space<semaphore_mem>>
        %dma_start3A = arith.constant 0 : i32
        %dma_start3A_322 = arith.constant 0 : i32
        %dma_start3A_323 = tpu.memref_slice %arg4[%dma_start3A, %dma_start3A_322] : memref<409600x16xf32, #tpu.memory_space<hbm>> -> memref<409600x16xf32, #tpu.memory_space<hbm>>
        tpu.enqueue_indirect_dma source(%dma_start3A_323 : memref<409600x16xf32, #tpu.memory_space<hbm>>) target(%arg9 : memref<128x16xf32, #tpu.memory_space<vmem>>) offsets(%arg7 : memref<128xi32, #tpu.memory_space<vmem>>) semaphore(%run_scoped3A_321 : memref<!tpu.dma_semaphore, #tpu.memory_space<semaphore_mem>>)
        %dma_wait3A = arith.constant 0 : i32
        %dma_wait3A_324 = arith.constant 0 : i32
        %dma_wait3A_325 = tpu.memref_slice %arg4[%dma_wait3A, %dma_wait3A_324] : memref<409600x16xf32, #tpu.memory_space<hbm>> -> memref<409600x16xf32, #tpu.memory_space<hbm>>
        tpu.wait_indirect_dma semaphore(%run_scoped3A_321 : memref<!tpu.dma_semaphore, #tpu.memory_space<semaphore_mem>>) src(%dma_wait3A_325 : memref<409600x16xf32, #tpu.memory_space<hbm>>) dst(%arg9 : memref<128x16xf32, #tpu.memory_space<vmem>>)
        tpu.yield
      }) : () -> ()
      "tpu.region"() ({
        %run_scoped3A_321 = tpu.sem_alloc : memref<!tpu.dma_semaphore, #tpu.memory_space<semaphore_mem>>
        %dma_start3A = arith.constant 0 : i32
        %dma_start3A_322 = arith.constant 0 : i32
        %dma_start3A_323 = tpu.memref_slice %arg11[%dma_start3A, %dma_start3A_322] : memref<51208x16xf32, #tpu.memory_space<vmem_shared>> -> memref<51208x16xf32, #tpu.memory_space<vmem_shared>>
        tpu.enqueue_indirect_dma source(%arg9 : memref<128x16xf32, #tpu.memory_space<vmem>>) target(%dma_start3A_323 : memref<51208x16xf32, #tpu.memory_space<vmem_shared>>) offsets(%arg8 : memref<128xi32, #tpu.memory_space<vmem>>) semaphore(%run_scoped3A_321 : memref<!tpu.dma_semaphore, #tpu.memory_space<semaphore_mem>>) {add = true}
        %dma_wait3A = arith.constant 0 : i32
        %dma_wait3A_324 = arith.constant 0 : i32
        %dma_wait3A_325 = tpu.memref_slice %arg11[%dma_wait3A, %dma_wait3A_324] : memref<51208x16xf32, #tpu.memory_space<vmem_shared>> -> memref<51208x16xf32, #tpu.memory_space<vmem_shared>>
        tpu.wait_indirect_dma semaphore(%run_scoped3A_321 : memref<!tpu.dma_semaphore, #tpu.memory_space<semaphore_mem>>) src(%arg9 : memref<128x16xf32, #tpu.memory_space<vmem>>) dst(%dma_wait3A_325 : memref<51208x16xf32, #tpu.memory_space<vmem_shared>>)
        tpu.yield
      }) : () -> ()
    }
    %scan3A_44 = arith.constant 782 : i32
    %barrier3A_45 = arith.constant 0 : index
    tpu.barrier barrier_id(%barrier3A_45)
    %add3A_46 = arith.addi %mul3A_2, %mul3A_0 : i32
    %run_scoped3A_47 = arith.constant 2 : i32
    "tpu.region"() ({
      %run_scoped3A_64 = tpu.sem_alloc : memref<!tpu.dma_semaphore, #tpu.memory_space<semaphore_mem>>
      %dma_start3A = arith.constant 0 : i32
      %dma_start3A_65 = tpu.memref_slice %arg5[%run_scoped3A_47, %add3A_46, %dma_start3A] : memref<4x102400x16xf32, #tpu.memory_space<hbm>> -> memref<1x3200x16xf32, #tpu.memory_space<hbm>>
      %dma_start3A_66 = tpu.memref_squeeze %dma_start3A_65 : memref<1x3200x16xf32, #tpu.memory_space<hbm>> -> memref<3200x16xf32, #tpu.memory_space<hbm>>
      %dma_start3A_67 = arith.constant 0 : i32
      %dma_start3A_68 = tpu.memref_slice %arg11[%mul3A_0, %dma_start3A_67] : memref<51208x16xf32, #tpu.memory_space<vmem_shared>> -> memref<3200x16xf32, #tpu.memory_space<vmem_shared>>
      tpu.enqueue_dma source(%dma_start3A_68 : memref<3200x16xf32, #tpu.memory_space<vmem_shared>>) target(%dma_start3A_66 : memref<3200x16xf32, #tpu.memory_space<hbm>>) target_semaphore(%run_scoped3A_64 : memref<!tpu.dma_semaphore, #tpu.memory_space<semaphore_mem>>)
      %dma_wait3A = arith.constant 0 : i32
      %dma_wait3A_69 = tpu.memref_slice %arg5[%run_scoped3A_47, %add3A_46, %dma_wait3A] : memref<4x102400x16xf32, #tpu.memory_space<hbm>> -> memref<1x3200x16xf32, #tpu.memory_space<hbm>>
      %dma_wait3A_70 = tpu.memref_squeeze %dma_wait3A_69 : memref<1x3200x16xf32, #tpu.memory_space<hbm>> -> memref<3200x16xf32, #tpu.memory_space<hbm>>
      %dma_wait3A_71 = arith.constant 0 : i32
      %dma_wait3A_72 = tpu.memref_slice %arg11[%mul3A_0, %dma_wait3A_71] : memref<51208x16xf32, #tpu.memory_space<vmem_shared>> -> memref<3200x16xf32, #tpu.memory_space<vmem_shared>>
      tpu.wait_dma2 semaphore(%run_scoped3A_64 : memref<!tpu.dma_semaphore, #tpu.memory_space<semaphore_mem>>) src(%dma_wait3A_72 : memref<3200x16xf32, #tpu.memory_space<vmem_shared>>) dst(%dma_wait3A_70 : memref<3200x16xf32, #tpu.memory_space<hbm>>)
      tpu.yield
    }) : () -> ()
    %barrier3A_48 = arith.constant 0 : index
    tpu.barrier barrier_id(%barrier3A_48)
    %scan3A_49 = arith.constant 0 : i32
    %scan3A_50 = arith.constant 25 : i32
    %scan3A_51 = arith.addi %scan3A_49, %scan3A_50 : i32
    %scan3A_52 = arith.constant 1 : i32
    scf.for %scan3A_64 = %scan3A_49 to %scan3A_51 step %scan3A_52  : i32 {
      %mul3A_65 = arith.constant 1 : i32
      %mul3A_66 = arith.muli %scan3A_64, %mul3A_65 : i32
      %add3A_67 = arith.constant 0 : i32
      %add3A_68 = arith.addi %add3A_67, %mul3A_66 : i32
      %mul3A_69 = arith.constant 128 : i32
      %mul3A_70 = arith.muli %add3A_68, %mul3A_69 : i32
      %add3A_71 = arith.addi %mul3A_0, %mul3A_70 : i32
      "tpu.region"() ({
        %run_scoped3A_72 = tpu.sem_alloc : memref<!tpu.dma_semaphore, #tpu.memory_space<semaphore_mem>>
        %dma_start3A = arith.constant 0 : i32
        %dma_start3A_73 = tpu.memref_slice %arg11[%add3A_71, %dma_start3A] : memref<51208x16xf32, #tpu.memory_space<vmem_shared>> -> memref<128x16xf32, #tpu.memory_space<vmem_shared>>
        %dma_start3A_74 = arith.constant 0 : i32
        %dma_start3A_75 = tpu.memref_slice %arg11[%add3A_71, %dma_start3A_74] : memref<51208x16xf32, #tpu.memory_space<vmem_shared>> -> memref<128x16xf32, #tpu.memory_space<vmem_shared>>
        tpu.enqueue_dma source(%arg10 : memref<128x16xf32, #tpu.memory_space<vmem>>) target(%dma_start3A_75 : memref<128x16xf32, #tpu.memory_space<vmem_shared>>) target_semaphore(%run_scoped3A_72 : memref<!tpu.dma_semaphore, #tpu.memory_space<semaphore_mem>>)
        %dma_wait3A = arith.constant 0 : i32
        %dma_wait3A_76 = tpu.memref_slice %arg11[%add3A_71, %dma_wait3A] : memref<51208x16xf32, #tpu.memory_space<vmem_shared>> -> memref<128x16xf32, #tpu.memory_space<vmem_shared>>
        %dma_wait3A_77 = arith.constant 0 : i32
        %dma_wait3A_78 = tpu.memref_slice %arg11[%add3A_71, %dma_wait3A_77] : memref<51208x16xf32, #tpu.memory_space<vmem_shared>> -> memref<128x16xf32, #tpu.memory_space<vmem_shared>>
        tpu.wait_dma2 semaphore(%run_scoped3A_72 : memref<!tpu.dma_semaphore, #tpu.memory_space<semaphore_mem>>) src(%arg10 : memref<128x16xf32, #tpu.memory_space<vmem>>) dst(%dma_wait3A_78 : memref<128x16xf32, #tpu.memory_space<vmem_shared>>)
        tpu.yield
      }) : () -> ()
    }
    %scan3A_53 = arith.constant 25 : i32
    %barrier3A_54 = arith.constant 0 : index
    tpu.barrier barrier_id(%barrier3A_54)
    %scan3A_55 = arith.constant 0 : i32
    %scan3A_56 = arith.constant 782 : i32
    %scan3A_57 = arith.addi %scan3A_55, %scan3A_56 : i32
    %scan3A_58 = arith.constant 1 : i32
    scf.for %scan3A_64 = %scan3A_55 to %scan3A_57 step %scan3A_58  : i32 {
      %mul3A_65 = arith.constant 1 : i32
      %mul3A_66 = arith.muli %scan3A_64, %mul3A_65 : i32
      %add3A_67 = arith.constant 0 : i32
      %add3A_68 = arith.addi %add3A_67, %mul3A_66 : i32
      %mul3A_69 = arith.constant 100096 : i32
      %mul3A_70 = arith.muli %arg1, %mul3A_69 : i32
      %mul3A_71 = arith.constant 128 : i32
      %mul3A_72 = arith.muli %add3A_68, %mul3A_71 : i32
      %add3A_73 = arith.addi %mul3A_70, %mul3A_72 : i32
      "tpu.region"() ({
        %run_scoped3A_321 = tpu.sem_alloc : memref<!tpu.dma_semaphore, #tpu.memory_space<semaphore_mem>>
        %dma_start3A = tpu.memref_slice %arg2[%add3A_73] : memref<1601536xi32, #tpu.memory_space<hbm>> -> memref<128xi32, #tpu.memory_space<hbm>>
        %dma_start3A_322 = tpu.memref_slice %arg2[%add3A_73] : memref<1601536xi32, #tpu.memory_space<hbm>> -> memref<128xi32, #tpu.memory_space<hbm>>
        tpu.enqueue_dma source(%dma_start3A_322 : memref<128xi32, #tpu.memory_space<hbm>>) target(%arg6 : memref<128xi32, #tpu.memory_space<vmem>>) target_semaphore(%run_scoped3A_321 : memref<!tpu.dma_semaphore, #tpu.memory_space<semaphore_mem>>)
        %dma_wait3A = tpu.memref_slice %arg2[%add3A_73] : memref<1601536xi32, #tpu.memory_space<hbm>> -> memref<128xi32, #tpu.memory_space<hbm>>
        %dma_wait3A_323 = tpu.memref_slice %arg2[%add3A_73] : memref<1601536xi32, #tpu.memory_space<hbm>> -> memref<128xi32, #tpu.memory_space<hbm>>
        tpu.wait_dma2 semaphore(%run_scoped3A_321 : memref<!tpu.dma_semaphore, #tpu.memory_space<semaphore_mem>>) src(%dma_wait3A_323 : memref<128xi32, #tpu.memory_space<hbm>>) dst(%arg6 : memref<128xi32, #tpu.memory_space<vmem>>)
        tpu.yield
      }) : () -> ()
      "tpu.region"() ({
        %run_scoped3A_321 = tpu.sem_alloc : memref<!tpu.dma_semaphore, #tpu.memory_space<semaphore_mem>>
        %dma_start3A = tpu.memref_slice %arg3[%add3A_73] : memref<1601536xi32, #tpu.memory_space<hbm>> -> memref<128xi32, #tpu.memory_space<hbm>>
        %dma_start3A_322 = tpu.memref_slice %arg3[%add3A_73] : memref<1601536xi32, #tpu.memory_space<hbm>> -> memref<128xi32, #tpu.memory_space<hbm>>
        tpu.enqueue_dma source(%dma_start3A_322 : memref<128xi32, #tpu.memory_space<hbm>>) target(%arg8 : memref<128xi32, #tpu.memory_space<vmem>>) target_semaphore(%run_scoped3A_321 : memref<!tpu.dma_semaphore, #tpu.memory_space<semaphore_mem>>)
        %dma_wait3A = tpu.memref_slice %arg3[%add3A_73] : memref<1601536xi32, #tpu.memory_space<hbm>> -> memref<128xi32, #tpu.memory_space<hbm>>
        %dma_wait3A_323 = tpu.memref_slice %arg3[%add3A_73] : memref<1601536xi32, #tpu.memory_space<hbm>> -> memref<128xi32, #tpu.memory_space<hbm>>
        tpu.wait_dma2 semaphore(%run_scoped3A_321 : memref<!tpu.dma_semaphore, #tpu.memory_space<semaphore_mem>>) src(%dma_wait3A_323 : memref<128xi32, #tpu.memory_space<hbm>>) dst(%arg8 : memref<128xi32, #tpu.memory_space<vmem>>)
        tpu.yield
      }) : () -> ()
      %get3A = arith.constant 0 : index
      %get3A_74 = tpu.vector_load %arg6[%get3A] {strides = array<i32>} : memref<128xi32, #tpu.memory_space<vmem>>, vector<16xi32>,
      %get3A_75 = vector.shape_cast %get3A_74 : vector<16xi32> to vector<16xi32>
      %mul3A_76 = arith.constant 4 : i32
      %mul3A_77 = vector.broadcast %mul3A_76 : i32 to vector<16xi32>
      %mul3A_78 = arith.muli %get3A_75, %mul3A_77 : vector<16xi32>
      %add3A_79 = arith.constant 3 : i32
      %add3A_80 = vector.broadcast %add3A_79 : i32 to vector<16xi32>
      %add3A_81 = arith.addi %mul3A_78, %add3A_80 : vector<16xi32>
      %swap3A = arith.constant 0 : index
      %swap3A_82 = tpu.vector_load %arg7[%swap3A] {strides = array<i32>} : memref<128xi32, #tpu.memory_space<vmem>>, vector<16xi32>,
      %swap3A_83 = vector.shape_cast %swap3A_82 : vector<16xi32> to vector<16xi32>
      %swap3A_84 = vector.shape_cast %add3A_81 : vector<16xi32> to vector<16xi32>
      tpu.vector_store %arg7[%swap3A], %swap3A_84 {strides = array<i32>} : memref<128xi32, #tpu.memory_space<vmem>>, vector<16xi32>,
      %get3A_85 = arith.constant 0 : index
      %get3A_86 = tpu.vector_load %arg8[%get3A_85] {strides = array<i32>} : memref<128xi32, #tpu.memory_space<vmem>>, vector<16xi32>,
      %get3A_87 = vector.shape_cast %get3A_86 : vector<16xi32> to vector<16xi32>
      %sub3A = vector.broadcast %mul3A_2 : i32 to vector<16xi32>
      %sub3A_88 = arith.subi %get3A_87, %sub3A : vector<16xi32>
      %ge3A = arith.constant 0 : i32
      %ge3A_89 = vector.broadcast %ge3A : i32 to vector<16xi32>
      %ge3A_90 = arith.cmpi sge, %sub3A_88, %ge3A_89 : vector<16xi32>
      %lt3A = arith.constant 51200 : i32
      %lt3A_91 = vector.broadcast %lt3A : i32 to vector<16xi32>
      %lt3A_92 = arith.cmpi slt, %sub3A_88, %lt3A_91 : vector<16xi32>
      %and3A = arith.andi %ge3A_90, %lt3A_92 : vector<16xi1>
      %jit3A = arith.constant 51200 : i32
      %broadcast_in_dim3A = vector.broadcast %jit3A : i32 to vector<16xi32>
      %select_n3A = arith.select %and3A, %sub3A_88, %broadcast_in_dim3A : vector<16xi1>, vector<16xi32>
      %swap3A_93 = arith.constant 0 : index
      %swap3A_94 = tpu.vector_load %arg8[%swap3A_93] {strides = array<i32>} : memref<128xi32, #tpu.memory_space<vmem>>, vector<16xi32>,
      %swap3A_95 = vector.shape_cast %swap3A_94 : vector<16xi32> to vector<16xi32>
      %swap3A_96 = vector.shape_cast %select_n3A : vector<16xi32> to vector<16xi32>
      tpu.vector_store %arg8[%swap3A_93], %swap3A_96 {strides = array<i32>} : memref<128xi32, #tpu.memory_space<vmem>>, vector<16xi32>,
      %get3A_97 = arith.constant 16 : index
      %get3A_98 = tpu.vector_load %arg6[%get3A_97] {strides = array<i32>} : memref<128xi32, #tpu.memory_space<vmem>>, vector<16xi32>,
      %get3A_99 = vector.shape_cast %get3A_98 : vector<16xi32> to vector<16xi32>
      %mul3A_100 = arith.constant 4 : i32
      %mul3A_101 = vector.broadcast %mul3A_100 : i32 to vector<16xi32>
      %mul3A_102 = arith.muli %get3A_99, %mul3A_101 : vector<16xi32>
      %add3A_103 = arith.constant 3 : i32
      %add3A_104 = vector.broadcast %add3A_103 : i32 to vector<16xi32>
      %add3A_105 = arith.addi %mul3A_102, %add3A_104 : vector<16xi32>
      %swap3A_106 = arith.constant 16 : index
      %swap3A_107 = tpu.vector_load %arg7[%swap3A_106] {strides = array<i32>} : memref<128xi32, #tpu.memory_space<vmem>>, vector<16xi32>,
      %swap3A_108 = vector.shape_cast %swap3A_107 : vector<16xi32> to vector<16xi32>
      %swap3A_109 = vector.shape_cast %add3A_105 : vector<16xi32> to vector<16xi32>
      tpu.vector_store %arg7[%swap3A_106], %swap3A_109 {strides = array<i32>} : memref<128xi32, #tpu.memory_space<vmem>>, vector<16xi32>,
      %get3A_110 = arith.constant 16 : index
      %get3A_111 = tpu.vector_load %arg8[%get3A_110] {strides = array<i32>} : memref<128xi32, #tpu.memory_space<vmem>>, vector<16xi32>,
      %get3A_112 = vector.shape_cast %get3A_111 : vector<16xi32> to vector<16xi32>
      %sub3A_113 = vector.broadcast %mul3A_2 : i32 to vector<16xi32>
      %sub3A_114 = arith.subi %get3A_112, %sub3A_113 : vector<16xi32>
      %ge3A_115 = arith.constant 0 : i32
      %ge3A_116 = vector.broadcast %ge3A_115 : i32 to vector<16xi32>
      %ge3A_117 = arith.cmpi sge, %sub3A_114, %ge3A_116 : vector<16xi32>
      %lt3A_118 = arith.constant 51200 : i32
      %lt3A_119 = vector.broadcast %lt3A_118 : i32 to vector<16xi32>
      %lt3A_120 = arith.cmpi slt, %sub3A_114, %lt3A_119 : vector<16xi32>
      %and3A_121 = arith.andi %ge3A_117, %lt3A_120 : vector<16xi1>
      %jit3A_122 = arith.constant 51200 : i32
      %broadcast_in_dim3A_123 = vector.broadcast %jit3A_122 : i32 to vector<16xi32>
      %select_n3A_124 = arith.select %and3A_121, %sub3A_114, %broadcast_in_dim3A_123 : vector<16xi1>, vector<16xi32>
      %swap3A_125 = arith.constant 16 : index
      %swap3A_126 = tpu.vector_load %arg8[%swap3A_125] {strides = array<i32>} : memref<128xi32, #tpu.memory_space<vmem>>, vector<16xi32>,
      %swap3A_127 = vector.shape_cast %swap3A_126 : vector<16xi32> to vector<16xi32>
      %swap3A_128 = vector.shape_cast %select_n3A_124 : vector<16xi32> to vector<16xi32>
      tpu.vector_store %arg8[%swap3A_125], %swap3A_128 {strides = array<i32>} : memref<128xi32, #tpu.memory_space<vmem>>, vector<16xi32>,
      %get3A_129 = arith.constant 32 : index
      %get3A_130 = tpu.vector_load %arg6[%get3A_129] {strides = array<i32>} : memref<128xi32, #tpu.memory_space<vmem>>, vector<16xi32>,
      %get3A_131 = vector.shape_cast %get3A_130 : vector<16xi32> to vector<16xi32>
      %mul3A_132 = arith.constant 4 : i32
      %mul3A_133 = vector.broadcast %mul3A_132 : i32 to vector<16xi32>
      %mul3A_134 = arith.muli %get3A_131, %mul3A_133 : vector<16xi32>
      %add3A_135 = arith.constant 3 : i32
      %add3A_136 = vector.broadcast %add3A_135 : i32 to vector<16xi32>
      %add3A_137 = arith.addi %mul3A_134, %add3A_136 : vector<16xi32>
      %swap3A_138 = arith.constant 32 : index
      %swap3A_139 = tpu.vector_load %arg7[%swap3A_138] {strides = array<i32>} : memref<128xi32, #tpu.memory_space<vmem>>, vector<16xi32>,
      %swap3A_140 = vector.shape_cast %swap3A_139 : vector<16xi32> to vector<16xi32>
      %swap3A_141 = vector.shape_cast %add3A_137 : vector<16xi32> to vector<16xi32>
      tpu.vector_store %arg7[%swap3A_138], %swap3A_141 {strides = array<i32>} : memref<128xi32, #tpu.memory_space<vmem>>, vector<16xi32>,
      %get3A_142 = arith.constant 32 : index
      %get3A_143 = tpu.vector_load %arg8[%get3A_142] {strides = array<i32>} : memref<128xi32, #tpu.memory_space<vmem>>, vector<16xi32>,
      %get3A_144 = vector.shape_cast %get3A_143 : vector<16xi32> to vector<16xi32>
      %sub3A_145 = vector.broadcast %mul3A_2 : i32 to vector<16xi32>
      %sub3A_146 = arith.subi %get3A_144, %sub3A_145 : vector<16xi32>
      %ge3A_147 = arith.constant 0 : i32
      %ge3A_148 = vector.broadcast %ge3A_147 : i32 to vector<16xi32>
      %ge3A_149 = arith.cmpi sge, %sub3A_146, %ge3A_148 : vector<16xi32>
      %lt3A_150 = arith.constant 51200 : i32
      %lt3A_151 = vector.broadcast %lt3A_150 : i32 to vector<16xi32>
      %lt3A_152 = arith.cmpi slt, %sub3A_146, %lt3A_151 : vector<16xi32>
      %and3A_153 = arith.andi %ge3A_149, %lt3A_152 : vector<16xi1>
      %jit3A_154 = arith.constant 51200 : i32
      %broadcast_in_dim3A_155 = vector.broadcast %jit3A_154 : i32 to vector<16xi32>
      %select_n3A_156 = arith.select %and3A_153, %sub3A_146, %broadcast_in_dim3A_155 : vector<16xi1>, vector<16xi32>
      %swap3A_157 = arith.constant 32 : index
      %swap3A_158 = tpu.vector_load %arg8[%swap3A_157] {strides = array<i32>} : memref<128xi32, #tpu.memory_space<vmem>>, vector<16xi32>,
      %swap3A_159 = vector.shape_cast %swap3A_158 : vector<16xi32> to vector<16xi32>
      %swap3A_160 = vector.shape_cast %select_n3A_156 : vector<16xi32> to vector<16xi32>
      tpu.vector_store %arg8[%swap3A_157], %swap3A_160 {strides = array<i32>} : memref<128xi32, #tpu.memory_space<vmem>>, vector<16xi32>,
      %get3A_161 = arith.constant 48 : index
      %get3A_162 = tpu.vector_load %arg6[%get3A_161] {strides = array<i32>} : memref<128xi32, #tpu.memory_space<vmem>>, vector<16xi32>,
      %get3A_163 = vector.shape_cast %get3A_162 : vector<16xi32> to vector<16xi32>
      %mul3A_164 = arith.constant 4 : i32
      %mul3A_165 = vector.broadcast %mul3A_164 : i32 to vector<16xi32>
      %mul3A_166 = arith.muli %get3A_163, %mul3A_165 : vector<16xi32>
      %add3A_167 = arith.constant 3 : i32
      %add3A_168 = vector.broadcast %add3A_167 : i32 to vector<16xi32>
      %add3A_169 = arith.addi %mul3A_166, %add3A_168 : vector<16xi32>
      %swap3A_170 = arith.constant 48 : index
      %swap3A_171 = tpu.vector_load %arg7[%swap3A_170] {strides = array<i32>} : memref<128xi32, #tpu.memory_space<vmem>>, vector<16xi32>,
      %swap3A_172 = vector.shape_cast %swap3A_171 : vector<16xi32> to vector<16xi32>
      %swap3A_173 = vector.shape_cast %add3A_169 : vector<16xi32> to vector<16xi32>
      tpu.vector_store %arg7[%swap3A_170], %swap3A_173 {strides = array<i32>} : memref<128xi32, #tpu.memory_space<vmem>>, vector<16xi32>,
      %get3A_174 = arith.constant 48 : index
      %get3A_175 = tpu.vector_load %arg8[%get3A_174] {strides = array<i32>} : memref<128xi32, #tpu.memory_space<vmem>>, vector<16xi32>,
      %get3A_176 = vector.shape_cast %get3A_175 : vector<16xi32> to vector<16xi32>
      %sub3A_177 = vector.broadcast %mul3A_2 : i32 to vector<16xi32>
      %sub3A_178 = arith.subi %get3A_176, %sub3A_177 : vector<16xi32>
      %ge3A_179 = arith.constant 0 : i32
      %ge3A_180 = vector.broadcast %ge3A_179 : i32 to vector<16xi32>
      %ge3A_181 = arith.cmpi sge, %sub3A_178, %ge3A_180 : vector<16xi32>
      %lt3A_182 = arith.constant 51200 : i32
      %lt3A_183 = vector.broadcast %lt3A_182 : i32 to vector<16xi32>
      %lt3A_184 = arith.cmpi slt, %sub3A_178, %lt3A_183 : vector<16xi32>
      %and3A_185 = arith.andi %ge3A_181, %lt3A_184 : vector<16xi1>
      %jit3A_186 = arith.constant 51200 : i32
      %broadcast_in_dim3A_187 = vector.broadcast %jit3A_186 : i32 to vector<16xi32>
      %select_n3A_188 = arith.select %and3A_185, %sub3A_178, %broadcast_in_dim3A_187 : vector<16xi1>, vector<16xi32>
      %swap3A_189 = arith.constant 48 : index
      %swap3A_190 = tpu.vector_load %arg8[%swap3A_189] {strides = array<i32>} : memref<128xi32, #tpu.memory_space<vmem>>, vector<16xi32>,
      %swap3A_191 = vector.shape_cast %swap3A_190 : vector<16xi32> to vector<16xi32>
      %swap3A_192 = vector.shape_cast %select_n3A_188 : vector<16xi32> to vector<16xi32>
      tpu.vector_store %arg8[%swap3A_189], %swap3A_192 {strides = array<i32>} : memref<128xi32, #tpu.memory_space<vmem>>, vector<16xi32>,
      %get3A_193 = arith.constant 64 : index
      %get3A_194 = tpu.vector_load %arg6[%get3A_193] {strides = array<i32>} : memref<128xi32, #tpu.memory_space<vmem>>, vector<16xi32>,
      %get3A_195 = vector.shape_cast %get3A_194 : vector<16xi32> to vector<16xi32>
      %mul3A_196 = arith.constant 4 : i32
      %mul3A_197 = vector.broadcast %mul3A_196 : i32 to vector<16xi32>
      %mul3A_198 = arith.muli %get3A_195, %mul3A_197 : vector<16xi32>
      %add3A_199 = arith.constant 3 : i32
      %add3A_200 = vector.broadcast %add3A_199 : i32 to vector<16xi32>
      %add3A_201 = arith.addi %mul3A_198, %add3A_200 : vector<16xi32>
      %swap3A_202 = arith.constant 64 : index
      %swap3A_203 = tpu.vector_load %arg7[%swap3A_202] {strides = array<i32>} : memref<128xi32, #tpu.memory_space<vmem>>, vector<16xi32>,
      %swap3A_204 = vector.shape_cast %swap3A_203 : vector<16xi32> to vector<16xi32>
      %swap3A_205 = vector.shape_cast %add3A_201 : vector<16xi32> to vector<16xi32>
      tpu.vector_store %arg7[%swap3A_202], %swap3A_205 {strides = array<i32>} : memref<128xi32, #tpu.memory_space<vmem>>, vector<16xi32>,
      %get3A_206 = arith.constant 64 : index
      %get3A_207 = tpu.vector_load %arg8[%get3A_206] {strides = array<i32>} : memref<128xi32, #tpu.memory_space<vmem>>, vector<16xi32>,
      %get3A_208 = vector.shape_cast %get3A_207 : vector<16xi32> to vector<16xi32>
      %sub3A_209 = vector.broadcast %mul3A_2 : i32 to vector<16xi32>
      %sub3A_210 = arith.subi %get3A_208, %sub3A_209 : vector<16xi32>
      %ge3A_211 = arith.constant 0 : i32
      %ge3A_212 = vector.broadcast %ge3A_211 : i32 to vector<16xi32>
      %ge3A_213 = arith.cmpi sge, %sub3A_210, %ge3A_212 : vector<16xi32>
      %lt3A_214 = arith.constant 51200 : i32
      %lt3A_215 = vector.broadcast %lt3A_214 : i32 to vector<16xi32>
      %lt3A_216 = arith.cmpi slt, %sub3A_210, %lt3A_215 : vector<16xi32>
      %and3A_217 = arith.andi %ge3A_213, %lt3A_216 : vector<16xi1>
      %jit3A_218 = arith.constant 51200 : i32
      %broadcast_in_dim3A_219 = vector.broadcast %jit3A_218 : i32 to vector<16xi32>
      %select_n3A_220 = arith.select %and3A_217, %sub3A_210, %broadcast_in_dim3A_219 : vector<16xi1>, vector<16xi32>
      %swap3A_221 = arith.constant 64 : index
      %swap3A_222 = tpu.vector_load %arg8[%swap3A_221] {strides = array<i32>} : memref<128xi32, #tpu.memory_space<vmem>>, vector<16xi32>,
      %swap3A_223 = vector.shape_cast %swap3A_222 : vector<16xi32> to vector<16xi32>
      %swap3A_224 = vector.shape_cast %select_n3A_220 : vector<16xi32> to vector<16xi32>
      tpu.vector_store %arg8[%swap3A_221], %swap3A_224 {strides = array<i32>} : memref<128xi32, #tpu.memory_space<vmem>>, vector<16xi32>,
      %get3A_225 = arith.constant 80 : index
      %get3A_226 = tpu.vector_load %arg6[%get3A_225] {strides = array<i32>} : memref<128xi32, #tpu.memory_space<vmem>>, vector<16xi32>,
      %get3A_227 = vector.shape_cast %get3A_226 : vector<16xi32> to vector<16xi32>
      %mul3A_228 = arith.constant 4 : i32
      %mul3A_229 = vector.broadcast %mul3A_228 : i32 to vector<16xi32>
      %mul3A_230 = arith.muli %get3A_227, %mul3A_229 : vector<16xi32>
      %add3A_231 = arith.constant 3 : i32
      %add3A_232 = vector.broadcast %add3A_231 : i32 to vector<16xi32>
      %add3A_233 = arith.addi %mul3A_230, %add3A_232 : vector<16xi32>
      %swap3A_234 = arith.constant 80 : index
      %swap3A_235 = tpu.vector_load %arg7[%swap3A_234] {strides = array<i32>} : memref<128xi32, #tpu.memory_space<vmem>>, vector<16xi32>,
      %swap3A_236 = vector.shape_cast %swap3A_235 : vector<16xi32> to vector<16xi32>
      %swap3A_237 = vector.shape_cast %add3A_233 : vector<16xi32> to vector<16xi32>
      tpu.vector_store %arg7[%swap3A_234], %swap3A_237 {strides = array<i32>} : memref<128xi32, #tpu.memory_space<vmem>>, vector<16xi32>,
      %get3A_238 = arith.constant 80 : index
      %get3A_239 = tpu.vector_load %arg8[%get3A_238] {strides = array<i32>} : memref<128xi32, #tpu.memory_space<vmem>>, vector<16xi32>,
      %get3A_240 = vector.shape_cast %get3A_239 : vector<16xi32> to vector<16xi32>
      %sub3A_241 = vector.broadcast %mul3A_2 : i32 to vector<16xi32>
      %sub3A_242 = arith.subi %get3A_240, %sub3A_241 : vector<16xi32>
      %ge3A_243 = arith.constant 0 : i32
      %ge3A_244 = vector.broadcast %ge3A_243 : i32 to vector<16xi32>
      %ge3A_245 = arith.cmpi sge, %sub3A_242, %ge3A_244 : vector<16xi32>
      %lt3A_246 = arith.constant 51200 : i32
      %lt3A_247 = vector.broadcast %lt3A_246 : i32 to vector<16xi32>
      %lt3A_248 = arith.cmpi slt, %sub3A_242, %lt3A_247 : vector<16xi32>
      %and3A_249 = arith.andi %ge3A_245, %lt3A_248 : vector<16xi1>
      %jit3A_250 = arith.constant 51200 : i32
      %broadcast_in_dim3A_251 = vector.broadcast %jit3A_250 : i32 to vector<16xi32>
      %select_n3A_252 = arith.select %and3A_249, %sub3A_242, %broadcast_in_dim3A_251 : vector<16xi1>, vector<16xi32>
      %swap3A_253 = arith.constant 80 : index
      %swap3A_254 = tpu.vector_load %arg8[%swap3A_253] {strides = array<i32>} : memref<128xi32, #tpu.memory_space<vmem>>, vector<16xi32>,
      %swap3A_255 = vector.shape_cast %swap3A_254 : vector<16xi32> to vector<16xi32>
      %swap3A_256 = vector.shape_cast %select_n3A_252 : vector<16xi32> to vector<16xi32>
      tpu.vector_store %arg8[%swap3A_253], %swap3A_256 {strides = array<i32>} : memref<128xi32, #tpu.memory_space<vmem>>, vector<16xi32>,
      %get3A_257 = arith.constant 96 : index
      %get3A_258 = tpu.vector_load %arg6[%get3A_257] {strides = array<i32>} : memref<128xi32, #tpu.memory_space<vmem>>, vector<16xi32>,
      %get3A_259 = vector.shape_cast %get3A_258 : vector<16xi32> to vector<16xi32>
      %mul3A_260 = arith.constant 4 : i32
      %mul3A_261 = vector.broadcast %mul3A_260 : i32 to vector<16xi32>
      %mul3A_262 = arith.muli %get3A_259, %mul3A_261 : vector<16xi32>
      %add3A_263 = arith.constant 3 : i32
      %add3A_264 = vector.broadcast %add3A_263 : i32 to vector<16xi32>
      %add3A_265 = arith.addi %mul3A_262, %add3A_264 : vector<16xi32>
      %swap3A_266 = arith.constant 96 : index
      %swap3A_267 = tpu.vector_load %arg7[%swap3A_266] {strides = array<i32>} : memref<128xi32, #tpu.memory_space<vmem>>, vector<16xi32>,
      %swap3A_268 = vector.shape_cast %swap3A_267 : vector<16xi32> to vector<16xi32>
      %swap3A_269 = vector.shape_cast %add3A_265 : vector<16xi32> to vector<16xi32>
      tpu.vector_store %arg7[%swap3A_266], %swap3A_269 {strides = array<i32>} : memref<128xi32, #tpu.memory_space<vmem>>, vector<16xi32>,
      %get3A_270 = arith.constant 96 : index
      %get3A_271 = tpu.vector_load %arg8[%get3A_270] {strides = array<i32>} : memref<128xi32, #tpu.memory_space<vmem>>, vector<16xi32>,
      %get3A_272 = vector.shape_cast %get3A_271 : vector<16xi32> to vector<16xi32>
      %sub3A_273 = vector.broadcast %mul3A_2 : i32 to vector<16xi32>
      %sub3A_274 = arith.subi %get3A_272, %sub3A_273 : vector<16xi32>
      %ge3A_275 = arith.constant 0 : i32
      %ge3A_276 = vector.broadcast %ge3A_275 : i32 to vector<16xi32>
      %ge3A_277 = arith.cmpi sge, %sub3A_274, %ge3A_276 : vector<16xi32>
      %lt3A_278 = arith.constant 51200 : i32
      %lt3A_279 = vector.broadcast %lt3A_278 : i32 to vector<16xi32>
      %lt3A_280 = arith.cmpi slt, %sub3A_274, %lt3A_279 : vector<16xi32>
      %and3A_281 = arith.andi %ge3A_277, %lt3A_280 : vector<16xi1>
      %jit3A_282 = arith.constant 51200 : i32
      %broadcast_in_dim3A_283 = vector.broadcast %jit3A_282 : i32 to vector<16xi32>
      %select_n3A_284 = arith.select %and3A_281, %sub3A_274, %broadcast_in_dim3A_283 : vector<16xi1>, vector<16xi32>
      %swap3A_285 = arith.constant 96 : index
      %swap3A_286 = tpu.vector_load %arg8[%swap3A_285] {strides = array<i32>} : memref<128xi32, #tpu.memory_space<vmem>>, vector<16xi32>,
      %swap3A_287 = vector.shape_cast %swap3A_286 : vector<16xi32> to vector<16xi32>
      %swap3A_288 = vector.shape_cast %select_n3A_284 : vector<16xi32> to vector<16xi32>
      tpu.vector_store %arg8[%swap3A_285], %swap3A_288 {strides = array<i32>} : memref<128xi32, #tpu.memory_space<vmem>>, vector<16xi32>,
      %get3A_289 = arith.constant 112 : index
      %get3A_290 = tpu.vector_load %arg6[%get3A_289] {strides = array<i32>} : memref<128xi32, #tpu.memory_space<vmem>>, vector<16xi32>,
      %get3A_291 = vector.shape_cast %get3A_290 : vector<16xi32> to vector<16xi32>
      %mul3A_292 = arith.constant 4 : i32
      %mul3A_293 = vector.broadcast %mul3A_292 : i32 to vector<16xi32>
      %mul3A_294 = arith.muli %get3A_291, %mul3A_293 : vector<16xi32>
      %add3A_295 = arith.constant 3 : i32
      %add3A_296 = vector.broadcast %add3A_295 : i32 to vector<16xi32>
      %add3A_297 = arith.addi %mul3A_294, %add3A_296 : vector<16xi32>
      %swap3A_298 = arith.constant 112 : index
      %swap3A_299 = tpu.vector_load %arg7[%swap3A_298] {strides = array<i32>} : memref<128xi32, #tpu.memory_space<vmem>>, vector<16xi32>,
      %swap3A_300 = vector.shape_cast %swap3A_299 : vector<16xi32> to vector<16xi32>
      %swap3A_301 = vector.shape_cast %add3A_297 : vector<16xi32> to vector<16xi32>
      tpu.vector_store %arg7[%swap3A_298], %swap3A_301 {strides = array<i32>} : memref<128xi32, #tpu.memory_space<vmem>>, vector<16xi32>,
      %get3A_302 = arith.constant 112 : index
      %get3A_303 = tpu.vector_load %arg8[%get3A_302] {strides = array<i32>} : memref<128xi32, #tpu.memory_space<vmem>>, vector<16xi32>,
      %get3A_304 = vector.shape_cast %get3A_303 : vector<16xi32> to vector<16xi32>
      %sub3A_305 = vector.broadcast %mul3A_2 : i32 to vector<16xi32>
      %sub3A_306 = arith.subi %get3A_304, %sub3A_305 : vector<16xi32>
      %ge3A_307 = arith.constant 0 : i32
      %ge3A_308 = vector.broadcast %ge3A_307 : i32 to vector<16xi32>
      %ge3A_309 = arith.cmpi sge, %sub3A_306, %ge3A_308 : vector<16xi32>
      %lt3A_310 = arith.constant 51200 : i32
      %lt3A_311 = vector.broadcast %lt3A_310 : i32 to vector<16xi32>
      %lt3A_312 = arith.cmpi slt, %sub3A_306, %lt3A_311 : vector<16xi32>
      %and3A_313 = arith.andi %ge3A_309, %lt3A_312 : vector<16xi1>
      %jit3A_314 = arith.constant 51200 : i32
      %broadcast_in_dim3A_315 = vector.broadcast %jit3A_314 : i32 to vector<16xi32>
      %select_n3A_316 = arith.select %and3A_313, %sub3A_306, %broadcast_in_dim3A_315 : vector<16xi1>, vector<16xi32>
      %swap3A_317 = arith.constant 112 : index
      %swap3A_318 = tpu.vector_load %arg8[%swap3A_317] {strides = array<i32>} : memref<128xi32, #tpu.memory_space<vmem>>, vector<16xi32>,
      %swap3A_319 = vector.shape_cast %swap3A_318 : vector<16xi32> to vector<16xi32>
      %swap3A_320 = vector.shape_cast %select_n3A_316 : vector<16xi32> to vector<16xi32>
      tpu.vector_store %arg8[%swap3A_317], %swap3A_320 {strides = array<i32>} : memref<128xi32, #tpu.memory_space<vmem>>, vector<16xi32>,
      "tpu.region"() ({
        %run_scoped3A_321 = tpu.sem_alloc : memref<!tpu.dma_semaphore, #tpu.memory_space<semaphore_mem>>
        %dma_start3A = arith.constant 0 : i32
        %dma_start3A_322 = arith.constant 0 : i32
        %dma_start3A_323 = tpu.memref_slice %arg4[%dma_start3A, %dma_start3A_322] : memref<409600x16xf32, #tpu.memory_space<hbm>> -> memref<409600x16xf32, #tpu.memory_space<hbm>>
        tpu.enqueue_indirect_dma source(%dma_start3A_323 : memref<409600x16xf32, #tpu.memory_space<hbm>>) target(%arg9 : memref<128x16xf32, #tpu.memory_space<vmem>>) offsets(%arg7 : memref<128xi32, #tpu.memory_space<vmem>>) semaphore(%run_scoped3A_321 : memref<!tpu.dma_semaphore, #tpu.memory_space<semaphore_mem>>)
        %dma_wait3A = arith.constant 0 : i32
        %dma_wait3A_324 = arith.constant 0 : i32
        %dma_wait3A_325 = tpu.memref_slice %arg4[%dma_wait3A, %dma_wait3A_324] : memref<409600x16xf32, #tpu.memory_space<hbm>> -> memref<409600x16xf32, #tpu.memory_space<hbm>>
        tpu.wait_indirect_dma semaphore(%run_scoped3A_321 : memref<!tpu.dma_semaphore, #tpu.memory_space<semaphore_mem>>) src(%dma_wait3A_325 : memref<409600x16xf32, #tpu.memory_space<hbm>>) dst(%arg9 : memref<128x16xf32, #tpu.memory_space<vmem>>)
        tpu.yield
      }) : () -> ()
      "tpu.region"() ({
        %run_scoped3A_321 = tpu.sem_alloc : memref<!tpu.dma_semaphore, #tpu.memory_space<semaphore_mem>>
        %dma_start3A = arith.constant 0 : i32
        %dma_start3A_322 = arith.constant 0 : i32
        %dma_start3A_323 = tpu.memref_slice %arg11[%dma_start3A, %dma_start3A_322] : memref<51208x16xf32, #tpu.memory_space<vmem_shared>> -> memref<51208x16xf32, #tpu.memory_space<vmem_shared>>
        tpu.enqueue_indirect_dma source(%arg9 : memref<128x16xf32, #tpu.memory_space<vmem>>) target(%dma_start3A_323 : memref<51208x16xf32, #tpu.memory_space<vmem_shared>>) offsets(%arg8 : memref<128xi32, #tpu.memory_space<vmem>>) semaphore(%run_scoped3A_321 : memref<!tpu.dma_semaphore, #tpu.memory_space<semaphore_mem>>) {add = true}
        %dma_wait3A = arith.constant 0 : i32
        %dma_wait3A_324 = arith.constant 0 : i32
        %dma_wait3A_325 = tpu.memref_slice %arg11[%dma_wait3A, %dma_wait3A_324] : memref<51208x16xf32, #tpu.memory_space<vmem_shared>> -> memref<51208x16xf32, #tpu.memory_space<vmem_shared>>
        tpu.wait_indirect_dma semaphore(%run_scoped3A_321 : memref<!tpu.dma_semaphore, #tpu.memory_space<semaphore_mem>>) src(%arg9 : memref<128x16xf32, #tpu.memory_space<vmem>>) dst(%dma_wait3A_325 : memref<51208x16xf32, #tpu.memory_space<vmem_shared>>)
        tpu.yield
      }) : () -> ()
    }
    %scan3A_59 = arith.constant 782 : i32
    %barrier3A_60 = arith.constant 0 : index
    tpu.barrier barrier_id(%barrier3A_60)
    %add3A_61 = arith.addi %mul3A_2, %mul3A_0 : i32
    %run_scoped3A_62 = arith.constant 3 : i32
    "tpu.region"() ({
      %run_scoped3A_64 = tpu.sem_alloc : memref<!tpu.dma_semaphore, #tpu.memory_space<semaphore_mem>>
      %dma_start3A = arith.constant 0 : i32
      %dma_start3A_65 = tpu.memref_slice %arg5[%run_scoped3A_62, %add3A_61, %dma_start3A] : memref<4x102400x16xf32, #tpu.memory_space<hbm>> -> memref<1x3200x16xf32, #tpu.memory_space<hbm>>
      %dma_start3A_66 = tpu.memref_squeeze %dma_start3A_65 : memref<1x3200x16xf32, #tpu.memory_space<hbm>> -> memref<3200x16xf32, #tpu.memory_space<hbm>>
      %dma_start3A_67 = arith.constant 0 : i32
      %dma_start3A_68 = tpu.memref_slice %arg11[%mul3A_0, %dma_start3A_67] : memref<51208x16xf32, #tpu.memory_space<vmem_shared>> -> memref<3200x16xf32, #tpu.memory_space<vmem_shared>>
      tpu.enqueue_dma source(%dma_start3A_68 : memref<3200x16xf32, #tpu.memory_space<vmem_shared>>) target(%dma_start3A_66 : memref<3200x16xf32, #tpu.memory_space<hbm>>) target_semaphore(%run_scoped3A_64 : memref<!tpu.dma_semaphore, #tpu.memory_space<semaphore_mem>>)
      %dma_wait3A = arith.constant 0 : i32
      %dma_wait3A_69 = tpu.memref_slice %arg5[%run_scoped3A_62, %add3A_61, %dma_wait3A] : memref<4x102400x16xf32, #tpu.memory_space<hbm>> -> memref<1x3200x16xf32, #tpu.memory_space<hbm>>
      %dma_wait3A_70 = tpu.memref_squeeze %dma_wait3A_69 : memref<1x3200x16xf32, #tpu.memory_space<hbm>> -> memref<3200x16xf32, #tpu.memory_space<hbm>>
      %dma_wait3A_71 = arith.constant 0 : i32
      %dma_wait3A_72 = tpu.memref_slice %arg11[%mul3A_0, %dma_wait3A_71] : memref<51208x16xf32, #tpu.memory_space<vmem_shared>> -> memref<3200x16xf32, #tpu.memory_space<vmem_shared>>
      tpu.wait_dma2 semaphore(%run_scoped3A_64 : memref<!tpu.dma_semaphore, #tpu.memory_space<semaphore_mem>>) src(%dma_wait3A_72 : memref<3200x16xf32, #tpu.memory_space<vmem_shared>>) dst(%dma_wait3A_70 : memref<3200x16xf32, #tpu.memory_space<hbm>>)
      tpu.yield
    }) : () -> ()
    %barrier3A_63 = arith.constant 0 : index
    tpu.barrier barrier_id(%barrier3A_63)
    return
  }
}

#map = affine_map<(d0, d1) -> (0)>
#map1 = affine_map<(d0, d1) -> (0, 0)>
module attributes {stable_mosaic.version = 14 : i64} {
  func.func @body(%arg0: i32, %arg1: i32, %arg2: memref<1601536xi32, #tpu.memory_space<hbm>>, %arg3: memref<102400x16xf32, #tpu.memory_space<hbm>>, %arg4: memref<128xi32, #tpu.memory_space<vmem>>, %arg5: memref<128xi32, #tpu.memory_space<vmem>>, %arg6: memref<128x16xf32, #tpu.memory_space<vmem>>, %arg7: memref<128x16xf32, #tpu.memory_space<vmem>>, %arg8: memref<51208x16xf32, #tpu.memory_space<vmem_shared>>) attributes {dimension_semantics = [#tpu.dimension_semantics<core_parallel>, #tpu.dimension_semantics<subcore_parallel>], iteration_bounds = array<i64: 2, 16>, scalar_prefetch = 0 : i64, scratch_operands = 5 : i64, tpu.core_type = #tpu.core_type<sc_vector_subcore>, window_params = [{transform_indices = #map}, {transform_indices = #map1}]} {
    %mul3A = arith.constant 3200 : i32
    %mul3A_0 = arith.muli %arg1, %mul3A : i32
    %mul3A_1 = arith.constant 51200 : i32
    %mul3A_2 = arith.muli %arg0, %mul3A_1 : i32
    %scan3A = arith.constant 0 : i32
    %scan3A_3 = arith.constant 128 : i32
    %scan3A_4 = arith.addi %scan3A, %scan3A_3 : i32
    %scan3A_5 = arith.constant 1 : i32
    scf.for %scan3A_18 = %scan3A to %scan3A_4 step %scan3A_5  : i32 {
      %mul3A_19 = arith.constant 1 : i32
      %mul3A_20 = arith.muli %scan3A_18, %mul3A_19 : i32
      %add3A_21 = arith.constant 0 : i32
      %add3A_22 = arith.addi %add3A_21, %mul3A_20 : i32
      %broadcast_in_dim3A = arith.constant 1.000000e+00 : f32
      %broadcast_in_dim3A_23 = vector.broadcast %broadcast_in_dim3A : f32 to vector<16xf32>
      %swap3A = arith.index_cast %add3A_22 : i32 to index
      %swap3A_24 = arith.constant 0 : index
      %swap3A_25 = tpu.vector_load %arg6[%swap3A, %swap3A_24] {strides = array<i32>} : memref<128x16xf32, #tpu.memory_space<vmem>>, vector<1x16xf32>,
      %swap3A_26 = vector.shape_cast %swap3A_25 : vector<1x16xf32> to vector<16xf32>
      %swap3A_27 = vector.shape_cast %broadcast_in_dim3A_23 : vector<16xf32> to vector<1x16xf32>
      tpu.vector_store %arg6[%swap3A, %swap3A_24], %swap3A_27 {strides = array<i32>} : memref<128x16xf32, #tpu.memory_space<vmem>>, vector<1x16xf32>,
      %broadcast_in_dim3A_28 = arith.constant 0.000000e+00 : f32
      %broadcast_in_dim3A_29 = vector.broadcast %broadcast_in_dim3A_28 : f32 to vector<16xf32>
      %swap3A_30 = arith.index_cast %add3A_22 : i32 to index
      %swap3A_31 = arith.constant 0 : index
      %swap3A_32 = tpu.vector_load %arg7[%swap3A_30, %swap3A_31] {strides = array<i32>} : memref<128x16xf32, #tpu.memory_space<vmem>>, vector<1x16xf32>,
      %swap3A_33 = vector.shape_cast %swap3A_32 : vector<1x16xf32> to vector<16xf32>
      %swap3A_34 = vector.shape_cast %broadcast_in_dim3A_29 : vector<16xf32> to vector<1x16xf32>
      tpu.vector_store %arg7[%swap3A_30, %swap3A_31], %swap3A_34 {strides = array<i32>} : memref<128x16xf32, #tpu.memory_space<vmem>>, vector<1x16xf32>,
    }
    %scan3A_6 = arith.constant 128 : i32
    %scan3A_7 = arith.constant 0 : i32
    %scan3A_8 = arith.constant 25 : i32
    %scan3A_9 = arith.addi %scan3A_7, %scan3A_8 : i32
    %scan3A_10 = arith.constant 1 : i32
    scf.for %scan3A_18 = %scan3A_7 to %scan3A_9 step %scan3A_10  : i32 {
      %mul3A_19 = arith.constant 1 : i32
      %mul3A_20 = arith.muli %scan3A_18, %mul3A_19 : i32
      %add3A_21 = arith.constant 0 : i32
      %add3A_22 = arith.addi %add3A_21, %mul3A_20 : i32
      %mul3A_23 = arith.constant 128 : i32
      %mul3A_24 = arith.muli %add3A_22, %mul3A_23 : i32
      %add3A_25 = arith.addi %mul3A_0, %mul3A_24 : i32
      "tpu.region"() ({
        %run_scoped3A = tpu.sem_alloc : memref<!tpu.dma_semaphore, #tpu.memory_space<semaphore_mem>>
        %dma_start3A = arith.constant 0 : i32
        %dma_start3A_26 = tpu.memref_slice %arg8[%add3A_25, %dma_start3A] : memref<51208x16xf32, #tpu.memory_space<vmem_shared>> -> memref<128x16xf32, #tpu.memory_space<vmem_shared>>
        %dma_start3A_27 = arith.constant 0 : i32
        %dma_start3A_28 = tpu.memref_slice %arg8[%add3A_25, %dma_start3A_27] : memref<51208x16xf32, #tpu.memory_space<vmem_shared>> -> memref<128x16xf32, #tpu.memory_space<vmem_shared>>
        tpu.enqueue_dma source(%arg7 : memref<128x16xf32, #tpu.memory_space<vmem>>) target(%dma_start3A_28 : memref<128x16xf32, #tpu.memory_space<vmem_shared>>) target_semaphore(%run_scoped3A : memref<!tpu.dma_semaphore, #tpu.memory_space<semaphore_mem>>)
        %dma_wait3A = arith.constant 0 : i32
        %dma_wait3A_29 = tpu.memref_slice %arg8[%add3A_25, %dma_wait3A] : memref<51208x16xf32, #tpu.memory_space<vmem_shared>> -> memref<128x16xf32, #tpu.memory_space<vmem_shared>>
        %dma_wait3A_30 = arith.constant 0 : i32
        %dma_wait3A_31 = tpu.memref_slice %arg8[%add3A_25, %dma_wait3A_30] : memref<51208x16xf32, #tpu.memory_space<vmem_shared>> -> memref<128x16xf32, #tpu.memory_space<vmem_shared>>
        tpu.wait_dma2 semaphore(%run_scoped3A : memref<!tpu.dma_semaphore, #tpu.memory_space<semaphore_mem>>) src(%arg7 : memref<128x16xf32, #tpu.memory_space<vmem>>) dst(%dma_wait3A_31 : memref<128x16xf32, #tpu.memory_space<vmem_shared>>)
        tpu.yield
      }) : () -> ()
    }
    %scan3A_11 = arith.constant 25 : i32
    %barrier3A = arith.constant 0 : index
    tpu.barrier barrier_id(%barrier3A)
    %scan3A_12 = arith.constant 0 : i32
    %scan3A_13 = arith.constant 782 : i32
    %scan3A_14 = arith.addi %scan3A_12, %scan3A_13 : i32
    %scan3A_15 = arith.constant 1 : i32
    scf.for %scan3A_18 = %scan3A_12 to %scan3A_14 step %scan3A_15  : i32 {
      %mul3A_19 = arith.constant 1 : i32
      %mul3A_20 = arith.muli %scan3A_18, %mul3A_19 : i32
      %add3A_21 = arith.constant 0 : i32
      %add3A_22 = arith.addi %add3A_21, %mul3A_20 : i32
      %mul3A_23 = arith.constant 100096 : i32
      %mul3A_24 = arith.muli %arg1, %mul3A_23 : i32
      %mul3A_25 = arith.constant 128 : i32
      %mul3A_26 = arith.muli %add3A_22, %mul3A_25 : i32
      %add3A_27 = arith.addi %mul3A_24, %mul3A_26 : i32
      "tpu.region"() ({
        %run_scoped3A = tpu.sem_alloc : memref<!tpu.dma_semaphore, #tpu.memory_space<semaphore_mem>>
        %dma_start3A = tpu.memref_slice %arg2[%add3A_27] : memref<1601536xi32, #tpu.memory_space<hbm>> -> memref<128xi32, #tpu.memory_space<hbm>>
        %dma_start3A_171 = tpu.memref_slice %arg2[%add3A_27] : memref<1601536xi32, #tpu.memory_space<hbm>> -> memref<128xi32, #tpu.memory_space<hbm>>
        tpu.enqueue_dma source(%dma_start3A_171 : memref<128xi32, #tpu.memory_space<hbm>>) target(%arg4 : memref<128xi32, #tpu.memory_space<vmem>>) target_semaphore(%run_scoped3A : memref<!tpu.dma_semaphore, #tpu.memory_space<semaphore_mem>>)
        %dma_wait3A = tpu.memref_slice %arg2[%add3A_27] : memref<1601536xi32, #tpu.memory_space<hbm>> -> memref<128xi32, #tpu.memory_space<hbm>>
        %dma_wait3A_172 = tpu.memref_slice %arg2[%add3A_27] : memref<1601536xi32, #tpu.memory_space<hbm>> -> memref<128xi32, #tpu.memory_space<hbm>>
        tpu.wait_dma2 semaphore(%run_scoped3A : memref<!tpu.dma_semaphore, #tpu.memory_space<semaphore_mem>>) src(%dma_wait3A_172 : memref<128xi32, #tpu.memory_space<hbm>>) dst(%arg4 : memref<128xi32, #tpu.memory_space<vmem>>)
        tpu.yield
      }) : () -> ()
      %get3A = arith.constant 0 : index
      %get3A_28 = tpu.vector_load %arg4[%get3A] {strides = array<i32>} : memref<128xi32, #tpu.memory_space<vmem>>, vector<16xi32>,
      %get3A_29 = vector.shape_cast %get3A_28 : vector<16xi32> to vector<16xi32>
      %sub3A = vector.broadcast %mul3A_2 : i32 to vector<16xi32>
      %sub3A_30 = arith.subi %get3A_29, %sub3A : vector<16xi32>
      %ge3A = arith.constant 0 : i32
      %ge3A_31 = vector.broadcast %ge3A : i32 to vector<16xi32>
      %ge3A_32 = arith.cmpi sge, %sub3A_30, %ge3A_31 : vector<16xi32>
      %lt3A = arith.constant 51200 : i32
      %lt3A_33 = vector.broadcast %lt3A : i32 to vector<16xi32>
      %lt3A_34 = arith.cmpi slt, %sub3A_30, %lt3A_33 : vector<16xi32>
      %and3A = arith.andi %ge3A_32, %lt3A_34 : vector<16xi1>
      %jit3A = arith.constant 51200 : i32
      %broadcast_in_dim3A = vector.broadcast %jit3A : i32 to vector<16xi32>
      %select_n3A = arith.select %and3A, %sub3A_30, %broadcast_in_dim3A : vector<16xi1>, vector<16xi32>
      %swap3A = arith.constant 0 : index
      %swap3A_35 = tpu.vector_load %arg5[%swap3A] {strides = array<i32>} : memref<128xi32, #tpu.memory_space<vmem>>, vector<16xi32>,
      %swap3A_36 = vector.shape_cast %swap3A_35 : vector<16xi32> to vector<16xi32>
      %swap3A_37 = vector.shape_cast %select_n3A : vector<16xi32> to vector<16xi32>
      tpu.vector_store %arg5[%swap3A], %swap3A_37 {strides = array<i32>} : memref<128xi32, #tpu.memory_space<vmem>>, vector<16xi32>,
      %get3A_38 = arith.constant 16 : index
      %get3A_39 = tpu.vector_load %arg4[%get3A_38] {strides = array<i32>} : memref<128xi32, #tpu.memory_space<vmem>>, vector<16xi32>,
      %get3A_40 = vector.shape_cast %get3A_39 : vector<16xi32> to vector<16xi32>
      %sub3A_41 = vector.broadcast %mul3A_2 : i32 to vector<16xi32>
      %sub3A_42 = arith.subi %get3A_40, %sub3A_41 : vector<16xi32>
      %ge3A_43 = arith.constant 0 : i32
      %ge3A_44 = vector.broadcast %ge3A_43 : i32 to vector<16xi32>
      %ge3A_45 = arith.cmpi sge, %sub3A_42, %ge3A_44 : vector<16xi32>
      %lt3A_46 = arith.constant 51200 : i32
      %lt3A_47 = vector.broadcast %lt3A_46 : i32 to vector<16xi32>
      %lt3A_48 = arith.cmpi slt, %sub3A_42, %lt3A_47 : vector<16xi32>
      %and3A_49 = arith.andi %ge3A_45, %lt3A_48 : vector<16xi1>
      %jit3A_50 = arith.constant 51200 : i32
      %broadcast_in_dim3A_51 = vector.broadcast %jit3A_50 : i32 to vector<16xi32>
      %select_n3A_52 = arith.select %and3A_49, %sub3A_42, %broadcast_in_dim3A_51 : vector<16xi1>, vector<16xi32>
      %swap3A_53 = arith.constant 16 : index
      %swap3A_54 = tpu.vector_load %arg5[%swap3A_53] {strides = array<i32>} : memref<128xi32, #tpu.memory_space<vmem>>, vector<16xi32>,
      %swap3A_55 = vector.shape_cast %swap3A_54 : vector<16xi32> to vector<16xi32>
      %swap3A_56 = vector.shape_cast %select_n3A_52 : vector<16xi32> to vector<16xi32>
      tpu.vector_store %arg5[%swap3A_53], %swap3A_56 {strides = array<i32>} : memref<128xi32, #tpu.memory_space<vmem>>, vector<16xi32>,
      %get3A_57 = arith.constant 32 : index
      %get3A_58 = tpu.vector_load %arg4[%get3A_57] {strides = array<i32>} : memref<128xi32, #tpu.memory_space<vmem>>, vector<16xi32>,
      %get3A_59 = vector.shape_cast %get3A_58 : vector<16xi32> to vector<16xi32>
      %sub3A_60 = vector.broadcast %mul3A_2 : i32 to vector<16xi32>
      %sub3A_61 = arith.subi %get3A_59, %sub3A_60 : vector<16xi32>
      %ge3A_62 = arith.constant 0 : i32
      %ge3A_63 = vector.broadcast %ge3A_62 : i32 to vector<16xi32>
      %ge3A_64 = arith.cmpi sge, %sub3A_61, %ge3A_63 : vector<16xi32>
      %lt3A_65 = arith.constant 51200 : i32
      %lt3A_66 = vector.broadcast %lt3A_65 : i32 to vector<16xi32>
      %lt3A_67 = arith.cmpi slt, %sub3A_61, %lt3A_66 : vector<16xi32>
      %and3A_68 = arith.andi %ge3A_64, %lt3A_67 : vector<16xi1>
      %jit3A_69 = arith.constant 51200 : i32
      %broadcast_in_dim3A_70 = vector.broadcast %jit3A_69 : i32 to vector<16xi32>
      %select_n3A_71 = arith.select %and3A_68, %sub3A_61, %broadcast_in_dim3A_70 : vector<16xi1>, vector<16xi32>
      %swap3A_72 = arith.constant 32 : index
      %swap3A_73 = tpu.vector_load %arg5[%swap3A_72] {strides = array<i32>} : memref<128xi32, #tpu.memory_space<vmem>>, vector<16xi32>,
      %swap3A_74 = vector.shape_cast %swap3A_73 : vector<16xi32> to vector<16xi32>
      %swap3A_75 = vector.shape_cast %select_n3A_71 : vector<16xi32> to vector<16xi32>
      tpu.vector_store %arg5[%swap3A_72], %swap3A_75 {strides = array<i32>} : memref<128xi32, #tpu.memory_space<vmem>>, vector<16xi32>,
      %get3A_76 = arith.constant 48 : index
      %get3A_77 = tpu.vector_load %arg4[%get3A_76] {strides = array<i32>} : memref<128xi32, #tpu.memory_space<vmem>>, vector<16xi32>,
      %get3A_78 = vector.shape_cast %get3A_77 : vector<16xi32> to vector<16xi32>
      %sub3A_79 = vector.broadcast %mul3A_2 : i32 to vector<16xi32>
      %sub3A_80 = arith.subi %get3A_78, %sub3A_79 : vector<16xi32>
      %ge3A_81 = arith.constant 0 : i32
      %ge3A_82 = vector.broadcast %ge3A_81 : i32 to vector<16xi32>
      %ge3A_83 = arith.cmpi sge, %sub3A_80, %ge3A_82 : vector<16xi32>
      %lt3A_84 = arith.constant 51200 : i32
      %lt3A_85 = vector.broadcast %lt3A_84 : i32 to vector<16xi32>
      %lt3A_86 = arith.cmpi slt, %sub3A_80, %lt3A_85 : vector<16xi32>
      %and3A_87 = arith.andi %ge3A_83, %lt3A_86 : vector<16xi1>
      %jit3A_88 = arith.constant 51200 : i32
      %broadcast_in_dim3A_89 = vector.broadcast %jit3A_88 : i32 to vector<16xi32>
      %select_n3A_90 = arith.select %and3A_87, %sub3A_80, %broadcast_in_dim3A_89 : vector<16xi1>, vector<16xi32>
      %swap3A_91 = arith.constant 48 : index
      %swap3A_92 = tpu.vector_load %arg5[%swap3A_91] {strides = array<i32>} : memref<128xi32, #tpu.memory_space<vmem>>, vector<16xi32>,
      %swap3A_93 = vector.shape_cast %swap3A_92 : vector<16xi32> to vector<16xi32>
      %swap3A_94 = vector.shape_cast %select_n3A_90 : vector<16xi32> to vector<16xi32>
      tpu.vector_store %arg5[%swap3A_91], %swap3A_94 {strides = array<i32>} : memref<128xi32, #tpu.memory_space<vmem>>, vector<16xi32>,
      %get3A_95 = arith.constant 64 : index
      %get3A_96 = tpu.vector_load %arg4[%get3A_95] {strides = array<i32>} : memref<128xi32, #tpu.memory_space<vmem>>, vector<16xi32>,
      %get3A_97 = vector.shape_cast %get3A_96 : vector<16xi32> to vector<16xi32>
      %sub3A_98 = vector.broadcast %mul3A_2 : i32 to vector<16xi32>
      %sub3A_99 = arith.subi %get3A_97, %sub3A_98 : vector<16xi32>
      %ge3A_100 = arith.constant 0 : i32
      %ge3A_101 = vector.broadcast %ge3A_100 : i32 to vector<16xi32>
      %ge3A_102 = arith.cmpi sge, %sub3A_99, %ge3A_101 : vector<16xi32>
      %lt3A_103 = arith.constant 51200 : i32
      %lt3A_104 = vector.broadcast %lt3A_103 : i32 to vector<16xi32>
      %lt3A_105 = arith.cmpi slt, %sub3A_99, %lt3A_104 : vector<16xi32>
      %and3A_106 = arith.andi %ge3A_102, %lt3A_105 : vector<16xi1>
      %jit3A_107 = arith.constant 51200 : i32
      %broadcast_in_dim3A_108 = vector.broadcast %jit3A_107 : i32 to vector<16xi32>
      %select_n3A_109 = arith.select %and3A_106, %sub3A_99, %broadcast_in_dim3A_108 : vector<16xi1>, vector<16xi32>
      %swap3A_110 = arith.constant 64 : index
      %swap3A_111 = tpu.vector_load %arg5[%swap3A_110] {strides = array<i32>} : memref<128xi32, #tpu.memory_space<vmem>>, vector<16xi32>,
      %swap3A_112 = vector.shape_cast %swap3A_111 : vector<16xi32> to vector<16xi32>
      %swap3A_113 = vector.shape_cast %select_n3A_109 : vector<16xi32> to vector<16xi32>
      tpu.vector_store %arg5[%swap3A_110], %swap3A_113 {strides = array<i32>} : memref<128xi32, #tpu.memory_space<vmem>>, vector<16xi32>,
      %get3A_114 = arith.constant 80 : index
      %get3A_115 = tpu.vector_load %arg4[%get3A_114] {strides = array<i32>} : memref<128xi32, #tpu.memory_space<vmem>>, vector<16xi32>,
      %get3A_116 = vector.shape_cast %get3A_115 : vector<16xi32> to vector<16xi32>
      %sub3A_117 = vector.broadcast %mul3A_2 : i32 to vector<16xi32>
      %sub3A_118 = arith.subi %get3A_116, %sub3A_117 : vector<16xi32>
      %ge3A_119 = arith.constant 0 : i32
      %ge3A_120 = vector.broadcast %ge3A_119 : i32 to vector<16xi32>
      %ge3A_121 = arith.cmpi sge, %sub3A_118, %ge3A_120 : vector<16xi32>
      %lt3A_122 = arith.constant 51200 : i32
      %lt3A_123 = vector.broadcast %lt3A_122 : i32 to vector<16xi32>
      %lt3A_124 = arith.cmpi slt, %sub3A_118, %lt3A_123 : vector<16xi32>
      %and3A_125 = arith.andi %ge3A_121, %lt3A_124 : vector<16xi1>
      %jit3A_126 = arith.constant 51200 : i32
      %broadcast_in_dim3A_127 = vector.broadcast %jit3A_126 : i32 to vector<16xi32>
      %select_n3A_128 = arith.select %and3A_125, %sub3A_118, %broadcast_in_dim3A_127 : vector<16xi1>, vector<16xi32>
      %swap3A_129 = arith.constant 80 : index
      %swap3A_130 = tpu.vector_load %arg5[%swap3A_129] {strides = array<i32>} : memref<128xi32, #tpu.memory_space<vmem>>, vector<16xi32>,
      %swap3A_131 = vector.shape_cast %swap3A_130 : vector<16xi32> to vector<16xi32>
      %swap3A_132 = vector.shape_cast %select_n3A_128 : vector<16xi32> to vector<16xi32>
      tpu.vector_store %arg5[%swap3A_129], %swap3A_132 {strides = array<i32>} : memref<128xi32, #tpu.memory_space<vmem>>, vector<16xi32>,
      %get3A_133 = arith.constant 96 : index
      %get3A_134 = tpu.vector_load %arg4[%get3A_133] {strides = array<i32>} : memref<128xi32, #tpu.memory_space<vmem>>, vector<16xi32>,
      %get3A_135 = vector.shape_cast %get3A_134 : vector<16xi32> to vector<16xi32>
      %sub3A_136 = vector.broadcast %mul3A_2 : i32 to vector<16xi32>
      %sub3A_137 = arith.subi %get3A_135, %sub3A_136 : vector<16xi32>
      %ge3A_138 = arith.constant 0 : i32
      %ge3A_139 = vector.broadcast %ge3A_138 : i32 to vector<16xi32>
      %ge3A_140 = arith.cmpi sge, %sub3A_137, %ge3A_139 : vector<16xi32>
      %lt3A_141 = arith.constant 51200 : i32
      %lt3A_142 = vector.broadcast %lt3A_141 : i32 to vector<16xi32>
      %lt3A_143 = arith.cmpi slt, %sub3A_137, %lt3A_142 : vector<16xi32>
      %and3A_144 = arith.andi %ge3A_140, %lt3A_143 : vector<16xi1>
      %jit3A_145 = arith.constant 51200 : i32
      %broadcast_in_dim3A_146 = vector.broadcast %jit3A_145 : i32 to vector<16xi32>
      %select_n3A_147 = arith.select %and3A_144, %sub3A_137, %broadcast_in_dim3A_146 : vector<16xi1>, vector<16xi32>
      %swap3A_148 = arith.constant 96 : index
      %swap3A_149 = tpu.vector_load %arg5[%swap3A_148] {strides = array<i32>} : memref<128xi32, #tpu.memory_space<vmem>>, vector<16xi32>,
      %swap3A_150 = vector.shape_cast %swap3A_149 : vector<16xi32> to vector<16xi32>
      %swap3A_151 = vector.shape_cast %select_n3A_147 : vector<16xi32> to vector<16xi32>
      tpu.vector_store %arg5[%swap3A_148], %swap3A_151 {strides = array<i32>} : memref<128xi32, #tpu.memory_space<vmem>>, vector<16xi32>,
      %get3A_152 = arith.constant 112 : index
      %get3A_153 = tpu.vector_load %arg4[%get3A_152] {strides = array<i32>} : memref<128xi32, #tpu.memory_space<vmem>>, vector<16xi32>,
      %get3A_154 = vector.shape_cast %get3A_153 : vector<16xi32> to vector<16xi32>
      %sub3A_155 = vector.broadcast %mul3A_2 : i32 to vector<16xi32>
      %sub3A_156 = arith.subi %get3A_154, %sub3A_155 : vector<16xi32>
      %ge3A_157 = arith.constant 0 : i32
      %ge3A_158 = vector.broadcast %ge3A_157 : i32 to vector<16xi32>
      %ge3A_159 = arith.cmpi sge, %sub3A_156, %ge3A_158 : vector<16xi32>
      %lt3A_160 = arith.constant 51200 : i32
      %lt3A_161 = vector.broadcast %lt3A_160 : i32 to vector<16xi32>
      %lt3A_162 = arith.cmpi slt, %sub3A_156, %lt3A_161 : vector<16xi32>
      %and3A_163 = arith.andi %ge3A_159, %lt3A_162 : vector<16xi1>
      %jit3A_164 = arith.constant 51200 : i32
      %broadcast_in_dim3A_165 = vector.broadcast %jit3A_164 : i32 to vector<16xi32>
      %select_n3A_166 = arith.select %and3A_163, %sub3A_156, %broadcast_in_dim3A_165 : vector<16xi1>, vector<16xi32>
      %swap3A_167 = arith.constant 112 : index
      %swap3A_168 = tpu.vector_load %arg5[%swap3A_167] {strides = array<i32>} : memref<128xi32, #tpu.memory_space<vmem>>, vector<16xi32>,
      %swap3A_169 = vector.shape_cast %swap3A_168 : vector<16xi32> to vector<16xi32>
      %swap3A_170 = vector.shape_cast %select_n3A_166 : vector<16xi32> to vector<16xi32>
      tpu.vector_store %arg5[%swap3A_167], %swap3A_170 {strides = array<i32>} : memref<128xi32, #tpu.memory_space<vmem>>, vector<16xi32>,
      "tpu.region"() ({
        %run_scoped3A = tpu.sem_alloc : memref<!tpu.dma_semaphore, #tpu.memory_space<semaphore_mem>>
        %dma_start3A = arith.constant 0 : i32
        %dma_start3A_171 = arith.constant 0 : i32
        %dma_start3A_172 = tpu.memref_slice %arg8[%dma_start3A, %dma_start3A_171] : memref<51208x16xf32, #tpu.memory_space<vmem_shared>> -> memref<51208x16xf32, #tpu.memory_space<vmem_shared>>
        tpu.enqueue_indirect_dma source(%arg6 : memref<128x16xf32, #tpu.memory_space<vmem>>) target(%dma_start3A_172 : memref<51208x16xf32, #tpu.memory_space<vmem_shared>>) offsets(%arg5 : memref<128xi32, #tpu.memory_space<vmem>>) semaphore(%run_scoped3A : memref<!tpu.dma_semaphore, #tpu.memory_space<semaphore_mem>>) {add = true}
        %dma_wait3A = arith.constant 0 : i32
        %dma_wait3A_173 = arith.constant 0 : i32
        %dma_wait3A_174 = tpu.memref_slice %arg8[%dma_wait3A, %dma_wait3A_173] : memref<51208x16xf32, #tpu.memory_space<vmem_shared>> -> memref<51208x16xf32, #tpu.memory_space<vmem_shared>>
        tpu.wait_indirect_dma semaphore(%run_scoped3A : memref<!tpu.dma_semaphore, #tpu.memory_space<semaphore_mem>>) src(%arg6 : memref<128x16xf32, #tpu.memory_space<vmem>>) dst(%dma_wait3A_174 : memref<51208x16xf32, #tpu.memory_space<vmem_shared>>)
        tpu.yield
      }) : () -> ()
    }
    %scan3A_16 = arith.constant 782 : i32
    %barrier3A_17 = arith.constant 0 : index
    tpu.barrier barrier_id(%barrier3A_17)
    %add3A = arith.addi %mul3A_2, %mul3A_0 : i32
    "tpu.region"() ({
      %run_scoped3A = tpu.sem_alloc : memref<!tpu.dma_semaphore, #tpu.memory_space<semaphore_mem>>
      %dma_start3A = arith.constant 0 : i32
      %dma_start3A_18 = tpu.memref_slice %arg3[%add3A, %dma_start3A] : memref<102400x16xf32, #tpu.memory_space<hbm>> -> memref<3200x16xf32, #tpu.memory_space<hbm>>
      %dma_start3A_19 = arith.constant 0 : i32
      %dma_start3A_20 = tpu.memref_slice %arg8[%mul3A_0, %dma_start3A_19] : memref<51208x16xf32, #tpu.memory_space<vmem_shared>> -> memref<3200x16xf32, #tpu.memory_space<vmem_shared>>
      tpu.enqueue_dma source(%dma_start3A_20 : memref<3200x16xf32, #tpu.memory_space<vmem_shared>>) target(%dma_start3A_18 : memref<3200x16xf32, #tpu.memory_space<hbm>>) target_semaphore(%run_scoped3A : memref<!tpu.dma_semaphore, #tpu.memory_space<semaphore_mem>>)
      %dma_wait3A = arith.constant 0 : i32
      %dma_wait3A_21 = tpu.memref_slice %arg3[%add3A, %dma_wait3A] : memref<102400x16xf32, #tpu.memory_space<hbm>> -> memref<3200x16xf32, #tpu.memory_space<hbm>>
      %dma_wait3A_22 = arith.constant 0 : i32
      %dma_wait3A_23 = tpu.memref_slice %arg8[%mul3A_0, %dma_wait3A_22] : memref<51208x16xf32, #tpu.memory_space<vmem_shared>> -> memref<3200x16xf32, #tpu.memory_space<vmem_shared>>
      tpu.wait_dma2 semaphore(%run_scoped3A : memref<!tpu.dma_semaphore, #tpu.memory_space<semaphore_mem>>) src(%dma_wait3A_23 : memref<3200x16xf32, #tpu.memory_space<vmem_shared>>) dst(%dma_wait3A_21 : memref<3200x16xf32, #tpu.memory_space<hbm>>)
      tpu.yield
    }) : () -> ()
    return
  }
}

module attributes {stable_mosaic.version = 14 : i64} {
  func.func @body(%arg0: i32, %arg1: memref<1600x128xf32, #tpu.memory_space<vmem>>, %arg2: memref<1600x128xf32, #tpu.memory_space<vmem>>, %arg3: memref<1600x128xf32, #tpu.memory_space<vmem>>, %arg4: memref<1600x128xf32, #tpu.memory_space<vmem>>) attributes {dimension_semantics = [#tpu.dimension_semantics<arbitrary>], iteration_bounds = array<i64: 8>, scalar_prefetch = 0 : i64, scratch_operands = 0 : i64, tpu.core_type = #tpu.core_type<tc>, window_params = [{transform_indices = @transform_0, window_bounds = array<i64: 1600, 128>}, {transform_indices = @transform_1, window_bounds = array<i64: 1600, 128>}, {transform_indices = @transform_2, window_bounds = array<i64: 1600, 128>}, {transform_indices = @transform_3, window_bounds = array<i64: 1600, 128>}]} {
    %get3A = arith.constant 0 : index
    %get3A_0 = arith.constant 0 : index
    %get3A_1 = vector.load %arg1[%get3A, %get3A_0] : memref<1600x128xf32, #tpu.memory_space<vmem>>, vector<1600x128xf32>
    %add3A = arith.constant 1.000000e+00 : f32
    %add3A_2 = vector.broadcast %add3A : f32 to vector<1600x128xf32>
    %add3A_3 = arith.addf %add3A_2, %get3A_1 : vector<1600x128xf32>
    %rsqrt3A = math.rsqrt %add3A_3 : vector<1600x128xf32>
    %swap3A = arith.constant 0 : index
    %swap3A_4 = arith.constant 0 : index
    %swap3A_5 = vector.load %arg3[%swap3A, %swap3A_4] : memref<1600x128xf32, #tpu.memory_space<vmem>>, vector<1600x128xf32>
    tpu.vector_store %arg3[%swap3A, %swap3A_4], %rsqrt3A {strides = array<i32>} : memref<1600x128xf32, #tpu.memory_space<vmem>>, vector<1600x128xf32>,
    %get3A_6 = arith.constant 0 : index
    %get3A_7 = arith.constant 0 : index
    %get3A_8 = vector.load %arg2[%get3A_6, %get3A_7] : memref<1600x128xf32, #tpu.memory_space<vmem>>, vector<1600x128xf32>
    %mul3A = arith.mulf %rsqrt3A, %get3A_8 : vector<1600x128xf32>
    %swap3A_9 = arith.constant 0 : index
    %swap3A_10 = arith.constant 0 : index
    %swap3A_11 = vector.load %arg4[%swap3A_9, %swap3A_10] : memref<1600x128xf32, #tpu.memory_space<vmem>>, vector<1600x128xf32>
    tpu.vector_store %arg4[%swap3A_9, %swap3A_10], %mul3A {strides = array<i32>} : memref<1600x128xf32, #tpu.memory_space<vmem>>, vector<1600x128xf32>,
    return
  }
  func.func @transform_0(%arg0: i32) -> (i32, i32) {
    %c0_i32 = arith.constant 0 : i32
    %c0_i32_0 = arith.constant 0 : i32
    return %arg0, %c0_i32 : i32, i32
  }
  func.func @transform_1(%arg0: i32) -> (i32, i32) {
    %c0_i32 = arith.constant 0 : i32
    %c0_i32_0 = arith.constant 0 : i32
    return %arg0, %c0_i32 : i32, i32
  }
  func.func @transform_2(%arg0: i32) -> (i32, i32) {
    %c0_i32 = arith.constant 0 : i32
    %c0_i32_0 = arith.constant 0 : i32
    return %arg0, %c0_i32 : i32, i32
  }
  func.func @transform_3(%arg0: i32) -> (i32, i32) {
    %c0_i32 = arith.constant 0 : i32
    %c0_i32_0 = arith.constant 0 : i32
    return %arg0, %c0_i32 : i32, i32
  }
}

module attributes {stable_mosaic.version = 14 : i64} {
  func.func @body(%arg0: i32, %arg1: memref<1024x16xf32, #tpu.memory_space<vmem>>, %arg2: memref<1024x16xf32, #tpu.memory_space<vmem>>, %arg3: memref<1024x16xf32, #tpu.memory_space<vmem>>, %arg4: memref<16x64xf32, #tpu.memory_space<vmem>>, %arg5: memref<1x64xf32, #tpu.memory_space<vmem>>, %arg6: memref<1024x64xf32, #tpu.memory_space<vmem>>) attributes {dimension_semantics = [#tpu.dimension_semantics<arbitrary>], iteration_bounds = array<i64: 100>, scalar_prefetch = 0 : i64, scratch_operands = 0 : i64, tpu.core_type = #tpu.core_type<tc>, window_params = [{transform_indices = @transform_0, window_bounds = array<i64: 1024, 16>}, {transform_indices = @transform_1, window_bounds = array<i64: 1024, 16>}, {transform_indices = @transform_2, window_bounds = array<i64: 1024, 16>}, {pipeline_mode = #tpu.pipeline_mode<synchronous>, transform_indices = @transform_3, window_bounds = array<i64: 16, 64>}, {pipeline_mode = #tpu.pipeline_mode<synchronous>, transform_indices = @transform_4, window_bounds = array<i64: 1, 64>}, {transform_indices = @transform_5, window_bounds = array<i64: 1024, 64>}]} {
    %get3A = arith.constant 0 : index
    %get3A_0 = arith.constant 0 : index
    %get3A_1 = vector.load %arg3[%get3A, %get3A_0] : memref<1024x16xf32, #tpu.memory_space<vmem>>, vector<1024x16xf32>
    %get3A_2 = arith.constant 0 : index
    %get3A_3 = arith.constant 0 : index
    %get3A_4 = vector.load %arg1[%get3A_2, %get3A_3] : memref<1024x16xf32, #tpu.memory_space<vmem>>, vector<1024x16xf32>
    %get3A_5 = arith.constant 0 : index
    %get3A_6 = arith.constant 0 : index
    %get3A_7 = vector.load %arg2[%get3A_5, %get3A_6] : memref<1024x16xf32, #tpu.memory_space<vmem>>, vector<1024x16xf32>
    %add3A = arith.addf %get3A_4, %get3A_7 : vector<1024x16xf32>
    %mul3A = arith.mulf %get3A_1, %add3A : vector<1024x16xf32>
    %get3A_8 = arith.constant 0 : index
    %get3A_9 = arith.constant 0 : index
    %get3A_10 = vector.load %arg4[%get3A_8, %get3A_9] : memref<16x64xf32, #tpu.memory_space<vmem>>, vector<16x64xf32>
    %dot_general3A = arith.constant dense<0.000000e+00> : vector<1024x64xf32>
    %dot_general3A_11 = tpu.matmul %mul3A, %get3A_10, %dot_general3A {dimension_numbers = #tpu.dot_dimension_numbers<[1], [0], [0], [1], [0, 0, 1, 1], [], []>, precision = #tpu.contract_precision<fp32>, transpose_lhs_hint = false} : vector<1024x16xf32>, vector<16x64xf32>, vector<1024x64xf32> -> vector<1024x64xf32>
    %get3A_12 = arith.constant 0 : index
    %get3A_13 = arith.constant 0 : index
    %get3A_14 = vector.load %arg5[%get3A_12, %get3A_13] : memref<1x64xf32, #tpu.memory_space<vmem>>, vector<1x64xf32>
    %add3A_15 = vector.broadcast %get3A_14 : vector<1x64xf32> to vector<1024x64xf32>
    %add3A_16 = arith.addf %dot_general3A_11, %add3A_15 : vector<1024x64xf32>
    %max3A = arith.constant 0.000000e+00 : f32
    %max3A_17 = vector.broadcast %max3A : f32 to vector<1024x64xf32>
    %max3A_18 = arith.maximumf %add3A_16, %max3A_17 : vector<1024x64xf32>
    %slice3A = vector.extract_strided_slice %get3A_1 {offsets = [0, 0], sizes = [1024, 1], strides = [1, 1]} : vector<1024x16xf32> to vector<1024x1xf32>
    %mul3A_19 = vector.broadcast %slice3A : vector<1024x1xf32> to vector<1024x64xf32>
    %mul3A_20 = arith.mulf %mul3A_19, %max3A_18 : vector<1024x64xf32>
    %swap3A = arith.constant 0 : index
    %swap3A_21 = arith.constant 0 : index
    %swap3A_22 = vector.load %arg6[%swap3A, %swap3A_21] : memref<1024x64xf32, #tpu.memory_space<vmem>>, vector<1024x64xf32>
    tpu.vector_store %arg6[%swap3A, %swap3A_21], %mul3A_20 {strides = array<i32>} : memref<1024x64xf32, #tpu.memory_space<vmem>>, vector<1024x64xf32>,
    return
  }
  func.func @transform_0(%arg0: i32) -> (i32, i32) {
    %c0_i32 = arith.constant 0 : i32
    %c0_i32_0 = arith.constant 0 : i32
    return %arg0, %c0_i32 : i32, i32
  }
  func.func @transform_1(%arg0: i32) -> (i32, i32) {
    %c0_i32 = arith.constant 0 : i32
    %c0_i32_0 = arith.constant 0 : i32
    return %arg0, %c0_i32 : i32, i32
  }
  func.func @transform_2(%arg0: i32) -> (i32, i32) {
    %c0_i32 = arith.constant 0 : i32
    %c0_i32_0 = arith.constant 0 : i32
    return %arg0, %c0_i32 : i32, i32
  }
  func.func @transform_3(%arg0: i32) -> (i32, i32) {
    %c0_i32 = arith.constant 0 : i32
    %c0_i32_0 = arith.constant 0 : i32
    %c0_i32_1 = arith.constant 0 : i32
    return %c0_i32, %c0_i32_0 : i32, i32
  }
  func.func @transform_4(%arg0: i32) -> (i32, i32) {
    %c0_i32 = arith.constant 0 : i32
    %c0_i32_0 = arith.constant 0 : i32
    %c0_i32_1 = arith.constant 0 : i32
    return %c0_i32, %c0_i32_0 : i32, i32
  }
  func.func @transform_5(%arg0: i32) -> (i32, i32) {
    %c0_i32 = arith.constant 0 : i32
    %c0_i32_0 = arith.constant 0 : i32
    return %arg0, %c0_i32 : i32, i32
  }
}

module attributes {stable_mosaic.version = 14 : i64} {
  func.func @body(%arg0: i32, %arg1: memref<4x1024x16xf32, #tpu.memory_space<vmem>>, %arg2: memref<1024x64xf32, #tpu.memory_space<vmem>>, %arg3: memref<1024x16xf32, #tpu.memory_space<vmem>>, %arg4: memref<1x1x1024xi32, #tpu.memory_space<vmem>>, %arg5: memref<64x128xf32, #tpu.memory_space<vmem>>, %arg6: memref<1x128xf32, #tpu.memory_space<vmem>>, %arg7: memref<128x64xf32, #tpu.memory_space<vmem>>, %arg8: memref<1x64xf32, #tpu.memory_space<vmem>>, %arg9: memref<64x1xf32, #tpu.memory_space<vmem>>, %arg10: memref<1x1xf32, #tpu.memory_space<vmem>>, %arg11: memref<1024x1xf32, #tpu.memory_space<vmem>>, %arg12: memref<1024x128xf32, #tpu.memory_space<vmem>>, %arg13: memref<1024x1xf32, #tpu.memory_space<vmem>>) attributes {dimension_semantics = [#tpu.dimension_semantics<arbitrary>], iteration_bounds = array<i64: 100>, scalar_prefetch = 0 : i64, scratch_operands = 2 : i64, tpu.core_type = #tpu.core_type<tc>, window_params = [{transform_indices = @transform_0, window_bounds = array<i64: 4, 1024, 16>}, {transform_indices = @transform_1, window_bounds = array<i64: 1024, 64>}, {transform_indices = @transform_2, window_bounds = array<i64: 1024, 16>}, {transform_indices = @transform_3, window_bounds = array<i64: 1, 1, 1024>}, {pipeline_mode = #tpu.pipeline_mode<synchronous>, transform_indices = @transform_4, window_bounds = array<i64: 64, 128>}, {pipeline_mode = #tpu.pipeline_mode<synchronous>, transform_indices = @transform_5, window_bounds = array<i64: 1, 128>}, {pipeline_mode = #tpu.pipeline_mode<synchronous>, transform_indices = @transform_6, window_bounds = array<i64: 128, 64>}, {pipeline_mode = #tpu.pipeline_mode<synchronous>, transform_indices = @transform_7, window_bounds = array<i64: 1, 64>}, {pipeline_mode = #tpu.pipeline_mode<synchronous>, transform_indices = @transform_8, window_bounds = array<i64: 64, 1>}, {pipeline_mode = #tpu.pipeline_mode<synchronous>, transform_indices = @transform_9, window_bounds = array<i64: 1, 1>}, {pipeline_mode = #tpu.pipeline_mode<synchronous>, transform_indices = @transform_10, window_bounds = array<i64: 1024, 1>}]} {
    %eq3A = arith.constant 0 : i32
    %eq3A_0 = arith.cmpi eq, %arg0, %eq3A : i32
    %convert_element_type3A = arith.extui %eq3A_0 : i1 to i32
    %cond3A = arith.constant 0 : i32
    %cond3A_1 = arith.cmpi ne, %convert_element_type3A, %cond3A : i32
    scf.if %cond3A_1 {
      %broadcast_in_dim3A_69 = arith.constant 0.000000e+00 : f32
      %broadcast_in_dim3A_70 = vector.broadcast %broadcast_in_dim3A_69 : f32 to vector<1024x128xf32>
      %swap3A_71 = arith.constant 0 : index
      %swap3A_72 = arith.constant 0 : index
      %swap3A_73 = vector.load %arg12[%swap3A_71, %swap3A_72] : memref<1024x128xf32, #tpu.memory_space<vmem>>, vector<1024x128xf32>
      tpu.vector_store %arg12[%swap3A_71, %swap3A_72], %broadcast_in_dim3A_70 {strides = array<i32>} : memref<1024x128xf32, #tpu.memory_space<vmem>>, vector<1024x128xf32>,
      %broadcast_in_dim3A_74 = arith.constant 0.000000e+00 : f32
      %broadcast_in_dim3A_75 = vector.broadcast %broadcast_in_dim3A_74 : f32 to vector<1024x1xf32>
      %swap3A_76 = arith.constant 0 : index
      %swap3A_77 = arith.constant 0 : index
      %swap3A_78 = vector.load %arg13[%swap3A_76, %swap3A_77] : memref<1024x1xf32, #tpu.memory_space<vmem>>, vector<1024x1xf32>
      tpu.vector_store %arg13[%swap3A_76, %swap3A_77], %broadcast_in_dim3A_75 {strides = array<i32>} : memref<1024x1xf32, #tpu.memory_space<vmem>>, vector<1024x1xf32>,
    } else {
    }
    %get3A = arith.constant 0 : index
    %get3A_2 = arith.constant 0 : index
    %get3A_3 = vector.load %arg3[%get3A, %get3A_2] : memref<1024x16xf32, #tpu.memory_space<vmem>>, vector<1024x16xf32>
    %slice3A = vector.extract_strided_slice %get3A_3 {offsets = [0, 0], sizes = [1024, 1], strides = [1, 1]} : vector<1024x16xf32> to vector<1024x1xf32>
    %get3A_4 = arith.constant 0 : index
    %get3A_5 = arith.constant 0 : index
    %get3A_6 = arith.constant 0 : index
    %get3A_7 = vector.load %arg1[%get3A_4, %get3A_5, %get3A_6] : memref<4x1024x16xf32, #tpu.memory_space<vmem>>, vector<1x1024x16xf32>
    %get3A_8 = vector.shape_cast %get3A_7 : vector<1x1024x16xf32> to vector<1024x16xf32>
    %get3A_9 = arith.constant 1 : index
    %get3A_10 = arith.constant 0 : index
    %get3A_11 = arith.constant 0 : index
    %get3A_12 = vector.load %arg1[%get3A_9, %get3A_10, %get3A_11] : memref<4x1024x16xf32, #tpu.memory_space<vmem>>, vector<1x1024x16xf32>
    %get3A_13 = vector.shape_cast %get3A_12 : vector<1x1024x16xf32> to vector<1024x16xf32>
    %get3A_14 = arith.constant 2 : index
    %get3A_15 = arith.constant 0 : index
    %get3A_16 = arith.constant 0 : index
    %get3A_17 = vector.load %arg1[%get3A_14, %get3A_15, %get3A_16] : memref<4x1024x16xf32, #tpu.memory_space<vmem>>, vector<1x1024x16xf32>
    %get3A_18 = vector.shape_cast %get3A_17 : vector<1x1024x16xf32> to vector<1024x16xf32>
    %get3A_19 = arith.constant 3 : index
    %get3A_20 = arith.constant 0 : index
    %get3A_21 = arith.constant 0 : index
    %get3A_22 = vector.load %arg1[%get3A_19, %get3A_20, %get3A_21] : memref<4x1024x16xf32, #tpu.memory_space<vmem>>, vector<1x1024x16xf32>
    %get3A_23 = vector.shape_cast %get3A_22 : vector<1x1024x16xf32> to vector<1024x16xf32>
    %concatenate3A = tpu.concatenate %get3A_8, %get3A_13, %get3A_18, %get3A_23 in 1 : vector<1024x16xf32>, vector<1024x16xf32>, vector<1024x16xf32>, vector<1024x16xf32> -> vector<1024x64xf32>
    %get3A_24 = arith.constant 0 : index
    %get3A_25 = arith.constant 0 : index
    %get3A_26 = vector.load %arg2[%get3A_24, %get3A_25] : memref<1024x64xf32, #tpu.memory_space<vmem>>, vector<1024x64xf32>
    %add3A = arith.addf %concatenate3A, %get3A_26 : vector<1024x64xf32>
    %mul3A = vector.broadcast %slice3A : vector<1024x1xf32> to vector<1024x64xf32>
    %mul3A_27 = arith.mulf %mul3A, %add3A : vector<1024x64xf32>
    %get3A_28 = arith.constant 0 : index
    %get3A_29 = arith.constant 0 : index
    %get3A_30 = vector.load %arg5[%get3A_28, %get3A_29] : memref<64x128xf32, #tpu.memory_space<vmem>>, vector<64x128xf32>
    %dot_general3A = arith.constant dense<0.000000e+00> : vector<1024x128xf32>
    %dot_general3A_31 = tpu.matmul %mul3A_27, %get3A_30, %dot_general3A {dimension_numbers = #tpu.dot_dimension_numbers<[1], [0], [0], [1], [0, 0, 1, 1], [], []>, precision = #tpu.contract_precision<fp32>, transpose_lhs_hint = false} : vector<1024x64xf32>, vector<64x128xf32>, vector<1024x128xf32> -> vector<1024x128xf32>
    %get3A_32 = arith.constant 0 : index
    %get3A_33 = arith.constant 0 : index
    %get3A_34 = vector.load %arg6[%get3A_32, %get3A_33] : memref<1x128xf32, #tpu.memory_space<vmem>>, vector<1x128xf32>
    %add3A_35 = vector.broadcast %get3A_34 : vector<1x128xf32> to vector<1024x128xf32>
    %add3A_36 = arith.addf %dot_general3A_31, %add3A_35 : vector<1024x128xf32>
    %max3A = arith.constant 0.000000e+00 : f32
    %max3A_37 = vector.broadcast %max3A : f32 to vector<1024x128xf32>
    %max3A_38 = arith.maximumf %add3A_36, %max3A_37 : vector<1024x128xf32>
    %get3A_39 = arith.constant 0 : index
    %get3A_40 = arith.constant 0 : index
    %get3A_41 = arith.constant 0 : index
    %get3A_42 = vector.load %arg4[%get3A_39, %get3A_40, %get3A_41] : memref<1x1x1024xi32, #tpu.memory_space<vmem>>, vector<1x1x1024xi32>
    %get3A_43 = vector.shape_cast %get3A_42 : vector<1x1x1024xi32> to vector<1x1024xi32>
    %iota3A = tpu.iota {dimensions = array<i32: 0>} : vector<1024x1024xi32>
    %eq3A_44 = vector.broadcast %get3A_43 : vector<1x1024xi32> to vector<1024x1024xi32>
    %eq3A_45 = arith.cmpi eq, %iota3A, %eq3A_44 : vector<1024x1024xi32>
    %convert_element_type3A_46 = arith.extui %eq3A_45 : vector<1024x1024xi1> to vector<1024x1024xi32>
    %convert_element_type3A_47 = arith.sitofp %convert_element_type3A_46 : vector<1024x1024xi32> to vector<1024x1024xf32>
    %get3A_48 = arith.constant 0 : index
    %get3A_49 = arith.constant 0 : index
    %get3A_50 = vector.load %arg12[%get3A_48, %get3A_49] : memref<1024x128xf32, #tpu.memory_space<vmem>>, vector<1024x128xf32>
    %dot_general3A_51 = arith.constant dense<0.000000e+00> : vector<1024x128xf32>
    %dot_general3A_52 = tpu.matmul %convert_element_type3A_47, %max3A_38, %dot_general3A_51 {dimension_numbers = #tpu.dot_dimension_numbers<[1], [0], [0], [1], [0, 0, 1, 1], [], []>, precision = #tpu.contract_precision<fp32>, transpose_lhs_hint = false} : vector<1024x1024xf32>, vector<1024x128xf32>, vector<1024x128xf32> -> vector<1024x128xf32>
    %add3A_53 = arith.addf %get3A_50, %dot_general3A_52 : vector<1024x128xf32>
    %swap3A = arith.constant 0 : index
    %swap3A_54 = arith.constant 0 : index
    %swap3A_55 = vector.load %arg12[%swap3A, %swap3A_54] : memref<1024x128xf32, #tpu.memory_space<vmem>>, vector<1024x128xf32>
    tpu.vector_store %arg12[%swap3A, %swap3A_54], %add3A_53 {strides = array<i32>} : memref<1024x128xf32, #tpu.memory_space<vmem>>, vector<1024x128xf32>,
    %get3A_56 = arith.constant 0 : index
    %get3A_57 = arith.constant 0 : index
    %get3A_58 = vector.load %arg13[%get3A_56, %get3A_57] : memref<1024x1xf32, #tpu.memory_space<vmem>>, vector<1024x1xf32>
    %reduce_sum3A = arith.constant dense<0.000000e+00> : vector<1024xf32>
    %reduce_sum3A_59 = vector.multi_reduction <add>, %convert_element_type3A_47, %reduce_sum3A [1] : vector<1024x1024xf32> to vector<1024xf32>
    %broadcast_in_dim3A = vector.shape_cast %reduce_sum3A_59 : vector<1024xf32> to vector<1024x1xf32>
    %add3A_60 = arith.addf %get3A_58, %broadcast_in_dim3A : vector<1024x1xf32>
    %swap3A_61 = arith.constant 0 : index
    %swap3A_62 = arith.constant 0 : index
    %swap3A_63 = vector.load %arg13[%swap3A_61, %swap3A_62] : memref<1024x1xf32, #tpu.memory_space<vmem>>, vector<1024x1xf32>
    tpu.vector_store %arg13[%swap3A_61, %swap3A_62], %add3A_60 {strides = array<i32>} : memref<1024x1xf32, #tpu.memory_space<vmem>>, vector<1024x1xf32>,
    %eq3A_64 = arith.constant 99 : i32
    %eq3A_65 = arith.cmpi eq, %arg0, %eq3A_64 : i32
    %convert_element_type3A_66 = arith.extui %eq3A_65 : i1 to i32
    %cond3A_67 = arith.constant 0 : i32
    %cond3A_68 = arith.cmpi ne, %convert_element_type3A_66, %cond3A_67 : i32
    scf.if %cond3A_68 {
      %get3A_69 = arith.constant 0 : index
      %get3A_70 = arith.constant 0 : index
      %get3A_71 = vector.load %arg12[%get3A_69, %get3A_70] : memref<1024x128xf32, #tpu.memory_space<vmem>>, vector<1024x128xf32>
      %get3A_72 = arith.constant 0 : index
      %get3A_73 = arith.constant 0 : index
      %get3A_74 = vector.load %arg13[%get3A_72, %get3A_73] : memref<1024x1xf32, #tpu.memory_space<vmem>>, vector<1024x1xf32>
      %max3A_75 = arith.constant 1.000000e+00 : f32
      %max3A_76 = vector.broadcast %max3A_75 : f32 to vector<1024x1xf32>
      %max3A_77 = arith.maximumf %get3A_74, %max3A_76 : vector<1024x1xf32>
      %div3A = vector.broadcast %max3A_77 : vector<1024x1xf32> to vector<1024x128xf32>
      %div3A_78 = arith.divf %get3A_71, %div3A : vector<1024x128xf32>
      %get3A_79 = arith.constant 0 : index
      %get3A_80 = arith.constant 0 : index
      %get3A_81 = vector.load %arg7[%get3A_79, %get3A_80] : memref<128x64xf32, #tpu.memory_space<vmem>>, vector<128x64xf32>
      %dot_general3A_82 = arith.constant dense<0.000000e+00> : vector<1024x64xf32>
      %dot_general3A_83 = tpu.matmul %div3A_78, %get3A_81, %dot_general3A_82 {dimension_numbers = #tpu.dot_dimension_numbers<[1], [0], [0], [1], [0, 0, 1, 1], [], []>, precision = #tpu.contract_precision<fp32>, transpose_lhs_hint = false} : vector<1024x128xf32>, vector<128x64xf32>, vector<1024x64xf32> -> vector<1024x64xf32>
      %get3A_84 = arith.constant 0 : index
      %get3A_85 = arith.constant 0 : index
      %get3A_86 = vector.load %arg8[%get3A_84, %get3A_85] : memref<1x64xf32, #tpu.memory_space<vmem>>, vector<1x64xf32>
      %add3A_87 = vector.broadcast %get3A_86 : vector<1x64xf32> to vector<1024x64xf32>
      %add3A_88 = arith.addf %dot_general3A_83, %add3A_87 : vector<1024x64xf32>
      %max3A_89 = arith.constant 0.000000e+00 : f32
      %max3A_90 = vector.broadcast %max3A_89 : f32 to vector<1024x64xf32>
      %max3A_91 = arith.maximumf %add3A_88, %max3A_90 : vector<1024x64xf32>
      %get3A_92 = arith.constant 0 : index
      %get3A_93 = arith.constant 0 : index
      %get3A_94 = vector.load %arg9[%get3A_92, %get3A_93] : memref<64x1xf32, #tpu.memory_space<vmem>>, vector<64x1xf32>
      %dot_general3A_95 = arith.constant dense<0.000000e+00> : vector<1024x1xf32>
      %dot_general3A_96 = tpu.matmul %max3A_91, %get3A_94, %dot_general3A_95 {dimension_numbers = #tpu.dot_dimension_numbers<[1], [0], [0], [1], [0, 0, 1, 1], [], []>, precision = #tpu.contract_precision<fp32>, transpose_lhs_hint = false} : vector<1024x64xf32>, vector<64x1xf32>, vector<1024x1xf32> -> vector<1024x1xf32>
      %get3A_97 = arith.constant 0 : index
      %get3A_98 = arith.constant 0 : index
      %get3A_99 = vector.load %arg10[%get3A_97, %get3A_98] : memref<1x1xf32, #tpu.memory_space<vmem>>, vector<1x1xf32>
      %add3A_100 = vector.broadcast %get3A_99 : vector<1x1xf32> to vector<1024x1xf32>
      %add3A_101 = arith.addf %dot_general3A_96, %add3A_100 : vector<1024x1xf32>
      %swap3A_102 = arith.constant 0 : index
      %swap3A_103 = arith.constant 0 : index
      %swap3A_104 = vector.load %arg11[%swap3A_102, %swap3A_103] : memref<1024x1xf32, #tpu.memory_space<vmem>>, vector<1024x1xf32>
      tpu.vector_store %arg11[%swap3A_102, %swap3A_103], %add3A_101 {strides = array<i32>} : memref<1024x1xf32, #tpu.memory_space<vmem>>, vector<1024x1xf32>,
    } else {
    }
    return
  }
  func.func @transform_0(%arg0: i32) -> (i32, i32, i32) {
    %c0_i32 = arith.constant 0 : i32
    %c0_i32_0 = arith.constant 0 : i32
    %c0_i32_1 = arith.constant 0 : i32
    return %c0_i32, %arg0, %c0_i32_0 : i32, i32, i32
  }
  func.func @transform_1(%arg0: i32) -> (i32, i32) {
    %c0_i32 = arith.constant 0 : i32
    %c0_i32_0 = arith.constant 0 : i32
    return %arg0, %c0_i32 : i32, i32
  }
  func.func @transform_2(%arg0: i32) -> (i32, i32) {
    %c0_i32 = arith.constant 0 : i32
    %c0_i32_0 = arith.constant 0 : i32
    return %arg0, %c0_i32 : i32, i32
  }
  func.func @transform_3(%arg0: i32) -> (i32, i32, i32) {
    %c0_i32 = arith.constant 0 : i32
    %c0_i32_0 = arith.constant 0 : i32
    %c0_i32_1 = arith.constant 0 : i32
    return %arg0, %c0_i32, %c0_i32_0 : i32, i32, i32
  }
  func.func @transform_4(%arg0: i32) -> (i32, i32) {
    %c0_i32 = arith.constant 0 : i32
    %c0_i32_0 = arith.constant 0 : i32
    %c0_i32_1 = arith.constant 0 : i32
    return %c0_i32, %c0_i32_0 : i32, i32
  }
  func.func @transform_5(%arg0: i32) -> (i32, i32) {
    %c0_i32 = arith.constant 0 : i32
    %c0_i32_0 = arith.constant 0 : i32
    %c0_i32_1 = arith.constant 0 : i32
    return %c0_i32, %c0_i32_0 : i32, i32
  }
  func.func @transform_6(%arg0: i32) -> (i32, i32) {
    %c0_i32 = arith.constant 0 : i32
    %c0_i32_0 = arith.constant 0 : i32
    %c0_i32_1 = arith.constant 0 : i32
    return %c0_i32, %c0_i32_0 : i32, i32
  }
  func.func @transform_7(%arg0: i32) -> (i32, i32) {
    %c0_i32 = arith.constant 0 : i32
    %c0_i32_0 = arith.constant 0 : i32
    %c0_i32_1 = arith.constant 0 : i32
    return %c0_i32, %c0_i32_0 : i32, i32
  }
  func.func @transform_8(%arg0: i32) -> (i32, i32) {
    %c0_i32 = arith.constant 0 : i32
    %c0_i32_0 = arith.constant 0 : i32
    %c0_i32_1 = arith.constant 0 : i32
    return %c0_i32, %c0_i32_0 : i32, i32
  }
  func.func @transform_9(%arg0: i32) -> (i32, i32) {
    %c0_i32 = arith.constant 0 : i32
    %c0_i32_0 = arith.constant 0 : i32
    %c0_i32_1 = arith.constant 0 : i32
    return %c0_i32, %c0_i32_0 : i32, i32
  }
  func.func @transform_10(%arg0: i32) -> (i32, i32) {
    %c0_i32 = arith.constant 0 : i32
    %c0_i32_0 = arith.constant 0 : i32
    %c0_i32_1 = arith.constant 0 : i32
    return %c0_i32, %c0_i32_0 : i32, i32
  }
}

</mosaic_0001>

<sc_bundles>
// kernel: kernel.11.cloned.1.call-start
scs
__scs_entry_jumppad:
0x0: {  	(pc) =	sbr.rel $0x88, $3  }
0x1: {  	(tag) =	ssettag $0x0;
	lr =	simm.s32 $0x1  }
0x2: {  	[smem:$0x3F96] =	sst lr;
	_ =	strace $0xD0000000  }
0x3: {  	_ = 	snop  }
0x4: {  	_ = 	snop  }
0x5: {  	_ = 	snop  }
0x6: {  	_ = 	snop  }
0x7: {  	_ = 	snop  }
__scs_overlays_trampoline_lowered:
0x8: {  	[smem:$0x3FA5] =	sst s0  }
0x9: {  	[smem:$0x3FA6] =	sst s1  }
0xa: {  	[smem:$0x3FA7] =	sst s2  }
0xb: {  	[smem:$0x3FA8] =	sst s3  }
0xc: {  	[smem:$0x3FA9] =	sst s4  }
0xd: {  	[smem:$0x3FAA] =	sst s5  }
0xe: {  	[smem:$0x3FAB] =	sst s6  }
0xf: {  	[smem:$0x3FAC] =	sst s7  }
0x10: {  	[smem:$0x3FAD] =	sst s8  }
0x11: {  	[smem:$0x3FAE] =	sst s9;
	s0 =	simm.s32 @!p0 $0x0  }
0x12: {  	s1 =	sld [smem:$0x3F94];
	s0 =	simm.s32 @p0 $0x1  }
0x13: {  	[smem:$0x3FAF] =	sst s0;
	s0 =	simm.s32 @!p1 $0x0  }
0x14: {  	s2 =	sld [smem:$0x3F93];
	s0 =	simm.s32 @p1 $0x1  }
0x15: {  	[smem:$0x3FB0] =	sst s0;
	s0 =	simm.s32 @!p2 $0x0  }
0x16: {  	s3 =	sld [smem:$0x3FDB];
	s0 =	simm.s32 @p2 $0x1  }
0x17: {  	s4 =	simm.s32 $0x1BF5;
	[smem:$0x3FB2] =	sst s0  }
0x18: {  	s0 =	sld [smem:$0x3F95];
	_ =	swait.ge [sflag:s4], $0x0  }
0x19: {  	s7 =	sld [smem:$0x3F96]  }
0x1a: {  	s8 =	sadd.s32 $0xFFFFE003, lr  }
0x1b: {  	s9 =	sadd.s32 $0xFFFFFEF7, lr;
	s5 =	simm.s32 $0xFFFFFFFF;
	p2 =	slt.u32 s8, $0xFFFFF086  }
0x1c: {  	p1 =	slt.u32 s9, $0xF7A;
	s5 =	simm.s32 @!p2 $0x0  }
0x1d: {  	s5 =	simm.s32 @p1 $0x1;
	p0 =	seq.s32 s7, s2  }
0x1e: {  	s7 =	smul.u32 @!p0 $0xF7A, s2;
	p2 =	seq.s32 @!p0 s5, $0x0  }
0x1f: {  	s9 =	smul.u32 $0xF7A, s1;
	s8 =	simm.s32 @!p0 $0x1BF5;
	p2 =	por !p2, p0  }
0x20: {  	[sflag:s8] =	ssyncset.s32 @!p0 $0xFFFFF086;
	s6 =	sadd.s32 @!p0 s3, s7;
	s7 =	simm.s32 @!p0 $0x108  }
0x21: {  	s3 =	sadd.s32 s3, s9;
	s6 =	sadd.s32 @!p0 $0x88, s6;
	s7 =	simm.s32 @p2 $0x1082  }
0x22: {  	[simem:s7], [sflag:s8] =	dma.local @!p0 [hbm:s6], $0xF7A  }
0x23: {  	s9 =	sor.u32 $0xD0000000, s2;
	s6 =	simm.s32 $0x108;
	_ =	swait.ge @!p0 [sflag:s8], $0x0  }
0x24: {  	s3 =	sadd.s32 $0x88, s3;
	s6 =	simm.s32 @!p1 $0x1082;
	[sflag:s4] =	ssyncset.s32 $0xFFFFF086  }
0x25: {  	[simem:s6], [sflag:s4] =	dma.local [hbm:s3], $0xF7A  }
0x26: {  	[smem:$0x3F96] =	sst s1;
	(tag) =	ssettag s2;
	_ =	strace s9  }
0x27: {  	s1 =	sld [smem:$0x3FA6]  }
0x28: {  	s2 =	sld [smem:$0x3FA7]  }
0x29: {  	s4 =	sld [smem:$0x3FA9]  }
0x2a: {  	p0 =	seq.s32 s5, $0x0;
	s5 =	sld [smem:$0x3FAA]  }
0x2b: {  	s6 =	sld [smem:$0x3FAB]  }
0x2c: {  	s7 =	sld [smem:$0x3FAC]  }
0x2d: {  	s3 =	simm.s32 $0x108;
	s8 =	sld [smem:$0x3FAD]  }
0x2e: {  	s3 =	simm.s32 @!p0 $0x1082;
	s9 =	sld [smem:$0x3FAE]  }
0x2f: {  	lr =	sadd.s32 s0, s3;
	s0 =	sld [smem:$0x3FA5]  }
0x30: {  	s3 =	sld [smem:$0x3FA8]  }
0x31: {  	[smem:$0x3FB1] =	sst s10  }
0x32: {  	s10 =	sld [smem:$0x3FAF];
	_ =	sdelay $0x3  }
0x33: {  	p0 =	seq.s32 s10, $0x1;
	s10 =	sld [smem:$0x3FB1];
	_ =	sdelay $0x3  }
0x34: {  	[smem:$0x3FB1] =	sst s10  }
0x35: {  	s10 =	sld [smem:$0x3FB0];
	_ =	sdelay $0x3  }
0x36: {  	p1 =	seq.s32 s10, $0x1;
	s10 =	sld [smem:$0x3FB1];
	_ =	sdelay $0x3  }
0x37: {  	[smem:$0x3FB1] =	sst s10  }
0x38: {  	s10 =	sld [smem:$0x3FB2]  }
0x39: {  	_ = 	snop;
	(pc) =	sbr.ind lr, $3  }
0x3a: {  	_ = 	snop  }
0x3b: {  	_ = 	snop  }
0x3c: {  	p2 =	seq.s32 s10, $0x1;
	s10 =	sld [smem:$0x3FB1]  }
0x3d: {  	_ =	shalt  }
0x3e: {  	_ =	shalt  }
0x3f: {  	_ =	shalt  }
0x40: {  	_ =	shalt  }
0x41: {  	_ =	shalt  }
0x42: {  	_ =	shalt  }
0x43: {  	_ =	shalt  }
0x44: {  	_ =	shalt  }
0x45: {  	_ =	shalt  }
0x46: {  	_ =	shalt  }
0x47: {  	_ =	shalt  }
0x48: {  	_ =	shalt  }
0x49: {  	_ =	shalt  }
0x4a: {  	_ =	shalt  }
0x4b: {  	_ =	shalt  }
0x4c: {  	_ =	shalt  }
0x4d: {  	_ =	shalt  }
0x4e: {  	_ =	shalt  }
0x4f: {  	_ =	shalt  }
0x50: {  	_ =	shalt  }
0x51: {  	_ =	shalt  }
0x52: {  	_ =	shalt  }
0x53: {  	_ =	shalt  }
0x54: {  	_ =	shalt  }
0x55: {  	_ =	shalt  }
0x56: {  	_ =	shalt  }
0x57: {  	_ =	shalt  }
0x58: {  	_ =	shalt  }
0x59: {  	_ =	shalt  }
0x5a: {  	_ =	shalt  }
0x5b: {  	_ =	shalt  }
0x5c: {  	_ =	shalt  }
0x5d: {  	_ =	shalt  }
0x5e: {  	_ =	shalt  }
0x5f: {  	_ =	shalt  }
0x60: {  	_ =	shalt  }
0x61: {  	_ =	shalt  }
0x62: {  	_ =	shalt  }
0x63: {  	_ =	shalt  }
0x64: {  	_ =	shalt  }
0x65: {  	_ =	shalt  }
0x66: {  	_ =	shalt  }
0x67: {  	_ =	shalt  }
0x68: {  	_ =	shalt  }
0x69: {  	_ =	shalt  }
0x6a: {  	_ =	shalt  }
0x6b: {  	_ =	shalt  }
0x6c: {  	_ =	shalt  }
0x6d: {  	_ =	shalt  }
0x6e: {  	_ =	shalt  }
0x6f: {  	_ =	shalt  }
0x70: {  	_ =	shalt  }
0x71: {  	_ =	shalt  }
0x72: {  	_ =	shalt  }
0x73: {  	_ =	shalt  }
0x74: {  	_ =	shalt  }
0x75: {  	_ =	shalt  }
0x76: {  	_ =	shalt  }
0x77: {  	_ =	shalt  }
0x78: {  	_ =	shalt  }
0x79: {  	_ =	shalt  }
0x7a: {  	_ =	shalt  }
0x7b: {  	_ =	shalt  }
0x7c: {  	_ =	shalt  }
0x7d: {  	_ =	shalt  }
0x7e: {  	_ =	shalt  }
0x7f: {  	_ =	shalt  }
0x80: {  	_ =	shalt  }
0x81: {  	_ =	shalt  }
0x82: {  	_ =	shalt  }
0x83: {  	_ =	shalt  }
0x84: {  	_ =	shalt  }
0x85: {  	_ =	shalt  }
0x86: {  	_ =	shalt  }
0x87: {  	_ =	shalt  }
.Lfunc_end0:
.L_simem_size_0:
called_computation.1_lowered:
.L_overlay_start_0:
0x88: {  	s2 =	sld [smem:$0x3FD9]  }
0x89: {  	s3 =	sld [smem:$0x3FFE];
	_ =	sdelay $0x1  }
0x8a: {  	s1 =	srdreg.scid  }
0x8b: {  	s0 =	sand.u32 $0x1, s1  }
0x8c: {  	s16 =	sshll.u32 s0, $0xA;
	s2 =	sadd.s32 s3, s2  }
0x8d: {  	s2 =	sadd.s32 s2, s16  }
0x8e: {  	[smem:$0x3FBD] =	sst s2  }
0x8f: {  	_ = 	snop  }
0x90: {  	(tm) =	ssettm $0x1  }
0x91: {  	s17 =	sld [smem:$0x3FFB];
	_ =	sdelay $0x3  }
0x92: {  	_ =	strace s17  }
0x93: {  	s2 =	sld [smem:$0x3FFC];
	_ =	sdelay $0x3  }
0x94: {  	_ =	strace s2  }
0x95: {  	s2 =	sld [smem:$0x3FFD];
	_ =	sdelay $0x3  }
0x96: {  	_ =	strace s2  }
0x97: {  	_ =	strace $0x8FFFFFFF  }
0x98: {  	s18 =	sld [smem:$0x3FDB];
	_ =	sdelay $0x1  }
0x99: {  	s19 =	simm.s32 $_scs_section_size  }
0x9a: {  	s4 =	simm.s32 $_size__tile_overlayer_lowered;
	s5 =	simm.s32 $_tile_overlayer_lowered  }
0x9b: {  	s22 =	simm.s32 $0x1BFF;
	s21 =	sshll.u32 s5, $0x1;
	s2 =	sadd.s32 s19, s18  }
0x9c: {  	s6 =	simm.s32 $0x0;
	s20 =	sshll.u32 s4, $0x1;
	s4 =	sadd.s32 s21, s2  }
0x9d: {  	[timem:s6], [sflag:s22] =	dma.local [hbm:s4], s20  }
0x9e: {  	_ =	swait.ge [sflag:s22], s20  }
0x9f: {  	s3 =	ssub.s32 $0x0, s20;
	[sflag:s22] =	ssyncset.done $0x0  }
0xa0: {  	[sflag:s22] =	ssyncadd.s32 s3;
	_ =	sdelay $0x1  }
0xa1: {  	s23 =	simm.s32 $0x1B8B  }
0xa2: {  	_ =	swait.ge [sflag:s23], $0x1  }
0xa3: {  	[sflag:s23] =	ssyncset.done $0x0  }
0xa4: {  	s25 =	simm.s32 $0x1B8E;
	s24 =	sld [smem:$0x3FFE];
	[sflag:s23] =	ssyncadd.s32 $0xFFFFFFFF  }
0xa5: {  	s26 =	simm.s32 $execute0_lowered;
	[smem:$0x3FD2] =	sst s25  }
0xa6: {  	s4 =	sshll.u32 s26, $0x1;
	_ =	strace $0x80000049;
	[dreg:$0x1] =	wrdreg $0xFFFFFFFF  }
0xa7: {  	s28 =	simm.s32 $_size_execute0_lowered;
	s2 =	sadd.s32 s2, s4;
	[dreg:$0x0] =	wrdreg $0x0  }
0xa8: {  	s4 =	sshll.u32 s28, $0x1;
	[dreg:$0x2] =	wrdreg s2  }
0xa9: {  	[dreg:$0x3] =	wrdreg s4  }
0xaa: {  	[dreg:$0x4] =	wrdreg $0xC0  }
0xab: {  	_ =	task [dreg:s6], $0x5FFFF  }
0xac: {  	[dreg:$0x1] =	wrdreg $0xFFFFFFFF  }
0xad: {  	[dreg:$0x0] =	wrdreg $0x60  }
0xae: {  	[dreg:$0x2] =	wrdreg s24  }
0xaf: {  	[dreg:$0x3] =	wrdreg $0x11800  }
0xb0: {  	[dreg:$0x4] =	wrdreg $0x9  }
0xb1: {  	_ =	task.clear_ibuf [dreg:s6], $0x5FFFF;
	_ =	strace $0x90000049  }
0xb2: {  	s29 =	simm.s32 $0x9;
	_ =	strace $0x8000004B  }
0xb3: {  	_ =	swait.ge [sflag:s29], $0x1  }
0xb4: {  	[sflag:s29] =	ssyncadd.s32 $0xFFFFFFFF  }
0xb5: {  	_ =	strace $0x9000004B  }
0xb6: {  	_ =	sfence  }
0xb7: {  	s30 =	sld [smem:$0x0];
	_ =	sdelay $0x2  }
0xb8: {  	s31 =	sshll.u32 s1, $0xD;
	s1 =	sshrl.u32 s1, $0x2  }
0xb9: {  	s3 =	sand.u32 $0x4000, s31;
	s1 =	sadd.s32 s1, s30  }
0xba: {  	s0 =	sor.u32 s3, s0;
	s1 =	sshll.u32 s1, $0x11  }
0xbb: {  	s0 =	sor.u32 s1, s0  }
0xbc: {  	s0 =	sadd.s32 $0x8F2B, s0  }
0xbd: {  	[sflag:s0] =	ssyncadd.remote.s32 $0x1  }
0xbe: {  	_ =	sfence.sel $0xFFFF  }
0xbf: {  	[dreg:$0x0] =	wrdreg $0xFFFFFFFF;
	(pc) =	sbr.abs _section_cstart, $3  }
0xc0: {  	[dreg:$0x1] =	wrdreg $0xFFFFFFFF  }
0xc1: {  	_ =	task.clear_ibuf [dreg:s6], $0x2FFFF;
	_ =	strace $0x9FFFFFFF  }
0xc2: {  	(tm) =	ssettm $0x7FFFFFFF  }
0xc3: {  	_ =	shalt  }
tec
execute0_lowered:
.L_overlay_start_1:
0x0: {  	(tag) =	ssettag $0x1  }
0x1: {  	s5 =	rddreg [dreg:$0x0]  }
0x2: {  	s2 =	rddreg [dreg:$0x1]  }
0x3: {  	s0 =	rddreg [dreg:$0x2]  }
0x4: {  	s1 =	stileid.u32;
	s6 =	srdreg.scid;
	s3 =	simm.s32 $0x0  }
0x5: {  	s11 =	simm.s32 $0x1;
	s12 =	simm.s32 $0x100;
	s4 =	smul.u32 $0x30E0, s1  }
0x6: {  	s13 =	simm.s32 $0x80;
	s14 =	simm.s32 $0x180;
	s7 =	smul.u32 $0xC80, s1  }
0x7: {  	s17 =	simm.s32 $0x0;
	s6 =	sand.u32 $0x1, s6;
	s8 =	smul.u32 $0x32000, s1  }
0x8: {  	[smem:$0x7FF] =	sst s3;
	s16 =	sshll.u32 s1, $0x6;
	s15 =	smul.u32 $0xC800, s6  }
0x9: {  	_ =	strace $0x8000004A;
	s6 =	ssub.s32 $0x2, s6;
	s9 =	sadd.s32 s4, s5  }
0xa: {  	s4 =	sadd.s32 $0x32C00, s5;
	s31 =	sshrl.u32 s6, $0x1;
	s7 =	sadd.s32 s7, s15  }
0xb: {  	s8 =	sshrl.u32 s8, $0x2;
	s10 =	ssub.s32 s6, s31;
	s7 =	sshll.u32 s7, $0x1  }
0xc: {  	v0 =	vmov s15;
	s15 =	sor.u32 $0x1C01, s16;
	s7 =	sadd.s32 s7, s5;
	s5 =	sadd.s32 s8, s2  }
0xd: {  	s8 =	sadd.s32 $0x1E00, s9;
	s9 =	sadd.s32 $0x96C00, s9;
	s6 =	sadd.s32 $0x64C00, s7  }
0xe: {  	v1 =	vimm.f32 $0.0e+00;
	s7 =	smax.u32 s10, $0x1;
	s10 =	simm.s32 $0x980;
	s16 =	sshrl.u32 s5, $0x3  }
.LBB2_1:
0xf: {  	s18 =	simm.s32 $0x0  }
.LBB2_2:
0x10: {  	p0 =	sne.s32 s18, $0x1FC0  }
.Ltmp0:
0x11: {  	_ = 	snop;
	(pc) =	sbr.rel @p0 .LBB2_2-.Ltmp0, $3  }
0x12: {  	_ =	sdelay $0x1  }
0x13: {  	s19 =	sshra.s32 s18, $0x2  }
0x14: {  	s18 =	sadd.s32 $0x40, s18;
	[tilespmem:s19+$0x980] =	vst v1  }
0x15: {  	s18 =	sadd.s32 $0x0, s5  }
0x16: {  	[spmem:s18] =	stream.linear.scatter [tilespmem:s10], [sflag:$0x1], $0x800, $0x38;
	[tilespmem:$0xD988] =	vst v63  }
0x17: {  	s18 =	simm.s32 $0x2000;
	_ =	swait.ge [sflag:s11], $0x800  }
.LBB2_4:
0x18: {  	s19 =	sshra.s32 s18, $0x2;
	[sflag:s11] =	ssyncset.done $0x0;
	p0 =	sne.s32 s18, $0x30000  }
.Ltmp1:
0x19: {  	s19 =	sadd.s32 s19, s5;
	[sflag:s11] =	ssyncadd.s32 $0xFFFFF800;
	(pc) =	sbr.rel @p0 .LBB2_4-.Ltmp1, $3  }
0x1a: {  	[spmem:s19] =	stream.linear.scatter [tilespmem:s10], [sflag:$0x1], $0x800, $0x38;
	[tilespmem:$0xD988] =	vst v63  }
0x1b: {  	s18 =	sadd.s32 $0x2000, s18;
	_ =	sdelay $0x1  }
0x1c: {  	_ =	swait.ge [sflag:s11], $0x800  }
0x1d: {  	[sflag:s11] =	ssyncset.done $0x0  }
0x1e: {  	[sflag:s11] =	ssyncadd.s32 $0xFFFFF800  }
0x1f: {  	s18 =	sadd.s32 $0x0, s9;
	[bflag:$0x0] =	sbarrier.arrive $0xFFFF  }
0x20: {  	[tilespmem:s3], [sflag:$0x1] =	stream.linear.gather [hbm4b:s18+s3], $0x80, $0x38;
	[tilespmem:$0xD988] =	vst v63  }
0x21: {  	_ =	swait.ge [sflag:s11], $0x80  }
0x22: {  	[sflag:s11] =	ssyncset.done $0x0  }
0x23: {  	s31 =	sadd.s32 $0x0, s8;
	[sflag:s11] =	ssyncadd.s32 $0xFFFFFF80  }
0x24: {  	[tilespmem:s12], [sflag:$0x1] =	stream.linear.gather [hbm4b:s31+s3], $0x80, $0x38;
	[tilespmem:$0xD988] =	vst v63  }
0x25: {  	_ =	swait.ge [sflag:s11], $0x80  }
0x26: {  	[sflag:s11] =	ssyncset.done $0x0  }
0x27: {  	[sflag:s11] =	ssyncadd.s32 $0xFFFFFF80  }
0x28: {  	v2 =	vld [tilespmem:$0x60]  }
0x29: {  	v3 =	vld [tilespmem:$0x0]  }
0x2a: {  	v4 =	vld [tilespmem:$0x170]  }
0x2b: {  	v5 =	vld [tilespmem:$0x160]  }
0x2c: {  	v6 =	vld [tilespmem:$0x150]  }
0x2d: {  	v7 =	vld [tilespmem:$0x130]  }
0x2e: {  	v8 =	vld [tilespmem:$0x120]  }
0x2f: {  	v9 =	vld [tilespmem:$0x110];
	[tilespmem:$0xE0] =	vst v2;
	v2 =	vsub.s32 v4, v0  }
0x30: {  	v10 =	vld [tilespmem:$0x140];
	[tilespmem:$0x80] =	vst v3;
	v3 =	vsub.s32 v5, v0;
	v2 =	vmin.u32 v2, $0xC800  }
0x31: {  	v11 =	vld [tilespmem:$0x100];
	v4 =	vsub.s32 v6, v0;
	v3 =	vmin.u32 v3, $0xC800;
	[tilespmem:$0x170] =	vst v2  }
0x32: {  	v5 =	vsub.s32 v7, v0;
	v4 =	vmin.u32 v4, $0xC800;
	v2 =	vld [tilespmem:$0x30];
	[tilespmem:$0x160] =	vst v3  }
0x33: {  	v6 =	vsub.s32 v8, v0;
	v5 =	vmin.u32 v5, $0xC800;
	v3 =	vld [tilespmem:$0x40];
	[tilespmem:$0x150] =	vst v4  }
0x34: {  	v7 =	vsub.s32 v9, v0;
	v6 =	vmin.u32 v6, $0xC800;
	[tilespmem:$0x130] =	vst v5;
	v4 =	vld [tilespmem:$0x50]  }
0x35: {  	v9 =	vsub.s32 v10, v0;
	v8 =	vmin.u32 v7, $0xC800;
	v5 =	vld [tilespmem:$0x20];
	[tilespmem:$0x120] =	vst v6  }
0x36: {  	s18 =	simm.s32 $0x10;
	v7 =	vsub.s32 v11, v0;
	v6 =	vld [tilespmem:$0x10];
	[tilespmem:$0x110] =	vst v8;
	v8 =	vmin.u32 v9, $0xC800  }
.LBB2_6:
0x37: {  	p0 =	sne.s32 s18, $0x30D0;
	[tilespmem:$0xB0] =	vst v2;
	v2 =	vld [tilespmem:$0x70];
	s19 =	smov.u32 s18;
	s18 =	sadd.s32 $0x10, s18  }
0x38: {  	[tilespmem:$0x140] =	vst v8  }
0x39: {  	[tilespmem:$0xC0] =	vst v3  }
0x3a: {  	v3 =	vmin.u32 v7, $0xC800;
	[tilespmem:$0xA0] =	vst v5  }
0x3b: {  	[tilespmem:$0xD0] =	vst v4  }
0x3c: {  	[tilespmem:$0x90] =	vst v6  }
0x3d: {  	[tilespmem:$0xF0] =	vst v2  }
0x3e: {  	[tilespmem:$0x100] =	vst v3  }
0x3f: {  	[tilespmem:s14], [sflag:$0x1] =	stream.indirect.gather [hbm4b:s4+s13], $0x10, s13, s13, $0xb8;
	[tilespmem:$0xD988] =	vst v63  }
0x40: {  	_ =	swait.ge [sflag:s11], $0x800  }
0x41: {  	[sflag:s11] =	ssyncset.done $0x0  }
0x42: {  	[sflag:s11] =	ssyncadd.s32 $0xFFFFF800  }
0x43: {  	[spmem:s2] =	stream.indirect.scatter.add.f32 [tilespmem:s14], [sflag:$0x1], $0x10, s12, s13, $0xb8;
	[tilespmem:$0xD988] =	vst v63  }
0x44: {  	_ =	swait.ge [sflag:s11], $0x800  }
0x45: {  	[sflag:s11] =	ssyncset.done $0x0  }
0x46: {  	s20 =	sadd.s32 s19, s9;
	[sflag:s11] =	ssyncadd.s32 $0xFFFFF800  }
0x47: {  	[tilespmem:s3], [sflag:$0x1] =	stream.linear.gather [hbm4b:s20+s3], $0x80, $0x38;
	[tilespmem:$0xD988] =	vst v63  }
0x48: {  	_ =	swait.ge [sflag:s11], $0x80  }
0x49: {  	[sflag:s11] =	ssyncset.done $0x0  }
0x4a: {  	s19 =	sadd.s32 s19, s8;
	[sflag:s11] =	ssyncadd.s32 $0xFFFFFF80  }
0x4b: {  	[tilespmem:s12], [sflag:$0x1] =	stream.linear.gather [hbm4b:s19+s3], $0x80, $0x38;
	[tilespmem:$0xD988] =	vst v63  }
0x4c: {  	_ =	swait.ge [sflag:s11], $0x80  }
0x4d: {  	[sflag:s11] =	ssyncset.done $0x0  }
0x4e: {  	[sflag:s11] =	ssyncadd.s32 $0xFFFFFF80  }
0x4f: {  	v2 =	vld [tilespmem:$0x60]  }
0x50: {  	v3 =	vld [tilespmem:$0x0]  }
0x51: {  	v4 =	vld [tilespmem:$0x170]  }
0x52: {  	v5 =	vld [tilespmem:$0x160]  }
0x53: {  	v6 =	vld [tilespmem:$0x150]  }
0x54: {  	v7 =	vld [tilespmem:$0x130];
	[tilespmem:$0xE0] =	vst v2  }
0x55: {  	[tilespmem:$0x80] =	vst v3;
	v3 =	vld [tilespmem:$0x120]  }
0x56: {  	v8 =	vld [tilespmem:$0x110];
	v2 =	vsub.s32 v4, v0  }
0x57: {  	v9 =	vld [tilespmem:$0x140];
	v4 =	vsub.s32 v5, v0;
	v2 =	vmin.u32 v2, $0xC800  }
0x58: {  	v10 =	vld [tilespmem:$0x100];
	v5 =	vsub.s32 v6, v0;
	v4 =	vmin.u32 v4, $0xC800;
	[tilespmem:$0x170] =	vst v2  }
.Ltmp2:
0x59: {  	v2 =	vld [tilespmem:$0x30];
	v6 =	vsub.s32 v7, v0;
	v5 =	vmin.u32 v5, $0xC800;
	[tilespmem:$0x160] =	vst v4;
	(pc) =	sbr.rel @p0 .LBB2_6-.Ltmp2, $4  }
0x5a: {  	v4 =	vsub.s32 v3, v0;
	v6 =	vmin.u32 v6, $0xC800;
	v3 =	vld [tilespmem:$0x40];
	[tilespmem:$0x150] =	vst v5  }
0x5b: {  	v5 =	vsub.s32 v8, v0;
	v7 =	vmin.u32 v4, $0xC800;
	[tilespmem:$0x130] =	vst v6;
	v4 =	vld [tilespmem:$0x50]  }
0x5c: {  	v8 =	vmin.u32 v5, $0xC800;
	v5 =	vld [tilespmem:$0x20];
	[tilespmem:$0x120] =	vst v7;
	v9 =	vsub.s32 v9, v0  }
0x5d: {  	v7 =	vsub.s32 v10, v0;
	v6 =	vld [tilespmem:$0x10];
	[tilespmem:$0x110] =	vst v8;
	v8 =	vmin.u32 v9, $0xC800  }
0x5e: {  	[tilespmem:$0xB0] =	vst v2  }
0x5f: {  	[tilespmem:$0x140] =	vst v8  }
0x60: {  	v2 =	vld [tilespmem:$0x70];
	[tilespmem:$0xC0] =	vst v3  }
0x61: {  	v3 =	vmin.u32 v7, $0xC800;
	[tilespmem:$0xD0] =	vst v4  }
0x62: {  	[tilespmem:$0x100] =	vst v3  }
0x63: {  	[tilespmem:$0xA0] =	vst v5  }
0x64: {  	[tilespmem:$0x90] =	vst v6  }
0x65: {  	[tilespmem:$0xF0] =	vst v2  }
0x66: {  	[tilespmem:s14], [sflag:$0x1] =	stream.indirect.gather [hbm4b:s4+s13], $0x10, s13, s13, $0xb8;
	[tilespmem:$0xD988] =	vst v63  }
0x67: {  	_ =	swait.ge [sflag:s11], $0x800  }
0x68: {  	[sflag:s11] =	ssyncset.done $0x0  }
0x69: {  	[sflag:s11] =	ssyncadd.s32 $0xFFFFF800  }
0x6a: {  	[spmem:s2] =	stream.indirect.scatter.add.f32 [tilespmem:s14], [sflag:$0x1], $0x10, s12, s13, $0xb8;
	[tilespmem:$0xD988] =	vst v63  }
0x6b: {  	_ =	swait.ge [sflag:s11], $0x800  }
0x6c: {  	[sflag:s11] =	ssyncset.done $0x0  }
0x6d: {  	s17 =	sadd.s32 $0x1, s17;
	[sflag:s11] =	ssyncadd.s32 $0xFFFFF800  }
0x6e: {  	p0 =	sne.s32 s17, s7;
	[bflag:$0x0] =	sbarrier.arrive $0xFFFF  }
0x6f: {  	[hbm:s6], [sflag:s15] =	dma.local [spmem:s16], $0x1900  }
.Ltmp3:
0x70: {  	_ =	swait.ge [sflag:s11], $0x1900;
	(pc) =	sbr.rel @p0 .LBB2_1-.Ltmp3, $3  }
0x71: {  	[sflag:s11] =	ssyncset.done $0x0  }
0x72: {  	[sflag:s11] =	ssyncadd.s32 $0xFFFFE700  }
0x73: {  	[bflag:$0x0] =	sbarrier.arrive $0xFFFF;
	_ =	sdelay $0x1  }
0x74: {  	_ =	sfence.sel $0x180000  }
0x75: {  	[bflag:$0x0] =	sbarrier.arrive $0xFFFF  }
0x76: {  	p0 =	sne.s32 s1, $0x0;
	_ =	strace $0x9000004A  }
0x77: {  	s0 =	sadd.s32 @!p0 $0x100000, s0;
	[bflag:$0x2] =	sbarrier.arrive $0xFFFF  }
0x78: {  	[sflag:s0] =	ssyncadd.tile.s32 @!p0 $0x1;
	_ =	shalt  }
.Lfunc_end2:
_tile_overlayer_lowered:
.L_overlay_start_2:
0x79: {  	(tag) =	ssettag $0x2  }
0x7a: {  	s0 =	rddreg [dreg:$0x0];
	s2 =	stileid.u32  }
0x7b: {  	s1 =	rddreg [dreg:$0x1];
	p0 =	sne.s32 s2, $0x0  }
0x7c: {  	s3 =	rddreg [dreg:$0x2];
	[bflag:$0x3] =	sbarrier.arrive $0xFFFF;
	s2 =	simm.s32 @!p0 $0x1C01  }
0x7d: {  	[timem:s3], [sflag:s2] =	dma.local @!p0 [hbm:s0], s1  }
0x7e: {  	s0 =	simm.s32 @!p0 $0x1  }
0x7f: {  	_ =	swait.ge @!p0 [sflag:s0], s1  }
0x80: {  	s1 =	ssub.s32 @!p0 $0x0, s1;
	[sflag:s0] =	ssyncset.done @!p0 $0x0  }
0x81: {  	[sflag:s0] =	ssyncadd.s32 @!p0 s1  }
0x82: {  	[bflag:$0x3] =	sbarrier.arrive $0xFFFF  }
0x83: {  	_ =	shalt  }

// kernel: kernel.14.cloned.1.call-start
scs
__scs_entry_jumppad:
0x0: {  	(pc) =	sbr.rel $0x88, $3  }
0x1: {  	(tag) =	ssettag $0x0;
	lr =	simm.s32 $0x1  }
0x2: {  	[smem:$0x3F96] =	sst lr;
	_ =	strace $0xD0000000  }
0x3: {  	_ = 	snop  }
0x4: {  	_ = 	snop  }
0x5: {  	_ = 	snop  }
0x6: {  	_ = 	snop  }
0x7: {  	_ = 	snop  }
__scs_overlays_trampoline_lowered:
0x8: {  	[smem:$0x3FA5] =	sst s0  }
0x9: {  	[smem:$0x3FA6] =	sst s1  }
0xa: {  	[smem:$0x3FA7] =	sst s2  }
0xb: {  	[smem:$0x3FA8] =	sst s3  }
0xc: {  	[smem:$0x3FA9] =	sst s4  }
0xd: {  	[smem:$0x3FAA] =	sst s5  }
0xe: {  	[smem:$0x3FAB] =	sst s6  }
0xf: {  	[smem:$0x3FAC] =	sst s7  }
0x10: {  	[smem:$0x3FAD] =	sst s8  }
0x11: {  	[smem:$0x3FAE] =	sst s9;
	s0 =	simm.s32 @!p0 $0x0  }
0x12: {  	s1 =	sld [smem:$0x3F94];
	s0 =	simm.s32 @p0 $0x1  }
0x13: {  	[smem:$0x3FAF] =	sst s0;
	s0 =	simm.s32 @!p1 $0x0  }
0x14: {  	s2 =	sld [smem:$0x3F93];
	s0 =	simm.s32 @p1 $0x1  }
0x15: {  	[smem:$0x3FB0] =	sst s0;
	s0 =	simm.s32 @!p2 $0x0  }
0x16: {  	s3 =	sld [smem:$0x3FDB];
	s0 =	simm.s32 @p2 $0x1  }
0x17: {  	s4 =	simm.s32 $0x1BF5;
	[smem:$0x3FB2] =	sst s0  }
0x18: {  	s0 =	sld [smem:$0x3F95];
	_ =	swait.ge [sflag:s4], $0x0  }
0x19: {  	s7 =	sld [smem:$0x3F96]  }
0x1a: {  	s8 =	sadd.s32 $0xFFFFE003, lr  }
0x1b: {  	s9 =	sadd.s32 $0xFFFFFEF7, lr;
	s5 =	simm.s32 $0xFFFFFFFF;
	p2 =	slt.u32 s8, $0xFFFFF086  }
0x1c: {  	p1 =	slt.u32 s9, $0xF7A;
	s5 =	simm.s32 @!p2 $0x0  }
0x1d: {  	s5 =	simm.s32 @p1 $0x1;
	p0 =	seq.s32 s7, s2  }
0x1e: {  	s7 =	smul.u32 @!p0 $0xF7A, s2;
	p2 =	seq.s32 @!p0 s5, $0x0  }
0x1f: {  	s9 =	smul.u32 $0xF7A, s1;
	s8 =	simm.s32 @!p0 $0x1BF5;
	p2 =	por !p2, p0  }
0x20: {  	[sflag:s8] =	ssyncset.s32 @!p0 $0xFFFFF086;
	s6 =	sadd.s32 @!p0 s3, s7;
	s7 =	simm.s32 @!p0 $0x108  }
0x21: {  	s3 =	sadd.s32 s3, s9;
	s6 =	sadd.s32 @!p0 $0x88, s6;
	s7 =	simm.s32 @p2 $0x1082  }
0x22: {  	[simem:s7], [sflag:s8] =	dma.local @!p0 [hbm:s6], $0xF7A  }
0x23: {  	s9 =	sor.u32 $0xD0000000, s2;
	s6 =	simm.s32 $0x108;
	_ =	swait.ge @!p0 [sflag:s8], $0x0  }
0x24: {  	s3 =	sadd.s32 $0x88, s3;
	s6 =	simm.s32 @!p1 $0x1082;
	[sflag:s4] =	ssyncset.s32 $0xFFFFF086  }
0x25: {  	[simem:s6], [sflag:s4] =	dma.local [hbm:s3], $0xF7A  }
0x26: {  	[smem:$0x3F96] =	sst s1;
	(tag) =	ssettag s2;
	_ =	strace s9  }
0x27: {  	s1 =	sld [smem:$0x3FA6]  }
0x28: {  	s2 =	sld [smem:$0x3FA7]  }
0x29: {  	s4 =	sld [smem:$0x3FA9]  }
0x2a: {  	p0 =	seq.s32 s5, $0x0;
	s5 =	sld [smem:$0x3FAA]  }
0x2b: {  	s6 =	sld [smem:$0x3FAB]  }
0x2c: {  	s7 =	sld [smem:$0x3FAC]  }
0x2d: {  	s3 =	simm.s32 $0x108;
	s8 =	sld [smem:$0x3FAD]  }
0x2e: {  	s3 =	simm.s32 @!p0 $0x1082;
	s9 =	sld [smem:$0x3FAE]  }
0x2f: {  	lr =	sadd.s32 s0, s3;
	s0 =	sld [smem:$0x3FA5]  }
0x30: {  	s3 =	sld [smem:$0x3FA8]  }
0x31: {  	[smem:$0x3FB1] =	sst s10  }
0x32: {  	s10 =	sld [smem:$0x3FAF];
	_ =	sdelay $0x3  }
0x33: {  	p0 =	seq.s32 s10, $0x1;
	s10 =	sld [smem:$0x3FB1];
	_ =	sdelay $0x3  }
0x34: {  	[smem:$0x3FB1] =	sst s10  }
0x35: {  	s10 =	sld [smem:$0x3FB0];
	_ =	sdelay $0x3  }
0x36: {  	p1 =	seq.s32 s10, $0x1;
	s10 =	sld [smem:$0x3FB1];
	_ =	sdelay $0x3  }
0x37: {  	[smem:$0x3FB1] =	sst s10  }
0x38: {  	s10 =	sld [smem:$0x3FB2]  }
0x39: {  	_ = 	snop;
	(pc) =	sbr.ind lr, $3  }
0x3a: {  	_ = 	snop  }
0x3b: {  	_ = 	snop  }
0x3c: {  	p2 =	seq.s32 s10, $0x1;
	s10 =	sld [smem:$0x3FB1]  }
0x3d: {  	_ =	shalt  }
0x3e: {  	_ =	shalt  }
0x3f: {  	_ =	shalt  }
0x40: {  	_ =	shalt  }
0x41: {  	_ =	shalt  }
0x42: {  	_ =	shalt  }
0x43: {  	_ =	shalt  }
0x44: {  	_ =	shalt  }
0x45: {  	_ =	shalt  }
0x46: {  	_ =	shalt  }
0x47: {  	_ =	shalt  }
0x48: {  	_ =	shalt  }
0x49: {  	_ =	shalt  }
0x4a: {  	_ =	shalt  }
0x4b: {  	_ =	shalt  }
0x4c: {  	_ =	shalt  }
0x4d: {  	_ =	shalt  }
0x4e: {  	_ =	shalt  }
0x4f: {  	_ =	shalt  }
0x50: {  	_ =	shalt  }
0x51: {  	_ =	shalt  }
0x52: {  	_ =	shalt  }
0x53: {  	_ =	shalt  }
0x54: {  	_ =	shalt  }
0x55: {  	_ =	shalt  }
0x56: {  	_ =	shalt  }
0x57: {  	_ =	shalt  }
0x58: {  	_ =	shalt  }
0x59: {  	_ =	shalt  }
0x5a: {  	_ =	shalt  }
0x5b: {  	_ =	shalt  }
0x5c: {  	_ =	shalt  }
0x5d: {  	_ =	shalt  }
0x5e: {  	_ =	shalt  }
0x5f: {  	_ =	shalt  }
0x60: {  	_ =	shalt  }
0x61: {  	_ =	shalt  }
0x62: {  	_ =	shalt  }
0x63: {  	_ =	shalt  }
0x64: {  	_ =	shalt  }
0x65: {  	_ =	shalt  }
0x66: {  	_ =	shalt  }
0x67: {  	_ =	shalt  }
0x68: {  	_ =	shalt  }
0x69: {  	_ =	shalt  }
0x6a: {  	_ =	shalt  }
0x6b: {  	_ =	shalt  }
0x6c: {  	_ =	shalt  }
0x6d: {  	_ =	shalt  }
0x6e: {  	_ =	shalt  }
0x6f: {  	_ =	shalt  }
0x70: {  	_ =	shalt  }
0x71: {  	_ =	shalt  }
0x72: {  	_ =	shalt  }
0x73: {  	_ =	shalt  }
0x74: {  	_ =	shalt  }
0x75: {  	_ =	shalt  }
0x76: {  	_ =	shalt  }
0x77: {  	_ =	shalt  }
0x78: {  	_ =	shalt  }
0x79: {  	_ =	shalt  }
0x7a: {  	_ =	shalt  }
0x7b: {  	_ =	shalt  }
0x7c: {  	_ =	shalt  }
0x7d: {  	_ =	shalt  }
0x7e: {  	_ =	shalt  }
0x7f: {  	_ =	shalt  }
0x80: {  	_ =	shalt  }
0x81: {  	_ =	shalt  }
0x82: {  	_ =	shalt  }
0x83: {  	_ =	shalt  }
0x84: {  	_ =	shalt  }
0x85: {  	_ =	shalt  }
0x86: {  	_ =	shalt  }
0x87: {  	_ =	shalt  }
.Lfunc_end0:
.L_simem_size_0:
called_computation.2_lowered:
.L_overlay_start_0:
0x88: {  	s2 =	sld [smem:$0x3FD9]  }
0x89: {  	s3 =	sld [smem:$0x3FFE];
	_ =	sdelay $0x1  }
0x8a: {  	s1 =	srdreg.scid  }
0x8b: {  	s0 =	sand.u32 $0x1, s1  }
0x8c: {  	s16 =	sshll.u32 s0, $0xA;
	s2 =	sadd.s32 s3, s2  }
0x8d: {  	s2 =	sadd.s32 s2, s16  }
0x8e: {  	[smem:$0x3FBD] =	sst s2  }
0x8f: {  	_ = 	snop  }
0x90: {  	(tm) =	ssettm $0x1  }
0x91: {  	s17 =	sld [smem:$0x3FFB];
	_ =	sdelay $0x3  }
0x92: {  	_ =	strace s17  }
0x93: {  	s2 =	sld [smem:$0x3FFC];
	_ =	sdelay $0x3  }
0x94: {  	_ =	strace s2  }
0x95: {  	s2 =	sld [smem:$0x3FFD];
	_ =	sdelay $0x3  }
0x96: {  	_ =	strace s2  }
0x97: {  	_ =	strace $0x8FFFFFFF  }
0x98: {  	s18 =	sld [smem:$0x3FDB];
	_ =	sdelay $0x1  }
0x99: {  	s19 =	simm.s32 $_scs_section_size  }
0x9a: {  	s4 =	simm.s32 $_size__tile_overlayer_lowered;
	s5 =	simm.s32 $_tile_overlayer_lowered  }
0x9b: {  	s22 =	simm.s32 $0x1BFF;
	s21 =	sshll.u32 s5, $0x1;
	s2 =	sadd.s32 s19, s18  }
0x9c: {  	s6 =	simm.s32 $0x0;
	s20 =	sshll.u32 s4, $0x1;
	s4 =	sadd.s32 s21, s2  }
0x9d: {  	[timem:s6], [sflag:s22] =	dma.local [hbm:s4], s20  }
0x9e: {  	_ =	swait.ge [sflag:s22], s20  }
0x9f: {  	s3 =	ssub.s32 $0x0, s20;
	[sflag:s22] =	ssyncset.done $0x0  }
0xa0: {  	[sflag:s22] =	ssyncadd.s32 s3;
	_ =	sdelay $0x1  }
0xa1: {  	s23 =	simm.s32 $0x1B8B  }
0xa2: {  	_ =	swait.ge [sflag:s23], $0x1  }
0xa3: {  	[sflag:s23] =	ssyncset.done $0x0  }
0xa4: {  	s25 =	simm.s32 $0x1B8E;
	s24 =	sld [smem:$0x3FFE];
	[sflag:s23] =	ssyncadd.s32 $0xFFFFFFFF  }
0xa5: {  	s26 =	simm.s32 $execute0_lowered;
	[smem:$0x3FD2] =	sst s25  }
0xa6: {  	s4 =	sshll.u32 s26, $0x1;
	_ =	strace $0x8000004C;
	[dreg:$0x1] =	wrdreg $0xFFFFFFFF  }
0xa7: {  	s28 =	simm.s32 $_size_execute0_lowered;
	s2 =	sadd.s32 s2, s4;
	[dreg:$0x0] =	wrdreg $0x0  }
0xa8: {  	s4 =	sshll.u32 s28, $0x1;
	[dreg:$0x2] =	wrdreg s2  }
0xa9: {  	[dreg:$0x3] =	wrdreg s4  }
0xaa: {  	[dreg:$0x4] =	wrdreg $0xC0  }
0xab: {  	_ =	task [dreg:s6], $0x5FFFF  }
0xac: {  	[dreg:$0x1] =	wrdreg $0xFFFFFFFF  }
0xad: {  	[dreg:$0x0] =	wrdreg $0x60  }
0xae: {  	[dreg:$0x2] =	wrdreg s24  }
0xaf: {  	[dreg:$0x3] =	wrdreg $0x11800  }
0xb0: {  	[dreg:$0x4] =	wrdreg $0x9  }
0xb1: {  	_ =	task.clear_ibuf [dreg:s6], $0x5FFFF;
	_ =	strace $0x9000004C  }
0xb2: {  	s29 =	simm.s32 $0x9;
	_ =	strace $0x8000004E  }
0xb3: {  	_ =	swait.ge [sflag:s29], $0x1  }
0xb4: {  	[sflag:s29] =	ssyncadd.s32 $0xFFFFFFFF  }
0xb5: {  	_ =	strace $0x9000004E  }
0xb6: {  	_ =	sfence  }
0xb7: {  	s30 =	sld [smem:$0x0];
	_ =	sdelay $0x2  }
0xb8: {  	s31 =	sshll.u32 s1, $0xD;
	s1 =	sshrl.u32 s1, $0x2  }
0xb9: {  	s3 =	sand.u32 $0x4000, s31;
	s1 =	sadd.s32 s1, s30  }
0xba: {  	s0 =	sor.u32 s3, s0;
	s1 =	sshll.u32 s1, $0x11  }
0xbb: {  	s0 =	sor.u32 s1, s0  }
0xbc: {  	s0 =	sadd.s32 $0x8F2B, s0  }
0xbd: {  	[sflag:s0] =	ssyncadd.remote.s32 $0x1  }
0xbe: {  	_ =	sfence.sel $0xFFFF  }
0xbf: {  	[dreg:$0x0] =	wrdreg $0xFFFFFFFF;
	(pc) =	sbr.abs _section_cstart, $3  }
0xc0: {  	[dreg:$0x1] =	wrdreg $0xFFFFFFFF  }
0xc1: {  	_ =	task.clear_ibuf [dreg:s6], $0x2FFFF;
	_ =	strace $0x9FFFFFFF  }
0xc2: {  	(tm) =	ssettm $0x7FFFFFFF  }
0xc3: {  	_ =	shalt  }
tec
execute0_lowered:
.L_overlay_start_1:
0x0: {  	(tag) =	ssettag $0x1  }
0x1: {  	s5 =	rddreg [dreg:$0x0]  }
0x2: {  	s2 =	rddreg [dreg:$0x1]  }
0x3: {  	s0 =	rddreg [dreg:$0x2]  }
0x4: {  	s1 =	stileid.u32;
	s6 =	srdreg.scid;
	s3 =	simm.s32 $0x0  }
0x5: {  	s13 =	simm.s32 $0x980;
	s14 =	simm.s32 $0x1;
	s4 =	smul.u32 $0x30E0, s1  }
0x6: {  	s15 =	simm.s32 $0x100;
	s6 =	sand.u32 $0x1, s6;
	s7 =	smul.u32 $0xC80, s1  }
0x7: {  	s17 =	simm.s32 $0x180;
	[smem:$0x7FF] =	sst s3;
	s16 =	smul.u32 $0xC800, s6  }
0x8: {  	s18 =	simm.s32 $0x0;
	s9 =	smul.u32 $0x32000, s1;
	_ =	strace $0x8000004D  }
0x9: {  	s6 =	ssub.s32 $0x2, s6;
	s12 =	sadd.s32 s4, s5;
	s30 =	sadd.s32 s7, s16  }
0xa: {  	s8 =	sshrl.u32 s6, $0x1;
	s4 =	sadd.s32 $0xC7A00, s5;
	s7 =	sshll.u32 s30, $0x1  }
0xb: {  	s31 =	sshrl.u32 s9, $0x2;
	s11 =	ssub.s32 s6, s8;
	s10 =	sadd.s32 s7, s5  }
0xc: {  	v0 =	vmov s16;
	s16 =	simm.s32 $0x80;
	s5 =	sadd.s32 $0x18FA00, s10;
	s6 =	sadd.s32 $0x1C1A00, s10  }
0xd: {  	s7 =	sadd.s32 s31, s2;
	s8 =	sadd.s32 $0x1F3A00, s10;
	s9 =	sadd.s32 $0x225A00, s10  }
0xe: {  	v1 =	vimm.f32 $0.0e+00;
	s10 =	smax.u32 s11, $0x1;
	s11 =	sadd.s32 $0x1E00, s12;
	s12 =	sadd.s32 $0x96C00, s12  }
.LBB2_1:
0xf: {  	s19 =	simm.s32 $0x0  }
.LBB2_2:
0x10: {  	p0 =	sne.s32 s19, $0x1FC0  }
.Ltmp0:
0x11: {  	_ = 	snop;
	(pc) =	sbr.rel @p0 .LBB2_2-.Ltmp0, $3  }
0x12: {  	_ =	sdelay $0x1  }
0x13: {  	s20 =	sshra.s32 s19, $0x2  }
0x14: {  	s19 =	sadd.s32 $0x40, s19;
	[tilespmem:s20+$0x980] =	vst v1  }
0x15: {  	s19 =	sadd.s32 $0x0, s7  }
0x16: {  	[spmem:s19] =	stream.linear.scatter [tilespmem:s13], [sflag:$0x1], $0x800, $0x38;
	[tilespmem:$0xD988] =	vst v63  }
0x17: {  	s19 =	simm.s32 $0x2000;
	_ =	swait.ge [sflag:s14], $0x800  }
.LBB2_4:
0x18: {  	s20 =	sshra.s32 s19, $0x2;
	[sflag:s14] =	ssyncset.done $0x0;
	p0 =	sne.s32 s19, $0x30000  }
.Ltmp1:
0x19: {  	s20 =	sadd.s32 s20, s7;
	[sflag:s14] =	ssyncadd.s32 $0xFFFFF800;
	(pc) =	sbr.rel @p0 .LBB2_4-.Ltmp1, $3  }
0x1a: {  	[spmem:s20] =	stream.linear.scatter [tilespmem:s13], [sflag:$0x1], $0x800, $0x38;
	[tilespmem:$0xD988] =	vst v63  }
0x1b: {  	s19 =	sadd.s32 $0x2000, s19;
	_ =	sdelay $0x1  }
0x1c: {  	_ =	swait.ge [sflag:s14], $0x800  }
0x1d: {  	[sflag:s14] =	ssyncset.done $0x0  }
0x1e: {  	s19 =	simm.s32 $0x0;
	[sflag:s14] =	ssyncadd.s32 $0xFFFFF800  }
0x1f: {  	s20 =	simm.s32 $0x10;
	s21 =	sadd.s32 $0x0, s12;
	[bflag:$0x0] =	sbarrier.arrive $0xFFFF  }
.LBB2_6:
0x20: {  	[tilespmem:s3], [sflag:$0x1] =	stream.linear.gather [hbm4b:s21+s3], $0x80, $0x38;
	[tilespmem:$0xD988] =	vst v63  }
0x21: {  	s21 =	smov.u32 s20  }
0x22: {  	p0 =	sne.s32 s20, $0x30D0;
	s20 =	sadd.s32 $0x10, s20;
	_ =	swait.ge [sflag:s14], $0x80  }
0x23: {  	[sflag:s14] =	ssyncset.done $0x0  }
0x24: {  	s22 =	sadd.s32 s19, s11;
	s19 =	smov.u32 s21;
	[sflag:s14] =	ssyncadd.s32 $0xFFFFFF80  }
0x25: {  	[tilespmem:s15], [sflag:$0x1] =	stream.linear.gather [hbm4b:s22+s3], $0x80, $0x38;
	[tilespmem:$0xD988] =	vst v63  }
0x26: {  	_ =	swait.ge [sflag:s14], $0x80  }
0x27: {  	[sflag:s14] =	ssyncset.done $0x0  }
0x28: {  	[sflag:s14] =	ssyncadd.s32 $0xFFFFFF80  }
0x29: {  	v2 =	vld [tilespmem:$0x10]  }
0x2a: {  	v3 =	vld [tilespmem:$0x50]  }
0x2b: {  	v4 =	vld [tilespmem:$0x70]  }
0x2c: {  	v5 =	vld [tilespmem:$0x20]  }
0x2d: {  	v6 =	vld [tilespmem:$0x30]  }
0x2e: {  	v7 =	vld [tilespmem:$0x40]  }
0x2f: {  	v8 =	vld [tilespmem:$0x100];
	v3 =	vshll.u32 v3, $0x2  }
0x30: {  	v2 =	vshll.u32 v2, $0x2;
	v9 =	vld [tilespmem:$0x0];
	[tilespmem:$0xD0] =	vst v3;
	v3 =	vshll.u32 v4, $0x2  }
0x31: {  	v4 =	vshll.u32 v5, $0x2;
	[tilespmem:$0xF0] =	vst v3;
	v3 =	vld [tilespmem:$0x170]  }
0x32: {  	v5 =	vld [tilespmem:$0x110];
	[tilespmem:$0xA0] =	vst v4;
	v4 =	vshll.u32 v6, $0x2  }
0x33: {  	[tilespmem:$0x90] =	vst v2;
	v2 =	vld [tilespmem:$0x120];
	v6 =	vshll.u32 v7, $0x2  }
0x34: {  	v7 =	vsub.s32 v8, v0;
	v8 =	vld [tilespmem:$0x130];
	[tilespmem:$0xC0] =	vst v6  }
0x35: {  	v6 =	vshll.u32 v9, $0x2;
	v7 =	vmin.u32 v7, $0xC800;
	[tilespmem:$0xB0] =	vst v4;
	v4 =	vld [tilespmem:$0x140]  }
0x36: {  	[tilespmem:$0x100] =	vst v7;
	v7 =	vld [tilespmem:$0x60];
	v3 =	vsub.s32 v3, v0  }
0x37: {  	[tilespmem:$0x80] =	vst v6;
	v5 =	vsub.s32 v5, v0;
	v6 =	vld [tilespmem:$0x150];
	v3 =	vmin.u32 v3, $0xC800  }
0x38: {  	v5 =	vmin.u32 v5, $0xC800;
	v2 =	vsub.s32 v2, v0;
	v9 =	vld [tilespmem:$0x160];
	[tilespmem:$0x170] =	vst v3  }
0x39: {  	[tilespmem:$0x110] =	vst v5;
	v2 =	vmin.u32 v2, $0xC800;
	v3 =	vsub.s32 v8, v0  }
0x3a: {  	[tilespmem:$0x120] =	vst v2;
	v2 =	vmin.u32 v3, $0xC800;
	v3 =	vsub.s32 v4, v0  }
0x3b: {  	[tilespmem:$0x130] =	vst v2;
	v2 =	vmin.u32 v3, $0xC800;
	v3 =	vshll.u32 v7, $0x2  }
0x3c: {  	v4 =	vsub.s32 v6, v0;
	[tilespmem:$0xE0] =	vst v3  }
0x3d: {  	[tilespmem:$0x140] =	vst v2;
	v2 =	vmin.u32 v4, $0xC800;
	v3 =	vsub.s32 v9, v0  }
0x3e: {  	[tilespmem:$0x150] =	vst v2;
	v2 =	vmin.u32 v3, $0xC800  }
0x3f: {  	[tilespmem:$0x160] =	vst v2  }
0x40: {  	[tilespmem:s17], [sflag:$0x1] =	stream.indirect.gather [hbm4b:s4+s16], $0x10, s16, s16, $0xb8;
	[tilespmem:$0xD988] =	vst v63  }
0x41: {  	_ =	swait.ge [sflag:s14], $0x800  }
0x42: {  	[sflag:s14] =	ssyncset.done $0x0  }
.Ltmp2:
0x43: {  	[sflag:s14] =	ssyncadd.s32 $0xFFFFF800;
	(pc) =	sbr.rel @p0 .LBB2_6-.Ltmp2, $4  }
0x44: {  	[spmem:s2] =	stream.indirect.scatter.add.f32 [tilespmem:s17], [sflag:$0x1], $0x10, s15, s16, $0xb8;
	[tilespmem:$0xD988] =	vst v63  }
0x45: {  	_ =	swait.ge [sflag:s14], $0x800  }
0x46: {  	[sflag:s14] =	ssyncset.done $0x0  }
0x47: {  	s21 =	sadd.s32 s19, s12;
	[sflag:s14] =	ssyncadd.s32 $0xFFFFF800  }
0x48: {  	[tilespmem:s3], [sflag:$0x1] =	stream.linear.gather [hbm4b:s21+s3], $0x80, $0x38;
	[tilespmem:$0xD988] =	vst v63  }
0x49: {  	_ =	swait.ge [sflag:s14], $0x80  }
0x4a: {  	[sflag:s14] =	ssyncset.done $0x0  }
0x4b: {  	s19 =	sadd.s32 s19, s11;
	[sflag:s14] =	ssyncadd.s32 $0xFFFFFF80  }
0x4c: {  	[tilespmem:s15], [sflag:$0x1] =	stream.linear.gather [hbm4b:s19+s3], $0x80, $0x38;
	[tilespmem:$0xD988] =	vst v63  }
0x4d: {  	_ =	swait.ge [sflag:s14], $0x80  }
0x4e: {  	[sflag:s14] =	ssyncset.done $0x0  }
0x4f: {  	[sflag:s14] =	ssyncadd.s32 $0xFFFFFF80  }
0x50: {  	v2 =	vld [tilespmem:$0x10]  }
0x51: {  	v3 =	vld [tilespmem:$0x50]  }
0x52: {  	v5 =	vld [tilespmem:$0x20]  }
0x53: {  	v4 =	vld [tilespmem:$0x70]  }
0x54: {  	v6 =	vld [tilespmem:$0x30]  }
0x55: {  	v7 =	vld [tilespmem:$0x40]  }
0x56: {  	v8 =	vld [tilespmem:$0x100];
	v3 =	vshll.u32 v3, $0x2  }
0x57: {  	v9 =	vld [tilespmem:$0x0];
	v52 =	vshll.u32 v5, $0x2;
	[tilespmem:$0xD0] =	vst v3  }
0x58: {  	v53 =	vld [tilespmem:$0x110];
	v3 =	vshll.u32 v4, $0x2;
	[tilespmem:$0xA0] =	vst v52  }
0x59: {  	v2 =	vshll.u32 v2, $0x2;
	[tilespmem:$0xF0] =	vst v3;
	v3 =	vld [tilespmem:$0x170]  }
0x5a: {  	v54 =	vshll.u32 v7, $0x2;
	[tilespmem:$0x90] =	vst v2;
	v2 =	vld [tilespmem:$0x120]  }
0x5b: {  	v56 =	vld [tilespmem:$0x130];
	v6 =	vshll.u32 v6, $0x2;
	[tilespmem:$0xC0] =	vst v54  }
0x5c: {  	v58 =	vld [tilespmem:$0x140];
	v55 =	vsub.s32 v8, v0;
	v59 =	vshll.u32 v9, $0x2;
	[tilespmem:$0xB0] =	vst v6  }
0x5d: {  	v60 =	vld [tilespmem:$0x60];
	v5 =	vsub.s32 v53, v0;
	v57 =	vmin.u32 v55, $0xC800;
	[tilespmem:$0x80] =	vst v59  }
0x5e: {  	v61 =	vld [tilespmem:$0x150];
	v5 =	vmin.u32 v5, $0xC800;
	[tilespmem:$0x100] =	vst v57;
	v3 =	vsub.s32 v3, v0  }
0x5f: {  	v62 =	vld [tilespmem:$0x160];
	[tilespmem:$0x110] =	vst v5;
	v2 =	vsub.s32 v2, v0;
	v3 =	vmin.u32 v3, $0xC800  }
0x60: {  	v2 =	vmin.u32 v2, $0xC800;
	[tilespmem:$0x170] =	vst v3;
	v3 =	vsub.s32 v56, v0  }
0x61: {  	[tilespmem:$0x120] =	vst v2;
	v2 =	vmin.u32 v3, $0xC800  }
0x62: {  	v3 =	vsub.s32 v58, v0;
	[tilespmem:$0x130] =	vst v2;
	v2 =	vshll.u32 v60, $0x2  }
0x63: {  	v63 =	vsub.s32 v61, v0;
	v3 =	vmin.u32 v3, $0xC800;
	[tilespmem:$0xE0] =	vst v2  }
0x64: {  	[tilespmem:$0x140] =	vst v3;
	v2 =	vmin.u32 v63, $0xC800;
	v3 =	vsub.s32 v62, v0  }
0x65: {  	[tilespmem:$0x150] =	vst v2;
	v2 =	vmin.u32 v3, $0xC800  }
0x66: {  	[tilespmem:$0x160] =	vst v2  }
0x67: {  	[tilespmem:s17], [sflag:$0x1] =	stream.indirect.gather [hbm4b:s4+s16], $0x10, s16, s16, $0xb8;
	[tilespmem:$0xD988] =	vst v63  }
0x68: {  	_ =	swait.ge [sflag:s14], $0x800  }
0x69: {  	[sflag:s14] =	ssyncset.done $0x0  }
0x6a: {  	[sflag:s14] =	ssyncadd.s32 $0xFFFFF800  }
0x6b: {  	[spmem:s2] =	stream.indirect.scatter.add.f32 [tilespmem:s17], [sflag:$0x1], $0x10, s15, s16, $0xb8;
	[tilespmem:$0xD988] =	vst v63  }
0x6c: {  	_ =	swait.ge [sflag:s14], $0x800  }
0x6d: {  	[sflag:s14] =	ssyncset.done $0x0  }
0x6e: {  	s30 =	sshll.u32 s1, $0x6;
	[sflag:s14] =	ssyncadd.s32 $0xFFFFF800  }
0x6f: {  	s20 =	sshrl.u32 s7, $0x3;
	s19 =	sor.u32 $0x1C01, s30;
	[bflag:$0x0] =	sbarrier.arrive $0xFFFF  }
0x70: {  	[hbm:s5], [sflag:s19] =	dma.local [spmem:s20], $0x1900  }
0x71: {  	_ =	swait.ge [sflag:s14], $0x1900  }
0x72: {  	[sflag:s14] =	ssyncset.done $0x0  }
0x73: {  	[sflag:s14] =	ssyncadd.s32 $0xFFFFE700  }
0x74: {  	s31 =	sadd.s32 $0x0, s7;
	[bflag:$0x0] =	sbarrier.arrive $0xFFFF  }
0x75: {  	[spmem:s31] =	stream.linear.scatter [tilespmem:s13], [sflag:$0x1], $0x800, $0x38;
	[tilespmem:$0xD988] =	vst v63  }
0x76: {  	s21 =	simm.s32 $0x2000;
	_ =	swait.ge [sflag:s14], $0x800  }
.LBB2_8:
0x77: {  	s22 =	sshra.s32 s21, $0x2;
	[sflag:s14] =	ssyncset.done $0x0;
	p0 =	sne.s32 s21, $0x30000  }
.Ltmp3:
0x78: {  	s22 =	sadd.s32 s22, s7;
	[sflag:s14] =	ssyncadd.s32 $0xFFFFF800;
	(pc) =	sbr.rel @p0 .LBB2_8-.Ltmp3, $3  }
0x79: {  	[spmem:s22] =	stream.linear.scatter [tilespmem:s13], [sflag:$0x1], $0x800, $0x38;
	[tilespmem:$0xD988] =	vst v63  }
0x7a: {  	s21 =	sadd.s32 $0x2000, s21;
	_ =	sdelay $0x1  }
0x7b: {  	_ =	swait.ge [sflag:s14], $0x800  }
0x7c: {  	[sflag:s14] =	ssyncset.done $0x0  }
0x7d: {  	[sflag:s14] =	ssyncadd.s32 $0xFFFFF800  }
0x7e: {  	s21 =	sadd.s32 $0x0, s12;
	[bflag:$0x0] =	sbarrier.arrive $0xFFFF  }
0x7f: {  	[tilespmem:s3], [sflag:$0x1] =	stream.linear.gather [hbm4b:s21+s3], $0x80, $0x38;
	[tilespmem:$0xD988] =	vst v63  }
0x80: {  	_ =	swait.ge [sflag:s14], $0x80  }
0x81: {  	[sflag:s14] =	ssyncset.done $0x0  }
0x82: {  	s31 =	sadd.s32 $0x0, s11;
	s21 =	simm.s32 $0x10;
	[sflag:s14] =	ssyncadd.s32 $0xFFFFFF80  }
0x83: {  	[tilespmem:s15], [sflag:$0x1] =	stream.linear.gather [hbm4b:s31+s3], $0x80, $0x38;
	[tilespmem:$0xD988] =	vst v63  }
.LBB2_10:
0x84: {  	p0 =	sne.s32 s21, $0x30D0  }
0x85: {  	_ =	swait.ge [sflag:s14], $0x80;
	s22 =	smov.u32 s21;
	s21 =	sadd.s32 $0x10, s21  }
0x86: {  	[sflag:s14] =	ssyncset.done $0x0  }
0x87: {  	[sflag:s14] =	ssyncadd.s32 $0xFFFFFF80  }
0x88: {  	v2 =	vld [tilespmem:$0x130]  }
0x89: {  	v3 =	vld [tilespmem:$0x40]  }
0x8a: {  	v4 =	vld [tilespmem:$0x150]  }
0x8b: {  	v5 =	vld [tilespmem:$0x110]  }
0x8c: {  	v6 =	vld [tilespmem:$0x50]  }
0x8d: {  	v7 =	vld [tilespmem:$0x20]  }
0x8e: {  	v8 =	vld [tilespmem:$0x30];
	v3 =	vshll.u32 v3, $0x2  }
0x8f: {  	v2 =	vsub.s32 v2, v0;
	v9 =	vld [tilespmem:$0x120];
	v3 =	vor.u32 $0x1, v3;
	v4 =	vsub.s32 v4, v0  }
0x90: {  	v2 =	vmin.u32 v2, $0xC800;
	v10 =	vld [tilespmem:$0x0];
	v5 =	vsub.s32 v5, v0;
	[tilespmem:$0xC0] =	vst v3;
	v3 =	vmin.u32 v4, $0xC800  }
0x91: {  	v4 =	vmin.u32 v5, $0xC800;
	[tilespmem:$0x130] =	vst v2;
	v2 =	vld [tilespmem:$0x140];
	v5 =	vshll.u32 v6, $0x2  }
0x92: {  	v6 =	vshll.u32 v7, $0x2;
	v5 =	vor.u32 $0x1, v5;
	[tilespmem:$0x150] =	vst v3;
	v3 =	vld [tilespmem:$0x60]  }
0x93: {  	v6 =	vor.u32 $0x1, v6;
	v7 =	vshll.u32 v8, $0x2;
	[tilespmem:$0xD0] =	vst v5;
	v5 =	vld [tilespmem:$0x160]  }
0x94: {  	[tilespmem:$0xA0] =	vst v6;
	v6 =	vsub.s32 v9, v0;
	v7 =	vor.u32 $0x1, v7;
	v8 =	vld [tilespmem:$0x70]  }
0x95: {  	v9 =	vshll.u32 v10, $0x2;
	v10 =	vld [tilespmem:$0x100];
	[tilespmem:$0x110] =	vst v4;
	v4 =	vmin.u32 v6, $0xC800  }
0x96: {  	v6 =	vor.u32 $0x1, v9;
	[tilespmem:$0xB0] =	vst v7;
	v2 =	vsub.s32 v2, v0;
	v7 =	vld [tilespmem:$0x170]  }
0x97: {  	[tilespmem:$0x80] =	vst v6;
	v6 =	vld [tilespmem:$0x10];
	v2 =	vmin.u32 v2, $0xC800;
	v3 =	vshll.u32 v3, $0x2  }
0x98: {  	[tilespmem:$0x140] =	vst v2;
	v2 =	vor.u32 $0x1, v3;
	v3 =	vsub.s32 v5, v0  }
0x99: {  	[tilespmem:$0xE0] =	vst v2;
	v2 =	vmin.u32 v3, $0xC800;
	v3 =	vshll.u32 v8, $0x2  }
0x9a: {  	v5 =	vsub.s32 v10, v0;
	[tilespmem:$0x160] =	vst v2;
	v2 =	vor.u32 $0x1, v3  }
0x9b: {  	v3 =	vmin.u32 v5, $0xC800;
	[tilespmem:$0xF0] =	vst v2;
	v2 =	vsub.s32 v7, v0  }
0x9c: {  	v5 =	vshll.u32 v6, $0x2;
	[tilespmem:$0x120] =	vst v4;
	v2 =	vmin.u32 v2, $0xC800  }
0x9d: {  	v4 =	vor.u32 $0x1, v5;
	[tilespmem:$0x170] =	vst v2  }
0x9e: {  	[tilespmem:$0x90] =	vst v4  }
0x9f: {  	[tilespmem:$0x100] =	vst v3  }
0xa0: {  	[tilespmem:s17], [sflag:$0x1] =	stream.indirect.gather [hbm4b:s4+s16], $0x10, s16, s16, $0xb8;
	[tilespmem:$0xD988] =	vst v63  }
0xa1: {  	_ =	swait.ge [sflag:s14], $0x800  }
0xa2: {  	[sflag:s14] =	ssyncset.done $0x0  }
0xa3: {  	[sflag:s14] =	ssyncadd.s32 $0xFFFFF800  }
0xa4: {  	[spmem:s2] =	stream.indirect.scatter.add.f32 [tilespmem:s17], [sflag:$0x1], $0x10, s15, s16, $0xb8;
	[tilespmem:$0xD988] =	vst v63  }
0xa5: {  	_ =	swait.ge [sflag:s14], $0x800  }
0xa6: {  	[sflag:s14] =	ssyncset.done $0x0  }
0xa7: {  	s23 =	sadd.s32 s22, s12;
	[sflag:s14] =	ssyncadd.s32 $0xFFFFF800  }
0xa8: {  	[tilespmem:s3], [sflag:$0x1] =	stream.linear.gather [hbm4b:s23+s3], $0x80, $0x38;
	[tilespmem:$0xD988] =	vst v63  }
.Ltmp4:
0xa9: {  	_ = 	snop;
	(pc) =	sbr.rel @p0 .LBB2_10-.Ltmp4, $4  }
0xaa: {  	_ =	swait.ge [sflag:s14], $0x80  }
0xab: {  	[sflag:s14] =	ssyncset.done $0x0  }
0xac: {  	s22 =	sadd.s32 s22, s11;
	[sflag:s14] =	ssyncadd.s32 $0xFFFFFF80  }
0xad: {  	[tilespmem:s15], [sflag:$0x1] =	stream.linear.gather [hbm4b:s22+s3], $0x80, $0x38;
	[tilespmem:$0xD988] =	vst v63  }
0xae: {  	_ =	swait.ge [sflag:s14], $0x80  }
0xaf: {  	[sflag:s14] =	ssyncset.done $0x0  }
0xb0: {  	[sflag:s14] =	ssyncadd.s32 $0xFFFFFF80  }
0xb1: {  	v2 =	vld [tilespmem:$0x40]  }
0xb2: {  	v3 =	vld [tilespmem:$0x130]  }
0xb3: {  	v4 =	vld [tilespmem:$0x150]  }
0xb4: {  	v6 =	vld [tilespmem:$0x20]  }
0xb5: {  	v5 =	vld [tilespmem:$0x50]  }
0xb6: {  	v7 =	vld [tilespmem:$0x110]  }
0xb7: {  	v8 =	vld [tilespmem:$0x30];
	v2 =	vshll.u32 v2, $0x2  }
0xb8: {  	v9 =	vld [tilespmem:$0x0];
	v3 =	vsub.s32 v3, v0;
	v2 =	vor.u32 $0x1, v2  }
0xb9: {  	v52 =	vshll.u32 v6, $0x2;
	v3 =	vmin.u32 v3, $0xC800;
	[tilespmem:$0xC0] =	vst v2  }
0xba: {  	v60 =	vld [tilespmem:$0x10];
	v4 =	vsub.s32 v4, v0;
	v51 =	vshll.u32 v5, $0x2;
	v5 =	vor.u32 $0x1, v52;
	[tilespmem:$0x130] =	vst v3  }
0xbb: {  	v53 =	vsub.s32 v7, v0;
	v2 =	vmin.u32 v4, $0xC800;
	v3 =	vld [tilespmem:$0x140];
	[tilespmem:$0xA0] =	vst v5  }
0xbc: {  	v55 =	vshll.u32 v8, $0x2;
	v6 =	vmin.u32 v53, $0xC800;
	[tilespmem:$0x150] =	vst v2;
	v2 =	vld [tilespmem:$0x60]  }
0xbd: {  	v54 =	vld [tilespmem:$0x160];
	v9 =	vshll.u32 v9, $0x2;
	v7 =	vor.u32 $0x1, v55;
	[tilespmem:$0x110] =	vst v6  }
0xbe: {  	v56 =	vld [tilespmem:$0x70];
	v58 =	vor.u32 $0x1, v9;
	[tilespmem:$0xB0] =	vst v7  }
0xbf: {  	v57 =	vld [tilespmem:$0x120];
	v63 =	vshll.u32 v60, $0x2;
	v4 =	vor.u32 $0x1, v51;
	[tilespmem:$0x80] =	vst v58  }
0xc0: {  	v59 =	vld [tilespmem:$0x170];
	[tilespmem:$0xD0] =	vst v4;
	v4 =	vor.u32 $0x1, v63;
	v3 =	vsub.s32 v3, v0  }
0xc1: {  	v61 =	vld [tilespmem:$0x100];
	[tilespmem:$0x90] =	vst v4;
	v3 =	vmin.u32 v3, $0xC800;
	v2 =	vshll.u32 v2, $0x2  }
0xc2: {  	[tilespmem:$0x140] =	vst v3;
	v2 =	vor.u32 $0x1, v2;
	v3 =	vsub.s32 v54, v0  }
0xc3: {  	[tilespmem:$0xE0] =	vst v2;
	v2 =	vmin.u32 v3, $0xC800;
	v3 =	vshll.u32 v56, $0x2  }
0xc4: {  	v62 =	vsub.s32 v57, v0;
	[tilespmem:$0x160] =	vst v2;
	v2 =	vor.u32 $0x1, v3  }
0xc5: {  	v3 =	vmin.u32 v62, $0xC800;
	[tilespmem:$0xF0] =	vst v2;
	v2 =	vsub.s32 v59, v0  }
0xc6: {  	[tilespmem:$0x120] =	vst v3;
	v3 =	vsub.s32 v61, v0;
	v2 =	vmin.u32 v2, $0xC800  }
0xc7: {  	[tilespmem:$0x170] =	vst v2;
	v2 =	vmin.u32 v3, $0xC800  }
0xc8: {  	[tilespmem:$0x100] =	vst v2  }
0xc9: {  	[tilespmem:s17], [sflag:$0x1] =	stream.indirect.gather [hbm4b:s4+s16], $0x10, s16, s16, $0xb8;
	[tilespmem:$0xD988] =	vst v63  }
0xca: {  	_ =	swait.ge [sflag:s14], $0x800  }
0xcb: {  	[sflag:s14] =	ssyncset.done $0x0  }
0xcc: {  	[sflag:s14] =	ssyncadd.s32 $0xFFFFF800  }
0xcd: {  	[spmem:s2] =	stream.indirect.scatter.add.f32 [tilespmem:s17], [sflag:$0x1], $0x10, s15, s16, $0xb8;
	[tilespmem:$0xD988] =	vst v63  }
0xce: {  	_ =	swait.ge [sflag:s14], $0x800  }
0xcf: {  	[sflag:s14] =	ssyncset.done $0x0  }
0xd0: {  	[sflag:s14] =	ssyncadd.s32 $0xFFFFF800  }
0xd1: {  	[bflag:$0x0] =	sbarrier.arrive $0xFFFF  }
0xd2: {  	[hbm:s6], [sflag:s19] =	dma.local [spmem:s20], $0x1900  }
0xd3: {  	_ =	swait.ge [sflag:s14], $0x1900  }
0xd4: {  	[sflag:s14] =	ssyncset.done $0x0  }
0xd5: {  	[sflag:s14] =	ssyncadd.s32 $0xFFFFE700  }
0xd6: {  	s21 =	sadd.s32 $0x0, s7;
	[bflag:$0x0] =	sbarrier.arrive $0xFFFF  }
0xd7: {  	[spmem:s21] =	stream.linear.scatter [tilespmem:s13], [sflag:$0x1], $0x800, $0x38;
	[tilespmem:$0xD988] =	vst v63  }
0xd8: {  	s21 =	simm.s32 $0x2000;
	_ =	swait.ge [sflag:s14], $0x800  }
.LBB2_12:
0xd9: {  	s22 =	sshra.s32 s21, $0x2;
	[sflag:s14] =	ssyncset.done $0x0;
	p0 =	sne.s32 s21, $0x30000  }
.Ltmp5:
0xda: {  	s22 =	sadd.s32 s22, s7;
	[sflag:s14] =	ssyncadd.s32 $0xFFFFF800;
	(pc) =	sbr.rel @p0 .LBB2_12-.Ltmp5, $3  }
0xdb: {  	[spmem:s22] =	stream.linear.scatter [tilespmem:s13], [sflag:$0x1], $0x800, $0x38;
	[tilespmem:$0xD988] =	vst v63  }
0xdc: {  	s21 =	sadd.s32 $0x2000, s21;
	_ =	sdelay $0x1  }
0xdd: {  	_ =	swait.ge [sflag:s14], $0x800  }
0xde: {  	[sflag:s14] =	ssyncset.done $0x0  }
0xdf: {  	[sflag:s14] =	ssyncadd.s32 $0xFFFFF800  }
0xe0: {  	s21 =	sadd.s32 $0x0, s12;
	[bflag:$0x0] =	sbarrier.arrive $0xFFFF  }
0xe1: {  	[tilespmem:s3], [sflag:$0x1] =	stream.linear.gather [hbm4b:s21+s3], $0x80, $0x38;
	[tilespmem:$0xD988] =	vst v63  }
0xe2: {  	_ =	swait.ge [sflag:s14], $0x80  }
0xe3: {  	[sflag:s14] =	ssyncset.done $0x0  }
0xe4: {  	s31 =	sadd.s32 $0x0, s11;
	s21 =	simm.s32 $0x10;
	[sflag:s14] =	ssyncadd.s32 $0xFFFFFF80  }
0xe5: {  	[tilespmem:s15], [sflag:$0x1] =	stream.linear.gather [hbm4b:s31+s3], $0x80, $0x38;
	[tilespmem:$0xD988] =	vst v63  }
.LBB2_14:
0xe6: {  	p0 =	sne.s32 s21, $0x30D0  }
0xe7: {  	_ =	swait.ge [sflag:s14], $0x80;
	s22 =	smov.u32 s21;
	s21 =	sadd.s32 $0x10, s21  }
0xe8: {  	[sflag:s14] =	ssyncset.done $0x0  }
0xe9: {  	[sflag:s14] =	ssyncadd.s32 $0xFFFFFF80  }
0xea: {  	v2 =	vld [tilespmem:$0x130]  }
0xeb: {  	v3 =	vld [tilespmem:$0x40]  }
0xec: {  	v4 =	vld [tilespmem:$0x150]  }
0xed: {  	v5 =	vld [tilespmem:$0x110]  }
0xee: {  	v6 =	vld [tilespmem:$0x50]  }
0xef: {  	v7 =	vld [tilespmem:$0x20]  }
0xf0: {  	v8 =	vld [tilespmem:$0x30];
	v3 =	vshll.u32 v3, $0x2  }
0xf1: {  	v2 =	vsub.s32 v2, v0;
	v9 =	vld [tilespmem:$0x120];
	v3 =	vor.u32 $0x2, v3;
	v4 =	vsub.s32 v4, v0  }
0xf2: {  	v2 =	vmin.u32 v2, $0xC800;
	v10 =	vld [tilespmem:$0x0];
	v5 =	vsub.s32 v5, v0;
	[tilespmem:$0xC0] =	vst v3;
	v3 =	vmin.u32 v4, $0xC800  }
0xf3: {  	v4 =	vmin.u32 v5, $0xC800;
	[tilespmem:$0x130] =	vst v2;
	v2 =	vld [tilespmem:$0x140];
	v5 =	vshll.u32 v6, $0x2  }
0xf4: {  	v6 =	vshll.u32 v7, $0x2;
	v5 =	vor.u32 $0x2, v5;
	[tilespmem:$0x150] =	vst v3;
	v3 =	vld [tilespmem:$0x60]  }
0xf5: {  	v6 =	vor.u32 $0x2, v6;
	v7 =	vshll.u32 v8, $0x2;
	[tilespmem:$0xD0] =	vst v5;
	v5 =	vld [tilespmem:$0x160]  }
0xf6: {  	[tilespmem:$0xA0] =	vst v6;
	v6 =	vsub.s32 v9, v0;
	v7 =	vor.u32 $0x2, v7;
	v8 =	vld [tilespmem:$0x70]  }
0xf7: {  	v9 =	vshll.u32 v10, $0x2;
	v10 =	vld [tilespmem:$0x100];
	[tilespmem:$0x110] =	vst v4;
	v4 =	vmin.u32 v6, $0xC800  }
0xf8: {  	v6 =	vor.u32 $0x2, v9;
	[tilespmem:$0xB0] =	vst v7;
	v2 =	vsub.s32 v2, v0;
	v7 =	vld [tilespmem:$0x170]  }
0xf9: {  	[tilespmem:$0x80] =	vst v6;
	v6 =	vld [tilespmem:$0x10];
	v2 =	vmin.u32 v2, $0xC800;
	v3 =	vshll.u32 v3, $0x2  }
0xfa: {  	[tilespmem:$0x140] =	vst v2;
	v2 =	vor.u32 $0x2, v3;
	v3 =	vsub.s32 v5, v0  }
0xfb: {  	[tilespmem:$0xE0] =	vst v2;
	v2 =	vmin.u32 v3, $0xC800;
	v3 =	vshll.u32 v8, $0x2  }
0xfc: {  	v5 =	vsub.s32 v10, v0;
	[tilespmem:$0x160] =	vst v2;
	v2 =	vor.u32 $0x2, v3  }
0xfd: {  	v3 =	vmin.u32 v5, $0xC800;
	[tilespmem:$0xF0] =	vst v2;
	v2 =	vsub.s32 v7, v0  }
0xfe: {  	v5 =	vshll.u32 v6, $0x2;
	[tilespmem:$0x120] =	vst v4;
	v2 =	vmin.u32 v2, $0xC800  }
0xff: {  	v4 =	vor.u32 $0x2, v5;
	[tilespmem:$0x170] =	vst v2  }
0x100: {  	[tilespmem:$0x90] =	vst v4  }
0x101: {  	[tilespmem:$0x100] =	vst v3  }
0x102: {  	[tilespmem:s17], [sflag:$0x1] =	stream.indirect.gather [hbm4b:s4+s16], $0x10, s16, s16, $0xb8;
	[tilespmem:$0xD988] =	vst v63  }
0x103: {  	_ =	swait.ge [sflag:s14], $0x800  }
0x104: {  	[sflag:s14] =	ssyncset.done $0x0  }
0x105: {  	[sflag:s14] =	ssyncadd.s32 $0xFFFFF800  }
0x106: {  	[spmem:s2] =	stream.indirect.scatter.add.f32 [tilespmem:s17], [sflag:$0x1], $0x10, s15, s16, $0xb8;
	[tilespmem:$0xD988] =	vst v63  }
0x107: {  	_ =	swait.ge [sflag:s14], $0x800  }
0x108: {  	[sflag:s14] =	ssyncset.done $0x0  }
0x109: {  	s23 =	sadd.s32 s22, s12;
	[sflag:s14] =	ssyncadd.s32 $0xFFFFF800  }
0x10a: {  	[tilespmem:s3], [sflag:$0x1] =	stream.linear.gather [hbm4b:s23+s3], $0x80, $0x38;
	[tilespmem:$0xD988] =	vst v63  }
.Ltmp6:
0x10b: {  	_ = 	snop;
	(pc) =	sbr.rel @p0 .LBB2_14-.Ltmp6, $4  }
0x10c: {  	_ =	swait.ge [sflag:s14], $0x80  }
0x10d: {  	[sflag:s14] =	ssyncset.done $0x0  }
0x10e: {  	s22 =	sadd.s32 s22, s11;
	[sflag:s14] =	ssyncadd.s32 $0xFFFFFF80  }
0x10f: {  	[tilespmem:s15], [sflag:$0x1] =	stream.linear.gather [hbm4b:s22+s3], $0x80, $0x38;
	[tilespmem:$0xD988] =	vst v63  }
0x110: {  	_ =	swait.ge [sflag:s14], $0x80  }
0x111: {  	[sflag:s14] =	ssyncset.done $0x0  }
0x112: {  	[sflag:s14] =	ssyncadd.s32 $0xFFFFFF80  }
0x113: {  	v2 =	vld [tilespmem:$0x40]  }
0x114: {  	v3 =	vld [tilespmem:$0x130]  }
0x115: {  	v4 =	vld [tilespmem:$0x150]  }
0x116: {  	v6 =	vld [tilespmem:$0x20]  }
0x117: {  	v5 =	vld [tilespmem:$0x50]  }
0x118: {  	v7 =	vld [tilespmem:$0x110]  }
0x119: {  	v8 =	vld [tilespmem:$0x30];
	v2 =	vshll.u32 v2, $0x2  }
0x11a: {  	v9 =	vld [tilespmem:$0x0];
	v3 =	vsub.s32 v3, v0;
	v2 =	vor.u32 $0x2, v2  }
0x11b: {  	v52 =	vshll.u32 v6, $0x2;
	v3 =	vmin.u32 v3, $0xC800;
	[tilespmem:$0xC0] =	vst v2  }
0x11c: {  	v60 =	vld [tilespmem:$0x10];
	v4 =	vsub.s32 v4, v0;
	v51 =	vshll.u32 v5, $0x2;
	v5 =	vor.u32 $0x2, v52;
	[tilespmem:$0x130] =	vst v3  }
0x11d: {  	v53 =	vsub.s32 v7, v0;
	v2 =	vmin.u32 v4, $0xC800;
	v3 =	vld [tilespmem:$0x140];
	[tilespmem:$0xA0] =	vst v5  }
0x11e: {  	v55 =	vshll.u32 v8, $0x2;
	v6 =	vmin.u32 v53, $0xC800;
	[tilespmem:$0x150] =	vst v2;
	v2 =	vld [tilespmem:$0x60]  }
0x11f: {  	v54 =	vld [tilespmem:$0x160];
	v9 =	vshll.u32 v9, $0x2;
	v7 =	vor.u32 $0x2, v55;
	[tilespmem:$0x110] =	vst v6  }
0x120: {  	v56 =	vld [tilespmem:$0x70];
	v58 =	vor.u32 $0x2, v9;
	[tilespmem:$0xB0] =	vst v7  }
0x121: {  	v57 =	vld [tilespmem:$0x120];
	v63 =	vshll.u32 v60, $0x2;
	v4 =	vor.u32 $0x2, v51;
	[tilespmem:$0x80] =	vst v58  }
0x122: {  	v59 =	vld [tilespmem:$0x170];
	[tilespmem:$0xD0] =	vst v4;
	v4 =	vor.u32 $0x2, v63;
	v3 =	vsub.s32 v3, v0  }
0x123: {  	v61 =	vld [tilespmem:$0x100];
	[tilespmem:$0x90] =	vst v4;
	v3 =	vmin.u32 v3, $0xC800;
	v2 =	vshll.u32 v2, $0x2  }
0x124: {  	[tilespmem:$0x140] =	vst v3;
	v2 =	vor.u32 $0x2, v2;
	v3 =	vsub.s32 v54, v0  }
0x125: {  	[tilespmem:$0xE0] =	vst v2;
	v2 =	vmin.u32 v3, $0xC800;
	v3 =	vshll.u32 v56, $0x2  }
0x126: {  	v62 =	vsub.s32 v57, v0;
	[tilespmem:$0x160] =	vst v2;
	v2 =	vor.u32 $0x2, v3  }
0x127: {  	v3 =	vmin.u32 v62, $0xC800;
	[tilespmem:$0xF0] =	vst v2;
	v2 =	vsub.s32 v59, v0  }
0x128: {  	[tilespmem:$0x120] =	vst v3;
	v3 =	vsub.s32 v61, v0;
	v2 =	vmin.u32 v2, $0xC800  }
0x129: {  	[tilespmem:$0x170] =	vst v2;
	v2 =	vmin.u32 v3, $0xC800  }
0x12a: {  	[tilespmem:$0x100] =	vst v2  }
0x12b: {  	[tilespmem:s17], [sflag:$0x1] =	stream.indirect.gather [hbm4b:s4+s16], $0x10, s16, s16, $0xb8;
	[tilespmem:$0xD988] =	vst v63  }
0x12c: {  	_ =	swait.ge [sflag:s14], $0x800  }
0x12d: {  	[sflag:s14] =	ssyncset.done $0x0  }
0x12e: {  	[sflag:s14] =	ssyncadd.s32 $0xFFFFF800  }
0x12f: {  	[spmem:s2] =	stream.indirect.scatter.add.f32 [tilespmem:s17], [sflag:$0x1], $0x10, s15, s16, $0xb8;
	[tilespmem:$0xD988] =	vst v63  }
0x130: {  	_ =	swait.ge [sflag:s14], $0x800  }
0x131: {  	[sflag:s14] =	ssyncset.done $0x0  }
0x132: {  	[sflag:s14] =	ssyncadd.s32 $0xFFFFF800  }
0x133: {  	[bflag:$0x0] =	sbarrier.arrive $0xFFFF  }
0x134: {  	[hbm:s8], [sflag:s19] =	dma.local [spmem:s20], $0x1900  }
0x135: {  	_ =	swait.ge [sflag:s14], $0x1900  }
0x136: {  	[sflag:s14] =	ssyncset.done $0x0  }
0x137: {  	[sflag:s14] =	ssyncadd.s32 $0xFFFFE700  }
0x138: {  	s21 =	sadd.s32 $0x0, s7;
	[bflag:$0x0] =	sbarrier.arrive $0xFFFF  }
0x139: {  	[spmem:s21] =	stream.linear.scatter [tilespmem:s13], [sflag:$0x1], $0x800, $0x38;
	[tilespmem:$0xD988] =	vst v63  }
0x13a: {  	s21 =	simm.s32 $0x2000;
	_ =	swait.ge [sflag:s14], $0x800  }
.LBB2_16:
0x13b: {  	s22 =	sshra.s32 s21, $0x2;
	[sflag:s14] =	ssyncset.done $0x0;
	p0 =	sne.s32 s21, $0x30000  }
.Ltmp7:
0x13c: {  	s22 =	sadd.s32 s22, s7;
	[sflag:s14] =	ssyncadd.s32 $0xFFFFF800;
	(pc) =	sbr.rel @p0 .LBB2_16-.Ltmp7, $3  }
0x13d: {  	[spmem:s22] =	stream.linear.scatter [tilespmem:s13], [sflag:$0x1], $0x800, $0x38;
	[tilespmem:$0xD988] =	vst v63  }
0x13e: {  	s21 =	sadd.s32 $0x2000, s21;
	_ =	sdelay $0x1  }
0x13f: {  	_ =	swait.ge [sflag:s14], $0x800  }
0x140: {  	[sflag:s14] =	ssyncset.done $0x0  }
0x141: {  	[sflag:s14] =	ssyncadd.s32 $0xFFFFF800  }
0x142: {  	s21 =	sadd.s32 $0x0, s12;
	[bflag:$0x0] =	sbarrier.arrive $0xFFFF  }
0x143: {  	[tilespmem:s3], [sflag:$0x1] =	stream.linear.gather [hbm4b:s21+s3], $0x80, $0x38;
	[tilespmem:$0xD988] =	vst v63  }
0x144: {  	_ =	swait.ge [sflag:s14], $0x80  }
0x145: {  	[sflag:s14] =	ssyncset.done $0x0  }
0x146: {  	s31 =	sadd.s32 $0x0, s11;
	s21 =	simm.s32 $0x10;
	[sflag:s14] =	ssyncadd.s32 $0xFFFFFF80  }
0x147: {  	[tilespmem:s15], [sflag:$0x1] =	stream.linear.gather [hbm4b:s31+s3], $0x80, $0x38;
	[tilespmem:$0xD988] =	vst v63  }
.LBB2_18:
0x148: {  	p0 =	sne.s32 s21, $0x30D0  }
0x149: {  	_ =	swait.ge [sflag:s14], $0x80;
	s22 =	smov.u32 s21;
	s21 =	sadd.s32 $0x10, s21  }
0x14a: {  	[sflag:s14] =	ssyncset.done $0x0  }
0x14b: {  	[sflag:s14] =	ssyncadd.s32 $0xFFFFFF80  }
0x14c: {  	v2 =	vld [tilespmem:$0x130]  }
0x14d: {  	v3 =	vld [tilespmem:$0x40]  }
0x14e: {  	v4 =	vld [tilespmem:$0x150]  }
0x14f: {  	v5 =	vld [tilespmem:$0x110]  }
0x150: {  	v6 =	vld [tilespmem:$0x50]  }
0x151: {  	v7 =	vld [tilespmem:$0x20]  }
0x152: {  	v8 =	vld [tilespmem:$0x30];
	v3 =	vshll.u32 v3, $0x2  }
0x153: {  	v2 =	vsub.s32 v2, v0;
	v9 =	vld [tilespmem:$0x120];
	v3 =	vor.u32 $0x3, v3;
	v4 =	vsub.s32 v4, v0  }
0x154: {  	v2 =	vmin.u32 v2, $0xC800;
	v10 =	vld [tilespmem:$0x0];
	v5 =	vsub.s32 v5, v0;
	[tilespmem:$0xC0] =	vst v3;
	v3 =	vmin.u32 v4, $0xC800  }
0x155: {  	v4 =	vmin.u32 v5, $0xC800;
	[tilespmem:$0x130] =	vst v2;
	v2 =	vld [tilespmem:$0x140];
	v5 =	vshll.u32 v6, $0x2  }
0x156: {  	v6 =	vshll.u32 v7, $0x2;
	v5 =	vor.u32 $0x3, v5;
	[tilespmem:$0x150] =	vst v3;
	v3 =	vld [tilespmem:$0x60]  }
0x157: {  	v6 =	vor.u32 $0x3, v6;
	v7 =	vshll.u32 v8, $0x2;
	[tilespmem:$0xD0] =	vst v5;
	v5 =	vld [tilespmem:$0x160]  }
0x158: {  	[tilespmem:$0xA0] =	vst v6;
	v6 =	vsub.s32 v9, v0;
	v7 =	vor.u32 $0x3, v7;
	v8 =	vld [tilespmem:$0x70]  }
0x159: {  	v9 =	vshll.u32 v10, $0x2;
	v10 =	vld [tilespmem:$0x100];
	[tilespmem:$0x110] =	vst v4;
	v4 =	vmin.u32 v6, $0xC800  }
0x15a: {  	v6 =	vor.u32 $0x3, v9;
	[tilespmem:$0xB0] =	vst v7;
	v2 =	vsub.s32 v2, v0;
	v7 =	vld [tilespmem:$0x170]  }
0x15b: {  	[tilespmem:$0x80] =	vst v6;
	v6 =	vld [tilespmem:$0x10];
	v2 =	vmin.u32 v2, $0xC800;
	v3 =	vshll.u32 v3, $0x2  }
0x15c: {  	[tilespmem:$0x140] =	vst v2;
	v2 =	vor.u32 $0x3, v3;
	v3 =	vsub.s32 v5, v0  }
0x15d: {  	[tilespmem:$0xE0] =	vst v2;
	v2 =	vmin.u32 v3, $0xC800;
	v3 =	vshll.u32 v8, $0x2  }
0x15e: {  	v5 =	vsub.s32 v10, v0;
	[tilespmem:$0x160] =	vst v2;
	v2 =	vor.u32 $0x3, v3  }
0x15f: {  	v3 =	vmin.u32 v5, $0xC800;
	[tilespmem:$0xF0] =	vst v2;
	v2 =	vsub.s32 v7, v0  }
0x160: {  	v5 =	vshll.u32 v6, $0x2;
	[tilespmem:$0x120] =	vst v4;
	v2 =	vmin.u32 v2, $0xC800  }
0x161: {  	v4 =	vor.u32 $0x3, v5;
	[tilespmem:$0x170] =	vst v2  }
0x162: {  	[tilespmem:$0x90] =	vst v4  }
0x163: {  	[tilespmem:$0x100] =	vst v3  }
0x164: {  	[tilespmem:s17], [sflag:$0x1] =	stream.indirect.gather [hbm4b:s4+s16], $0x10, s16, s16, $0xb8;
	[tilespmem:$0xD988] =	vst v63  }
0x165: {  	_ =	swait.ge [sflag:s14], $0x800  }
0x166: {  	[sflag:s14] =	ssyncset.done $0x0  }
0x167: {  	[sflag:s14] =	ssyncadd.s32 $0xFFFFF800  }
0x168: {  	[spmem:s2] =	stream.indirect.scatter.add.f32 [tilespmem:s17], [sflag:$0x1], $0x10, s15, s16, $0xb8;
	[tilespmem:$0xD988] =	vst v63  }
0x169: {  	_ =	swait.ge [sflag:s14], $0x800  }
0x16a: {  	[sflag:s14] =	ssyncset.done $0x0  }
0x16b: {  	s23 =	sadd.s32 s22, s12;
	[sflag:s14] =	ssyncadd.s32 $0xFFFFF800  }
0x16c: {  	[tilespmem:s3], [sflag:$0x1] =	stream.linear.gather [hbm4b:s23+s3], $0x80, $0x38;
	[tilespmem:$0xD988] =	vst v63  }
.Ltmp8:
0x16d: {  	_ = 	snop;
	(pc) =	sbr.rel @p0 .LBB2_18-.Ltmp8, $4  }
0x16e: {  	_ =	swait.ge [sflag:s14], $0x80  }
0x16f: {  	[sflag:s14] =	ssyncset.done $0x0  }
0x170: {  	s22 =	sadd.s32 s22, s11;
	[sflag:s14] =	ssyncadd.s32 $0xFFFFFF80  }
0x171: {  	[tilespmem:s15], [sflag:$0x1] =	stream.linear.gather [hbm4b:s22+s3], $0x80, $0x38;
	[tilespmem:$0xD988] =	vst v63  }
0x172: {  	_ =	swait.ge [sflag:s14], $0x80  }
0x173: {  	[sflag:s14] =	ssyncset.done $0x0  }
0x174: {  	[sflag:s14] =	ssyncadd.s32 $0xFFFFFF80  }
0x175: {  	v2 =	vld [tilespmem:$0x40]  }
0x176: {  	v3 =	vld [tilespmem:$0x130]  }
0x177: {  	v4 =	vld [tilespmem:$0x150]  }
0x178: {  	v6 =	vld [tilespmem:$0x20]  }
0x179: {  	v5 =	vld [tilespmem:$0x50]  }
0x17a: {  	v7 =	vld [tilespmem:$0x110]  }
0x17b: {  	v8 =	vld [tilespmem:$0x30];
	v2 =	vshll.u32 v2, $0x2  }
0x17c: {  	v9 =	vld [tilespmem:$0x0];
	v3 =	vsub.s32 v3, v0;
	v2 =	vor.u32 $0x3, v2  }
0x17d: {  	v52 =	vshll.u32 v6, $0x2;
	v3 =	vmin.u32 v3, $0xC800;
	[tilespmem:$0xC0] =	vst v2  }
0x17e: {  	v60 =	vld [tilespmem:$0x10];
	v4 =	vsub.s32 v4, v0;
	v51 =	vshll.u32 v5, $0x2;
	v5 =	vor.u32 $0x3, v52;
	[tilespmem:$0x130] =	vst v3  }
0x17f: {  	v53 =	vsub.s32 v7, v0;
	v2 =	vmin.u32 v4, $0xC800;
	v3 =	vld [tilespmem:$0x140];
	[tilespmem:$0xA0] =	vst v5  }
0x180: {  	v55 =	vshll.u32 v8, $0x2;
	v6 =	vmin.u32 v53, $0xC800;
	[tilespmem:$0x150] =	vst v2;
	v2 =	vld [tilespmem:$0x60]  }
0x181: {  	v54 =	vld [tilespmem:$0x160];
	v9 =	vshll.u32 v9, $0x2;
	v7 =	vor.u32 $0x3, v55;
	[tilespmem:$0x110] =	vst v6  }
0x182: {  	v56 =	vld [tilespmem:$0x70];
	v58 =	vor.u32 $0x3, v9;
	[tilespmem:$0xB0] =	vst v7  }
0x183: {  	v57 =	vld [tilespmem:$0x120];
	v63 =	vshll.u32 v60, $0x2;
	v4 =	vor.u32 $0x3, v51;
	[tilespmem:$0x80] =	vst v58  }
0x184: {  	v59 =	vld [tilespmem:$0x170];
	[tilespmem:$0xD0] =	vst v4;
	v4 =	vor.u32 $0x3, v63;
	v3 =	vsub.s32 v3, v0  }
0x185: {  	v61 =	vld [tilespmem:$0x100];
	[tilespmem:$0x90] =	vst v4;
	v3 =	vmin.u32 v3, $0xC800;
	v2 =	vshll.u32 v2, $0x2  }
0x186: {  	[tilespmem:$0x140] =	vst v3;
	v2 =	vor.u32 $0x3, v2;
	v3 =	vsub.s32 v54, v0  }
0x187: {  	[tilespmem:$0xE0] =	vst v2;
	v2 =	vmin.u32 v3, $0xC800;
	v3 =	vshll.u32 v56, $0x2  }
0x188: {  	v62 =	vsub.s32 v57, v0;
	[tilespmem:$0x160] =	vst v2;
	v2 =	vor.u32 $0x3, v3  }
0x189: {  	v3 =	vmin.u32 v62, $0xC800;
	[tilespmem:$0xF0] =	vst v2;
	v2 =	vsub.s32 v59, v0  }
0x18a: {  	[tilespmem:$0x120] =	vst v3;
	v3 =	vsub.s32 v61, v0;
	v2 =	vmin.u32 v2, $0xC800  }
0x18b: {  	[tilespmem:$0x170] =	vst v2;
	v2 =	vmin.u32 v3, $0xC800  }
0x18c: {  	[tilespmem:$0x100] =	vst v2  }
0x18d: {  	[tilespmem:s17], [sflag:$0x1] =	stream.indirect.gather [hbm4b:s4+s16], $0x10, s16, s16, $0xb8;
	[tilespmem:$0xD988] =	vst v63  }
0x18e: {  	_ =	swait.ge [sflag:s14], $0x800  }
0x18f: {  	[sflag:s14] =	ssyncset.done $0x0  }
0x190: {  	[sflag:s14] =	ssyncadd.s32 $0xFFFFF800  }
0x191: {  	[spmem:s2] =	stream.indirect.scatter.add.f32 [tilespmem:s17], [sflag:$0x1], $0x10, s15, s16, $0xb8;
	[tilespmem:$0xD988] =	vst v63  }
0x192: {  	_ =	swait.ge [sflag:s14], $0x800  }
0x193: {  	[sflag:s14] =	ssyncset.done $0x0  }
0x194: {  	s18 =	sadd.s32 $0x1, s18;
	[sflag:s14] =	ssyncadd.s32 $0xFFFFF800  }
0x195: {  	p0 =	sne.s32 s18, s10;
	[bflag:$0x0] =	sbarrier.arrive $0xFFFF  }
0x196: {  	[hbm:s9], [sflag:s19] =	dma.local [spmem:s20], $0x1900  }
.Ltmp9:
0x197: {  	_ =	swait.ge [sflag:s14], $0x1900;
	(pc) =	sbr.rel @p0 .LBB2_1-.Ltmp9, $3  }
0x198: {  	[sflag:s14] =	ssyncset.done $0x0  }
0x199: {  	[sflag:s14] =	ssyncadd.s32 $0xFFFFE700  }
0x19a: {  	[bflag:$0x0] =	sbarrier.arrive $0xFFFF;
	_ =	sdelay $0x1  }
0x19b: {  	_ =	sfence.sel $0x180000  }
0x19c: {  	[bflag:$0x0] =	sbarrier.arrive $0xFFFF  }
0x19d: {  	p0 =	sne.s32 s1, $0x0;
	_ =	strace $0x9000004D  }
0x19e: {  	s0 =	sadd.s32 @!p0 $0x100000, s0;
	[bflag:$0x2] =	sbarrier.arrive $0xFFFF  }
0x19f: {  	[sflag:s0] =	ssyncadd.tile.s32 @!p0 $0x1;
	_ =	shalt  }
.Lfunc_end2:
_tile_overlayer_lowered:
.L_overlay_start_2:
0x1a0: {  	(tag) =	ssettag $0x2  }
0x1a1: {  	s0 =	rddreg [dreg:$0x0];
	s2 =	stileid.u32  }
0x1a2: {  	s1 =	rddreg [dreg:$0x1];
	p0 =	sne.s32 s2, $0x0  }
0x1a3: {  	s3 =	rddreg [dreg:$0x2];
	[bflag:$0x3] =	sbarrier.arrive $0xFFFF;
	s2 =	simm.s32 @!p0 $0x1C01  }
0x1a4: {  	[timem:s3], [sflag:s2] =	dma.local @!p0 [hbm:s0], s1  }
0x1a5: {  	s0 =	simm.s32 @!p0 $0x1  }
0x1a6: {  	_ =	swait.ge @!p0 [sflag:s0], s1  }
0x1a7: {  	s1 =	ssub.s32 @!p0 $0x0, s1;
	[sflag:s0] =	ssyncset.done @!p0 $0x0  }
0x1a8: {  	[sflag:s0] =	ssyncadd.s32 @!p0 s1  }
0x1a9: {  	[bflag:$0x3] =	sbarrier.arrive $0xFFFF  }
0x1aa: {  	_ =	shalt  }

// kernel: kernel.8.cloned.1.call-start
scs
__scs_entry_jumppad:
0x0: {  	(pc) =	sbr.rel $0x88, $3  }
0x1: {  	(tag) =	ssettag $0x0;
	lr =	simm.s32 $0x1  }
0x2: {  	[smem:$0x3F96] =	sst lr;
	_ =	strace $0xD0000000  }
0x3: {  	_ = 	snop  }
0x4: {  	_ = 	snop  }
0x5: {  	_ = 	snop  }
0x6: {  	_ = 	snop  }
0x7: {  	_ = 	snop  }
__scs_overlays_trampoline_lowered:
0x8: {  	[smem:$0x3FA5] =	sst s0  }
0x9: {  	[smem:$0x3FA6] =	sst s1  }
0xa: {  	[smem:$0x3FA7] =	sst s2  }
0xb: {  	[smem:$0x3FA8] =	sst s3  }
0xc: {  	[smem:$0x3FA9] =	sst s4  }
0xd: {  	[smem:$0x3FAA] =	sst s5  }
0xe: {  	[smem:$0x3FAB] =	sst s6  }
0xf: {  	[smem:$0x3FAC] =	sst s7  }
0x10: {  	[smem:$0x3FAD] =	sst s8  }
0x11: {  	[smem:$0x3FAE] =	sst s9;
	s0 =	simm.s32 @!p0 $0x0  }
0x12: {  	s1 =	sld [smem:$0x3F94];
	s0 =	simm.s32 @p0 $0x1  }
0x13: {  	[smem:$0x3FAF] =	sst s0;
	s0 =	simm.s32 @!p1 $0x0  }
0x14: {  	s2 =	sld [smem:$0x3F93];
	s0 =	simm.s32 @p1 $0x1  }
0x15: {  	[smem:$0x3FB0] =	sst s0;
	s0 =	simm.s32 @!p2 $0x0  }
0x16: {  	s3 =	sld [smem:$0x3FDB];
	s0 =	simm.s32 @p2 $0x1  }
0x17: {  	s4 =	simm.s32 $0x1BF5;
	[smem:$0x3FB2] =	sst s0  }
0x18: {  	s0 =	sld [smem:$0x3F95];
	_ =	swait.ge [sflag:s4], $0x0  }
0x19: {  	s7 =	sld [smem:$0x3F96]  }
0x1a: {  	s8 =	sadd.s32 $0xFFFFE003, lr  }
0x1b: {  	s9 =	sadd.s32 $0xFFFFFEF7, lr;
	s5 =	simm.s32 $0xFFFFFFFF;
	p2 =	slt.u32 s8, $0xFFFFF086  }
0x1c: {  	p1 =	slt.u32 s9, $0xF7A;
	s5 =	simm.s32 @!p2 $0x0  }
0x1d: {  	s5 =	simm.s32 @p1 $0x1;
	p0 =	seq.s32 s7, s2  }
0x1e: {  	s7 =	smul.u32 @!p0 $0xF7A, s2;
	p2 =	seq.s32 @!p0 s5, $0x0  }
0x1f: {  	s9 =	smul.u32 $0xF7A, s1;
	s8 =	simm.s32 @!p0 $0x1BF5;
	p2 =	por !p2, p0  }
0x20: {  	[sflag:s8] =	ssyncset.s32 @!p0 $0xFFFFF086;
	s6 =	sadd.s32 @!p0 s3, s7;
	s7 =	simm.s32 @!p0 $0x108  }
0x21: {  	s3 =	sadd.s32 s3, s9;
	s6 =	sadd.s32 @!p0 $0x88, s6;
	s7 =	simm.s32 @p2 $0x1082  }
0x22: {  	[simem:s7], [sflag:s8] =	dma.local @!p0 [hbm:s6], $0xF7A  }
0x23: {  	s9 =	sor.u32 $0xD0000000, s2;
	s6 =	simm.s32 $0x108;
	_ =	swait.ge @!p0 [sflag:s8], $0x0  }
0x24: {  	s3 =	sadd.s32 $0x88, s3;
	s6 =	simm.s32 @!p1 $0x1082;
	[sflag:s4] =	ssyncset.s32 $0xFFFFF086  }
0x25: {  	[simem:s6], [sflag:s4] =	dma.local [hbm:s3], $0xF7A  }
0x26: {  	[smem:$0x3F96] =	sst s1;
	(tag) =	ssettag s2;
	_ =	strace s9  }
0x27: {  	s1 =	sld [smem:$0x3FA6]  }
0x28: {  	s2 =	sld [smem:$0x3FA7]  }
0x29: {  	s4 =	sld [smem:$0x3FA9]  }
0x2a: {  	p0 =	seq.s32 s5, $0x0;
	s5 =	sld [smem:$0x3FAA]  }
0x2b: {  	s6 =	sld [smem:$0x3FAB]  }
0x2c: {  	s7 =	sld [smem:$0x3FAC]  }
0x2d: {  	s3 =	simm.s32 $0x108;
	s8 =	sld [smem:$0x3FAD]  }
0x2e: {  	s3 =	simm.s32 @!p0 $0x1082;
	s9 =	sld [smem:$0x3FAE]  }
0x2f: {  	lr =	sadd.s32 s0, s3;
	s0 =	sld [smem:$0x3FA5]  }
0x30: {  	s3 =	sld [smem:$0x3FA8]  }
0x31: {  	[smem:$0x3FB1] =	sst s10  }
0x32: {  	s10 =	sld [smem:$0x3FAF];
	_ =	sdelay $0x3  }
0x33: {  	p0 =	seq.s32 s10, $0x1;
	s10 =	sld [smem:$0x3FB1];
	_ =	sdelay $0x3  }
0x34: {  	[smem:$0x3FB1] =	sst s10  }
0x35: {  	s10 =	sld [smem:$0x3FB0];
	_ =	sdelay $0x3  }
0x36: {  	p1 =	seq.s32 s10, $0x1;
	s10 =	sld [smem:$0x3FB1];
	_ =	sdelay $0x3  }
0x37: {  	[smem:$0x3FB1] =	sst s10  }
0x38: {  	s10 =	sld [smem:$0x3FB2]  }
0x39: {  	_ = 	snop;
	(pc) =	sbr.ind lr, $3  }
0x3a: {  	_ = 	snop  }
0x3b: {  	_ = 	snop  }
0x3c: {  	p2 =	seq.s32 s10, $0x1;
	s10 =	sld [smem:$0x3FB1]  }
0x3d: {  	_ =	shalt  }
0x3e: {  	_ =	shalt  }
0x3f: {  	_ =	shalt  }
0x40: {  	_ =	shalt  }
0x41: {  	_ =	shalt  }
0x42: {  	_ =	shalt  }
0x43: {  	_ =	shalt  }
0x44: {  	_ =	shalt  }
0x45: {  	_ =	shalt  }
0x46: {  	_ =	shalt  }
0x47: {  	_ =	shalt  }
0x48: {  	_ =	shalt  }
0x49: {  	_ =	shalt  }
0x4a: {  	_ =	shalt  }
0x4b: {  	_ =	shalt  }
0x4c: {  	_ =	shalt  }
0x4d: {  	_ =	shalt  }
0x4e: {  	_ =	shalt  }
0x4f: {  	_ =	shalt  }
0x50: {  	_ =	shalt  }
0x51: {  	_ =	shalt  }
0x52: {  	_ =	shalt  }
0x53: {  	_ =	shalt  }
0x54: {  	_ =	shalt  }
0x55: {  	_ =	shalt  }
0x56: {  	_ =	shalt  }
0x57: {  	_ =	shalt  }
0x58: {  	_ =	shalt  }
0x59: {  	_ =	shalt  }
0x5a: {  	_ =	shalt  }
0x5b: {  	_ =	shalt  }
0x5c: {  	_ =	shalt  }
0x5d: {  	_ =	shalt  }
0x5e: {  	_ =	shalt  }
0x5f: {  	_ =	shalt  }
0x60: {  	_ =	shalt  }
0x61: {  	_ =	shalt  }
0x62: {  	_ =	shalt  }
0x63: {  	_ =	shalt  }
0x64: {  	_ =	shalt  }
0x65: {  	_ =	shalt  }
0x66: {  	_ =	shalt  }
0x67: {  	_ =	shalt  }
0x68: {  	_ =	shalt  }
0x69: {  	_ =	shalt  }
0x6a: {  	_ =	shalt  }
0x6b: {  	_ =	shalt  }
0x6c: {  	_ =	shalt  }
0x6d: {  	_ =	shalt  }
0x6e: {  	_ =	shalt  }
0x6f: {  	_ =	shalt  }
0x70: {  	_ =	shalt  }
0x71: {  	_ =	shalt  }
0x72: {  	_ =	shalt  }
0x73: {  	_ =	shalt  }
0x74: {  	_ =	shalt  }
0x75: {  	_ =	shalt  }
0x76: {  	_ =	shalt  }
0x77: {  	_ =	shalt  }
0x78: {  	_ =	shalt  }
0x79: {  	_ =	shalt  }
0x7a: {  	_ =	shalt  }
0x7b: {  	_ =	shalt  }
0x7c: {  	_ =	shalt  }
0x7d: {  	_ =	shalt  }
0x7e: {  	_ =	shalt  }
0x7f: {  	_ =	shalt  }
0x80: {  	_ =	shalt  }
0x81: {  	_ =	shalt  }
0x82: {  	_ =	shalt  }
0x83: {  	_ =	shalt  }
0x84: {  	_ =	shalt  }
0x85: {  	_ =	shalt  }
0x86: {  	_ =	shalt  }
0x87: {  	_ =	shalt  }
.Lfunc_end0:
.L_simem_size_0:
called_computation_lowered:
.L_overlay_start_0:
0x88: {  	s2 =	sld [smem:$0x3FD9]  }
0x89: {  	s3 =	sld [smem:$0x3FFE];
	_ =	sdelay $0x1  }
0x8a: {  	s1 =	srdreg.scid  }
0x8b: {  	s0 =	sand.u32 $0x1, s1  }
0x8c: {  	s16 =	sshll.u32 s0, $0xA;
	s2 =	sadd.s32 s3, s2  }
0x8d: {  	s2 =	sadd.s32 s2, s16  }
0x8e: {  	[smem:$0x3FBD] =	sst s2  }
0x8f: {  	_ = 	snop  }
0x90: {  	(tm) =	ssettm $0x1  }
0x91: {  	s17 =	sld [smem:$0x3FFB];
	_ =	sdelay $0x3  }
0x92: {  	_ =	strace s17  }
0x93: {  	s2 =	sld [smem:$0x3FFC];
	_ =	sdelay $0x3  }
0x94: {  	_ =	strace s2  }
0x95: {  	s2 =	sld [smem:$0x3FFD];
	_ =	sdelay $0x3  }
0x96: {  	_ =	strace s2  }
0x97: {  	_ =	strace $0x8FFFFFFF  }
0x98: {  	s18 =	sld [smem:$0x3FDB];
	_ =	sdelay $0x1  }
0x99: {  	s19 =	simm.s32 $_scs_section_size  }
0x9a: {  	s4 =	simm.s32 $_size__tile_overlayer_lowered;
	s5 =	simm.s32 $_tile_overlayer_lowered  }
0x9b: {  	s22 =	simm.s32 $0x1BFF;
	s21 =	sshll.u32 s5, $0x1;
	s2 =	sadd.s32 s19, s18  }
0x9c: {  	s6 =	simm.s32 $0x0;
	s20 =	sshll.u32 s4, $0x1;
	s4 =	sadd.s32 s21, s2  }
0x9d: {  	[timem:s6], [sflag:s22] =	dma.local [hbm:s4], s20  }
0x9e: {  	_ =	swait.ge [sflag:s22], s20  }
0x9f: {  	s3 =	ssub.s32 $0x0, s20;
	[sflag:s22] =	ssyncset.done $0x0  }
0xa0: {  	[sflag:s22] =	ssyncadd.s32 s3;
	_ =	sdelay $0x1  }
0xa1: {  	s23 =	simm.s32 $0x1B8B  }
0xa2: {  	_ =	swait.ge [sflag:s23], $0x1  }
0xa3: {  	[sflag:s23] =	ssyncset.done $0x0  }
0xa4: {  	s25 =	simm.s32 $0x1B8E;
	s24 =	sld [smem:$0x3FFE];
	[sflag:s23] =	ssyncadd.s32 $0xFFFFFFFF  }
0xa5: {  	s26 =	simm.s32 $execute0_lowered;
	[smem:$0x3FD2] =	sst s25  }
0xa6: {  	s4 =	sshll.u32 s26, $0x1;
	_ =	strace $0x80000046;
	[dreg:$0x1] =	wrdreg $0xFFFFFFFF  }
0xa7: {  	s28 =	simm.s32 $_size_execute0_lowered;
	s2 =	sadd.s32 s2, s4;
	[dreg:$0x0] =	wrdreg $0x0  }
0xa8: {  	s4 =	sshll.u32 s28, $0x1;
	[dreg:$0x2] =	wrdreg s2  }
0xa9: {  	[dreg:$0x3] =	wrdreg s4  }
0xaa: {  	[dreg:$0x4] =	wrdreg $0xC0  }
0xab: {  	_ =	task [dreg:s6], $0x5FFFF  }
0xac: {  	[dreg:$0x1] =	wrdreg $0xFFFFFFFF  }
0xad: {  	[dreg:$0x0] =	wrdreg $0x60  }
0xae: {  	[dreg:$0x2] =	wrdreg s24  }
0xaf: {  	[dreg:$0x3] =	wrdreg $0x11000  }
0xb0: {  	[dreg:$0x4] =	wrdreg $0x9  }
0xb1: {  	_ =	task.clear_ibuf [dreg:s6], $0x5FFFF;
	_ =	strace $0x90000046  }
0xb2: {  	s29 =	simm.s32 $0x9;
	_ =	strace $0x80000048  }
0xb3: {  	_ =	swait.ge [sflag:s29], $0x1  }
0xb4: {  	[sflag:s29] =	ssyncadd.s32 $0xFFFFFFFF  }
0xb5: {  	_ =	strace $0x90000048  }
0xb6: {  	_ =	sfence  }
0xb7: {  	s30 =	sld [smem:$0x0];
	_ =	sdelay $0x2  }
0xb8: {  	s31 =	sshll.u32 s1, $0xD;
	s1 =	sshrl.u32 s1, $0x2  }
0xb9: {  	s3 =	sand.u32 $0x4000, s31;
	s1 =	sadd.s32 s1, s30  }
0xba: {  	s0 =	sor.u32 s3, s0;
	s1 =	sshll.u32 s1, $0x11  }
0xbb: {  	s0 =	sor.u32 s1, s0  }
0xbc: {  	s0 =	sadd.s32 $0x8F2B, s0  }
0xbd: {  	[sflag:s0] =	ssyncadd.remote.s32 $0x1  }
0xbe: {  	_ =	sfence.sel $0xFFFF  }
0xbf: {  	[dreg:$0x0] =	wrdreg $0xFFFFFFFF;
	(pc) =	sbr.abs _section_cstart, $3  }
0xc0: {  	[dreg:$0x1] =	wrdreg $0xFFFFFFFF  }
0xc1: {  	_ =	task.clear_ibuf [dreg:s6], $0x2FFFF;
	_ =	strace $0x9FFFFFFF  }
0xc2: {  	(tm) =	ssettm $0x7FFFFFFF  }
0xc3: {  	_ =	shalt  }
tec
execute0_lowered:
.L_overlay_start_1:
0x0: {  	(tag) =	ssettag $0x1  }
0x1: {  	s4 =	rddreg [dreg:$0x0]  }
0x2: {  	s2 =	rddreg [dreg:$0x1]  }
0x3: {  	s0 =	rddreg [dreg:$0x2];
	s1 =	stileid.u32  }
0x4: {  	s5 =	srdreg.scid;
	s6 =	smul.u32 $0xC80, s1  }
0x5: {  	s3 =	simm.s32 $0x0;
	s10 =	simm.s32 $0x80;
	s7 =	smul.u32 $0x30E0, s1  }
0x6: {  	s11 =	simm.s32 $0x100;
	s5 =	sand.u32 $0x1, s5;
	s8 =	smul.u32 $0x32000, s1  }
0x7: {  	s14 =	simm.s32 $0x0;
	[smem:$0x7FF] =	sst s3;
	s12 =	smul.u32 $0xC800, s5  }
0x8: {  	s13 =	sshll.u32 s1, $0x6;
	_ =	strace $0x80000047;
	s5 =	ssub.s32 $0x2, s5  }
0x9: {  	s7 =	sadd.s32 s7, s4;
	s9 =	sshrl.u32 s5, $0x1;
	s6 =	sadd.s32 s6, s12  }
0xa: {  	s31 =	sshrl.u32 s8, $0x2;
	s8 =	simm.s32 $0x900;
	s6 =	sshll.u32 s6, $0x1  }
0xb: {  	s9 =	ssub.s32 s5, s9;
	s7 =	sadd.s32 $0x1E00, s7;
	s6 =	sadd.s32 s6, s4  }
0xc: {  	v0 =	vmov s12;
	s12 =	sor.u32 $0x1C01, s13;
	s4 =	sadd.s32 s31, s2;
	s5 =	sadd.s32 $0x32C00, s6  }
0xd: {  	v1 =	vimm.f32 $1.000000000e+00;
	v2 =	vimm.f32 $0.0e+00;
	s6 =	smax.u32 s9, $0x1;
	s9 =	simm.s32 $0x1;
	s13 =	sshrl.u32 s4, $0x3  }
.LBB2_1:
0xe: {  	s15 =	simm.s32 $0x0  }
.LBB2_2:
0xf: {  	p0 =	sne.s32 s15, $0x1FC0  }
.Ltmp0:
0x10: {  	_ = 	snop;
	(pc) =	sbr.rel @p0 .LBB2_2-.Ltmp0, $4  }
0x11: {  	_ = 	snop  }
0x12: {  	s16 =	sshra.s32 s15, $0x2  }
0x13: {  	[tilespmem:s16+$0x100] =	vst v1  }
0x14: {  	s15 =	sadd.s32 $0x40, s15;
	[tilespmem:s16+$0x900] =	vst v2  }
0x15: {  	s15 =	sadd.s32 $0x0, s4  }
0x16: {  	[spmem:s15] =	stream.linear.scatter [tilespmem:s8], [sflag:$0x1], $0x800, $0x38;
	[tilespmem:$0xD908] =	vst v63  }
0x17: {  	s15 =	simm.s32 $0x2000;
	_ =	swait.ge [sflag:s9], $0x800  }
.LBB2_4:
0x18: {  	s16 =	sshra.s32 s15, $0x2;
	[sflag:s9] =	ssyncset.done $0x0;
	p0 =	sne.s32 s15, $0x30000  }
.Ltmp1:
0x19: {  	s16 =	sadd.s32 s16, s4;
	[sflag:s9] =	ssyncadd.s32 $0xFFFFF800;
	(pc) =	sbr.rel @p0 .LBB2_4-.Ltmp1, $3  }
0x1a: {  	[spmem:s16] =	stream.linear.scatter [tilespmem:s8], [sflag:$0x1], $0x800, $0x38;
	[tilespmem:$0xD908] =	vst v63  }
0x1b: {  	s15 =	sadd.s32 $0x2000, s15;
	_ =	sdelay $0x1  }
0x1c: {  	_ =	swait.ge [sflag:s9], $0x800  }
0x1d: {  	[sflag:s9] =	ssyncset.done $0x0  }
0x1e: {  	[sflag:s9] =	ssyncadd.s32 $0xFFFFF800  }
0x1f: {  	s15 =	sadd.s32 $0x0, s7;
	[bflag:$0x0] =	sbarrier.arrive $0xFFFF  }
0x20: {  	[tilespmem:s3], [sflag:$0x1] =	stream.linear.gather [hbm4b:s15+s3], $0x80, $0x38;
	[tilespmem:$0xD908] =	vst v63  }
0x21: {  	_ =	swait.ge [sflag:s9], $0x80  }
0x22: {  	[sflag:s9] =	ssyncset.done $0x0  }
0x23: {  	[sflag:s9] =	ssyncadd.s32 $0xFFFFFF80  }
0x24: {  	v3 =	vld [tilespmem:$0x0]  }
0x25: {  	v4 =	vld [tilespmem:$0x30]  }
0x26: {  	v5 =	vld [tilespmem:$0x70]  }
0x27: {  	v6 =	vld [tilespmem:$0x60]  }
0x28: {  	v7 =	vld [tilespmem:$0x10]  }
0x29: {  	v8 =	vld [tilespmem:$0x50];
	v3 =	vsub.s32 v3, v0  }
0x2a: {  	v9 =	vld [tilespmem:$0x20];
	v4 =	vsub.s32 v4, v0;
	v3 =	vmin.u32 v3, $0xC800  }
0x2b: {  	v5 =	vsub.s32 v5, v0;
	[tilespmem:$0x80] =	vst v3;
	v3 =	vmin.u32 v4, $0xC800;
	v4 =	vld [tilespmem:$0x40]  }
0x2c: {  	v5 =	vmin.u32 v5, $0xC800;
	[tilespmem:$0xB0] =	vst v3;
	v3 =	vsub.s32 v6, v0  }
0x2d: {  	[tilespmem:$0xF0] =	vst v5;
	v6 =	vsub.s32 v7, v0;
	v3 =	vmin.u32 v3, $0xC800  }
0x2e: {  	v5 =	vmin.u32 v6, $0xC800;
	v6 =	vsub.s32 v8, v0;
	[tilespmem:$0xE0] =	vst v3  }
0x2f: {  	[tilespmem:$0x90] =	vst v5;
	v3 =	vsub.s32 v9, v0;
	v5 =	vmin.u32 v6, $0xC800  }
0x30: {  	s16 =	simm.s32 $0x10;
	s17 =	simm.s32 $0x30;
	s15 =	simm.s32 $0x20;
	v3 =	vmin.u32 v3, $0xC800;
	[tilespmem:$0xD0] =	vst v5;
	v4 =	vsub.s32 v4, v0  }
.LBB2_6:
0x31: {  	p0 =	sne.s32 s17, $0x30D0;
	[tilespmem:$0xA0] =	vst v3;
	v3 =	vmin.u32 v4, $0xC800;
	s18 =	smov.u32 s17;
	s17 =	sadd.s32 $0x10, s17  }
0x32: {  	[tilespmem:$0xC0] =	vst v3  }
0x33: {  	[spmem:s2] =	stream.indirect.scatter.add.f32 [tilespmem:s11], [sflag:$0x1], $0x10, s10, s10, $0xb8;
	[tilespmem:$0xD908] =	vst v63  }
0x34: {  	_ =	swait.ge [sflag:s9], $0x800  }
0x35: {  	[sflag:s9] =	ssyncset.done $0x0  }
0x36: {  	s19 =	sadd.s32 s16, s7;
	s16 =	smov.u32 s15;
	[sflag:s9] =	ssyncadd.s32 $0xFFFFF800  }
0x37: {  	[tilespmem:s3], [sflag:$0x1] =	stream.linear.gather [hbm4b:s19+s3], $0x80, $0x38;
	[tilespmem:$0xD908] =	vst v63  }
0x38: {  	s15 =	smov.u32 s18;
	_ =	swait.ge [sflag:s9], $0x80  }
0x39: {  	[sflag:s9] =	ssyncset.done $0x0  }
0x3a: {  	[sflag:s9] =	ssyncadd.s32 $0xFFFFFF80  }
0x3b: {  	v3 =	vld [tilespmem:$0x0]  }
0x3c: {  	v4 =	vld [tilespmem:$0x30]  }
0x3d: {  	v5 =	vld [tilespmem:$0x70]  }
0x3e: {  	v6 =	vld [tilespmem:$0x60]  }
0x3f: {  	v7 =	vld [tilespmem:$0x10]  }
0x40: {  	v3 =	vsub.s32 v3, v0;
	v8 =	vld [tilespmem:$0x50]  }
0x41: {  	v3 =	vmin.u32 v3, $0xC800;
	v9 =	vld [tilespmem:$0x20];
	v4 =	vsub.s32 v4, v0  }
0x42: {  	[tilespmem:$0x80] =	vst v3;
	v3 =	vmin.u32 v4, $0xC800;
	v4 =	vld [tilespmem:$0x40];
	v5 =	vsub.s32 v5, v0  }
.Ltmp2:
0x43: {  	[tilespmem:$0xB0] =	vst v3;
	v3 =	vsub.s32 v6, v0;
	v5 =	vmin.u32 v5, $0xC800;
	(pc) =	sbr.rel @p0 .LBB2_6-.Ltmp2, $4  }
0x44: {  	v6 =	vsub.s32 v7, v0;
	v3 =	vmin.u32 v3, $0xC800;
	[tilespmem:$0xF0] =	vst v5  }
0x45: {  	v5 =	vmin.u32 v6, $0xC800;
	v6 =	vsub.s32 v8, v0;
	[tilespmem:$0xE0] =	vst v3  }
0x46: {  	[tilespmem:$0x90] =	vst v5;
	v3 =	vsub.s32 v9, v0;
	v5 =	vmin.u32 v6, $0xC800  }
0x47: {  	v3 =	vmin.u32 v3, $0xC800;
	v4 =	vsub.s32 v4, v0;
	[tilespmem:$0xD0] =	vst v5  }
0x48: {  	[tilespmem:$0xA0] =	vst v3;
	v3 =	vmin.u32 v4, $0xC800  }
0x49: {  	[tilespmem:$0xC0] =	vst v3  }
0x4a: {  	[spmem:s2] =	stream.indirect.scatter.add.f32 [tilespmem:s11], [sflag:$0x1], $0x10, s10, s10, $0xb8;
	[tilespmem:$0xD908] =	vst v63  }
0x4b: {  	_ =	swait.ge [sflag:s9], $0x800  }
0x4c: {  	[sflag:s9] =	ssyncset.done $0x0  }
0x4d: {  	s16 =	sadd.s32 s16, s7;
	[sflag:s9] =	ssyncadd.s32 $0xFFFFF800  }
0x4e: {  	[tilespmem:s3], [sflag:$0x1] =	stream.linear.gather [hbm4b:s16+s3], $0x80, $0x38;
	[tilespmem:$0xD908] =	vst v63  }
0x4f: {  	_ =	swait.ge [sflag:s9], $0x80  }
0x50: {  	[sflag:s9] =	ssyncset.done $0x0  }
0x51: {  	[sflag:s9] =	ssyncadd.s32 $0xFFFFFF80  }
0x52: {  	v3 =	vld [tilespmem:$0x0]  }
0x53: {  	v5 =	vld [tilespmem:$0x70]  }
0x54: {  	v47 =	vld [tilespmem:$0x30]  }
0x55: {  	v7 =	vld [tilespmem:$0x10]  }
0x56: {  	v6 =	vld [tilespmem:$0x60]  }
0x57: {  	v8 =	vld [tilespmem:$0x50];
	v3 =	vsub.s32 v3, v0  }
0x58: {  	v9 =	vld [tilespmem:$0x20];
	v5 =	vsub.s32 v5, v0;
	v3 =	vmin.u32 v3, $0xC800  }
0x59: {  	v48 =	vld [tilespmem:$0x40];
	v4 =	vsub.s32 v47, v0;
	v5 =	vmin.u32 v5, $0xC800;
	[tilespmem:$0x80] =	vst v3  }
0x5a: {  	v49 =	vsub.s32 v7, v0;
	v3 =	vmin.u32 v4, $0xC800;
	[tilespmem:$0xF0] =	vst v5  }
0x5b: {  	v50 =	vmin.u32 v49, $0xC800;
	[tilespmem:$0xB0] =	vst v3;
	v3 =	vsub.s32 v6, v0  }
0x5c: {  	v51 =	vsub.s32 v8, v0;
	[tilespmem:$0x90] =	vst v50;
	v3 =	vmin.u32 v3, $0xC800  }
0x5d: {  	v52 =	vmin.u32 v51, $0xC800;
	[tilespmem:$0xE0] =	vst v3;
	v3 =	vsub.s32 v9, v0  }
0x5e: {  	v4 =	vsub.s32 v48, v0;
	[tilespmem:$0xD0] =	vst v52;
	v3 =	vmin.u32 v3, $0xC800  }
0x5f: {  	[tilespmem:$0xA0] =	vst v3;
	v3 =	vmin.u32 v4, $0xC800  }
0x60: {  	[tilespmem:$0xC0] =	vst v3  }
0x61: {  	[spmem:s2] =	stream.indirect.scatter.add.f32 [tilespmem:s11], [sflag:$0x1], $0x10, s10, s10, $0xb8;
	[tilespmem:$0xD908] =	vst v63  }
0x62: {  	_ =	swait.ge [sflag:s9], $0x800  }
0x63: {  	[sflag:s9] =	ssyncset.done $0x0  }
0x64: {  	s15 =	sadd.s32 s15, s7;
	[sflag:s9] =	ssyncadd.s32 $0xFFFFF800  }
0x65: {  	[tilespmem:s3], [sflag:$0x1] =	stream.linear.gather [hbm4b:s15+s3], $0x80, $0x38;
	[tilespmem:$0xD908] =	vst v63  }
0x66: {  	_ =	swait.ge [sflag:s9], $0x80  }
0x67: {  	[sflag:s9] =	ssyncset.done $0x0  }
0x68: {  	[sflag:s9] =	ssyncadd.s32 $0xFFFFFF80  }
0x69: {  	v3 =	vld [tilespmem:$0x0]  }
0x6a: {  	v54 =	vld [tilespmem:$0x70]  }
0x6b: {  	v53 =	vld [tilespmem:$0x30]  }
0x6c: {  	v56 =	vld [tilespmem:$0x10]  }
0x6d: {  	v55 =	vld [tilespmem:$0x60]  }
0x6e: {  	v57 =	vld [tilespmem:$0x50];
	v3 =	vsub.s32 v3, v0  }
0x6f: {  	v58 =	vld [tilespmem:$0x20];
	v5 =	vsub.s32 v54, v0;
	v3 =	vmin.u32 v3, $0xC800  }
0x70: {  	v59 =	vld [tilespmem:$0x40];
	v4 =	vsub.s32 v53, v0;
	v5 =	vmin.u32 v5, $0xC800;
	[tilespmem:$0x80] =	vst v3  }
0x71: {  	v60 =	vsub.s32 v56, v0;
	v3 =	vmin.u32 v4, $0xC800;
	[tilespmem:$0xF0] =	vst v5  }
0x72: {  	v61 =	vmin.u32 v60, $0xC800;
	[tilespmem:$0xB0] =	vst v3;
	v3 =	vsub.s32 v55, v0  }
0x73: {  	v62 =	vsub.s32 v57, v0;
	[tilespmem:$0x90] =	vst v61;
	v3 =	vmin.u32 v3, $0xC800  }
0x74: {  	v63 =	vmin.u32 v62, $0xC800;
	[tilespmem:$0xE0] =	vst v3;
	v3 =	vsub.s32 v58, v0  }
0x75: {  	v4 =	vsub.s32 v59, v0;
	[tilespmem:$0xD0] =	vst v63;
	v3 =	vmin.u32 v3, $0xC800  }
0x76: {  	[tilespmem:$0xA0] =	vst v3;
	v3 =	vmin.u32 v4, $0xC800  }
0x77: {  	[tilespmem:$0xC0] =	vst v3  }
0x78: {  	[spmem:s2] =	stream.indirect.scatter.add.f32 [tilespmem:s11], [sflag:$0x1], $0x10, s10, s10, $0xb8;
	[tilespmem:$0xD908] =	vst v63  }
0x79: {  	_ =	swait.ge [sflag:s9], $0x800  }
0x7a: {  	s14 =	sadd.s32 $0x1, s14;
	[sflag:s9] =	ssyncset.done $0x0  }
0x7b: {  	p0 =	sne.s32 s14, s6;
	[sflag:s9] =	ssyncadd.s32 $0xFFFFF800  }
.Ltmp3:
0x7c: {  	[bflag:$0x0] =	sbarrier.arrive $0xFFFF;
	(pc) =	sbr.rel @p0 .LBB2_1-.Ltmp3, $4  }
0x7d: {  	[hbm:s5], [sflag:s12] =	dma.local [spmem:s13], $0x1900  }
0x7e: {  	_ =	swait.ge [sflag:s9], $0x1900  }
0x7f: {  	[sflag:s9] =	ssyncset.done $0x0  }
0x80: {  	[sflag:s9] =	ssyncadd.s32 $0xFFFFE700  }
0x81: {  	_ =	sfence.sel $0x180000  }
0x82: {  	[bflag:$0x0] =	sbarrier.arrive $0xFFFF  }
0x83: {  	p0 =	sne.s32 s1, $0x0;
	_ =	strace $0x90000047  }
0x84: {  	s0 =	sadd.s32 @!p0 $0x100000, s0;
	[bflag:$0x2] =	sbarrier.arrive $0xFFFF  }
0x85: {  	[sflag:s0] =	ssyncadd.tile.s32 @!p0 $0x1;
	_ =	shalt  }
.Lfunc_end2:
_tile_overlayer_lowered:
.L_overlay_start_2:
0x86: {  	(tag) =	ssettag $0x2  }
0x87: {  	s0 =	rddreg [dreg:$0x0];
	s2 =	stileid.u32  }
0x88: {  	s1 =	rddreg [dreg:$0x1];
	p0 =	sne.s32 s2, $0x0  }
0x89: {  	s3 =	rddreg [dreg:$0x2];
	[bflag:$0x3] =	sbarrier.arrive $0xFFFF;
	s2 =	simm.s32 @!p0 $0x1C01  }
0x8a: {  	[timem:s3], [sflag:s2] =	dma.local @!p0 [hbm:s0], s1  }
0x8b: {  	s0 =	simm.s32 @!p0 $0x1  }
0x8c: {  	_ =	swait.ge @!p0 [sflag:s0], s1  }
0x8d: {  	s1 =	ssub.s32 @!p0 $0x0, s1;
	[sflag:s0] =	ssyncset.done @!p0 $0x0  }
0x8e: {  	[sflag:s0] =	ssyncadd.s32 @!p0 s1  }
0x8f: {  	[bflag:$0x3] =	sbarrier.arrive $0xFFFF  }
0x90: {  	_ =	shalt  }

</sc_bundles>
